<compile_context>
chip_gen: v7x
topology: tpu7x:2x2x1
jax: 0.10.2.dev20260603
libtpu: 0.0.44.dev20260713+nightly
codegen_flags: <defaults>
</compile_context>

<pallas_src>
import functools

import jax
import jax.numpy as jnp
from jax import lax
from jax.experimental import pallas as pl
from jax.experimental.pallas import tpu as pltpu
from jax.experimental.pallas import tpu_sc as plsc

N = 10000
E = 160000
ND = 128
ED = 16
H = 128

NC = 2
NS = 16
NW = NC * NS
CH = 128
NCHUNK = E // CH
NPW = (NCHUNK + NW - 1) // NW


def _sc_mesh():
    return plsc.VectorSubcoreMesh(
        core_axis_name="c", subcore_axis_name="s", num_cores=NC, num_subcores=NS
    )


def _sc_gather(h, src, dst):

    @functools.partial(
        pl.kernel,
        out_type=(
            jax.ShapeDtypeStruct((E, H), jnp.float32),
            jax.ShapeDtypeStruct((E, H), jnp.float32),
        ),
        mesh=_sc_mesh(),
        scratch_types=[
            pltpu.VMEM((CH,), jnp.int32),
            pltpu.VMEM((CH,), jnp.int32),
            pltpu.VMEM((CH, H), jnp.float32),
            pltpu.VMEM((CH, H), jnp.float32),
            pltpu.SemaphoreType.DMA,
            pltpu.SemaphoreType.DMA,
        ],
    )
    def k(h_hbm, src_hbm, dst_hbm, xj_hbm, xi_hbm, sidx, didx, jrows, irows, sem_j, sem_i):
        wid = lax.axis_index("s") * NC + lax.axis_index("c")

        def body(t, carry):
            chunk = t * NW + wid

            @pl.when(chunk < NCHUNK)
            def _():
                base = chunk * CH
                pltpu.sync_copy(src_hbm.at[pl.ds(base, CH)], sidx)
                pltpu.sync_copy(dst_hbm.at[pl.ds(base, CH)], didx)
                cj = pltpu.async_copy(h_hbm.at[sidx], jrows, sem_j)
                ci = pltpu.async_copy(h_hbm.at[didx], irows, sem_i)
                cj.wait()
                ci.wait()
                pltpu.sync_copy(jrows, xj_hbm.at[pl.ds(base, CH)])
                pltpu.sync_copy(irows, xi_hbm.at[pl.ds(base, CH)])

            return carry

        lax.fori_loop(0, NPW, body, 0)

    return k(h, src, dst)


def _sc_scatter(m2, dst, zeros_nh):

    @functools.partial(
        pl.kernel,
        out_type=jax.ShapeDtypeStruct((NC, N, H), jnp.float32),
        mesh=_sc_mesh(),
        scratch_types=[
            pltpu.VMEM((CH,), jnp.int32),
            pltpu.VMEM((CH, H), jnp.float32),
            pltpu.VMEM_SHARED((N, H), jnp.float32),
        ],
    )
    def k(m2_hbm, dst_hbm, z_hbm, out_hbm, idx, rows, acc):
        cid = lax.axis_index("c")
        sid = lax.axis_index("s")
        wid = sid * NC + cid
        CZ = 400
        NZ = N // CZ

        for q in range((NZ + NS - 1) // NS):
            zc = q * NS + sid

            @pl.when(zc < NZ)
            def _():
                pltpu.sync_copy(
                    z_hbm.at[pl.ds(zc * CZ, CZ)],
                    acc.at[pl.ds(zc * CZ, CZ)],
                )

        plsc.subcore_barrier()

        def body(t, carry):
            chunk = t * NW + wid

            @pl.when(chunk < NCHUNK)
            def _():
                base = chunk * CH
                pltpu.sync_copy(dst_hbm.at[pl.ds(base, CH)], idx)
                pltpu.sync_copy(m2_hbm.at[pl.ds(base, CH)], rows)
                pltpu.sync_copy(rows, acc.at[idx], add=True)

            return carry

        lax.fori_loop(0, NPW, body, 0)
        plsc.subcore_barrier()
        for q in range((NZ + NS - 1) // NS):
            zc = q * NS + sid

            @pl.when(zc < NZ)
            def _():
                pltpu.sync_copy(
                    acc.at[pl.ds(zc * CZ, CZ)],
                    out_hbm.at[cid, pl.ds(zc * CZ, CZ)],
                )

    return k(m2, dst, zeros_nh)


def _tc_embed(x, We, b, s, t):
    BN_ = 1000

    def body(x_ref, w_ref, b_ref, s_ref, t_ref, o_ref):
        z = jnp.dot(x_ref[...], w_ref[...], preferred_element_type=jnp.float32)
        z = (z + b_ref[...]) * s_ref[...] + t_ref[...]
        o_ref[...] = jnp.maximum(z, 0.0)

    return pl.pallas_call(
        body,
        grid=(N // BN_,),
        in_specs=[
            pl.BlockSpec((BN_, ND), lambda i: (i, 0)),
            pl.BlockSpec((ND, H), lambda i: (0, 0)),
            pl.BlockSpec((1, H), lambda i: (0, 0)),
            pl.BlockSpec((1, H), lambda i: (0, 0)),
            pl.BlockSpec((1, H), lambda i: (0, 0)),
        ],
        out_specs=pl.BlockSpec((BN_, H), lambda i: (i, 0)),
        out_shape=jax.ShapeDtypeStruct((N, H), jnp.float32),
    )(x, We, b.reshape(1, H), s.reshape(1, H), t.reshape(1, H))


def _tc_edge(xi, xj, ea, W1i, W1j, W1e, b1, s1, t1, W2, b2):
    BE = 2000
    H2 = 2 * H

    def body(xi_ref, xj_ref, ea_ref, wi_ref, wj_ref, we_ref, b1_ref, s1_ref,
             t1_ref, w2_ref, b2_ref, o_ref):
        pre = jnp.dot(xi_ref[...], wi_ref[...], preferred_element_type=jnp.float32)
        pre += jnp.dot(xj_ref[...], wj_ref[...], preferred_element_type=jnp.float32)
        pre += jnp.dot(ea_ref[...], we_ref[...], preferred_element_type=jnp.float32)
        pre = (pre + b1_ref[...]) * s1_ref[...] + t1_ref[...]
        m = jnp.maximum(pre, 0.0)
        o_ref[...] = (
            jnp.dot(m, w2_ref[...], preferred_element_type=jnp.float32) + b2_ref[...]
        )

    return pl.pallas_call(
        body,
        grid=(E // BE,),
        in_specs=[
            pl.BlockSpec((BE, H), lambda i: (i, 0)),
            pl.BlockSpec((BE, H), lambda i: (i, 0)),
            pl.BlockSpec((BE, ED), lambda i: (i, 0)),
            pl.BlockSpec((H, H2), lambda i: (0, 0)),
            pl.BlockSpec((H, H2), lambda i: (0, 0)),
            pl.BlockSpec((ED, H2), lambda i: (0, 0)),
            pl.BlockSpec((1, H2), lambda i: (0, 0)),
            pl.BlockSpec((1, H2), lambda i: (0, 0)),
            pl.BlockSpec((1, H2), lambda i: (0, 0)),
            pl.BlockSpec((H2, H), lambda i: (0, 0)),
            pl.BlockSpec((1, H), lambda i: (0, 0)),
        ],
        out_specs=pl.BlockSpec((BE, H), lambda i: (i, 0)),
        out_shape=jax.ShapeDtypeStruct((E, H), jnp.float32),
    )(
        xi, xj, ea, W1i, W1j, W1e,
        b1.reshape(1, H2), s1.reshape(1, H2), t1.reshape(1, H2),
        W2, b2.reshape(1, H),
    )


def _tc_update(h, p0, p1, W1ij, b1, s1, t1, W2, b2, Wuh, Wua, bu, su, tu, lng, lnb):
    BN_ = 1000
    H2 = 2 * H

    def body(h_ref, p0_ref, p1_ref, wij_ref, b1_ref, s1_ref, t1_ref, w2_ref,
             b2_ref, wuh_ref, wua_ref, bu_ref, su_ref, tu_ref, g_ref, bb_ref,
             o_ref):
        hb = h_ref[...]
        pre = jnp.dot(hb, wij_ref[...], preferred_element_type=jnp.float32)
        pre = (pre + b1_ref[...]) * s1_ref[...] + t1_ref[...]
        mself = jnp.maximum(pre, 0.0)
        m2self = (
            jnp.dot(mself, w2_ref[...], preferred_element_type=jnp.float32)
            + b2_ref[...]
        )
        agg = p0_ref[...] + p1_ref[...] + m2self
        u = jnp.dot(hb, wuh_ref[...], preferred_element_type=jnp.float32)
        u += jnp.dot(agg, wua_ref[...], preferred_element_type=jnp.float32)
        u = (u + bu_ref[...]) * su_ref[...] + tu_ref[...]
        u = jnp.maximum(u, 0.0)
        mu = jnp.mean(u, axis=-1, keepdims=True)
        var = jnp.mean((u - mu) ** 2, axis=-1, keepdims=True)
        out = (u - mu) / jnp.sqrt(var + 1e-5) * g_ref[...] + bb_ref[...]
        o_ref[...] = hb + out

    return pl.pallas_call(
        body,
        grid=(N // BN_,),
        in_specs=[
            pl.BlockSpec((BN_, H), lambda i: (i, 0)),
            pl.BlockSpec((BN_, H), lambda i: (i, 0)),
            pl.BlockSpec((BN_, H), lambda i: (i, 0)),
            pl.BlockSpec((H, H2), lambda i: (0, 0)),
            pl.BlockSpec((1, H2), lambda i: (0, 0)),
            pl.BlockSpec((1, H2), lambda i: (0, 0)),
            pl.BlockSpec((1, H2), lambda i: (0, 0)),
            pl.BlockSpec((H2, H), lambda i: (0, 0)),
            pl.BlockSpec((1, H), lambda i: (0, 0)),
            pl.BlockSpec((H, H), lambda i: (0, 0)),
            pl.BlockSpec((H, H), lambda i: (0, 0)),
            pl.BlockSpec((1, H), lambda i: (0, 0)),
            pl.BlockSpec((1, H), lambda i: (0, 0)),
            pl.BlockSpec((1, H), lambda i: (0, 0)),
            pl.BlockSpec((1, H), lambda i: (0, 0)),
            pl.BlockSpec((1, H), lambda i: (0, 0)),
        ],
        out_specs=pl.BlockSpec((BN_, H), lambda i: (i, 0)),
        out_shape=jax.ShapeDtypeStruct((N, H), jnp.float32),
    )(
        h, p0, p1, W1ij,
        b1.reshape(1, H2), s1.reshape(1, H2), t1.reshape(1, H2),
        W2, b2.reshape(1, H), Wuh, Wua,
        bu.reshape(1, H), su.reshape(1, H), tu.reshape(1, H),
        lng.reshape(1, H), lnb.reshape(1, H),
    )


def kernel(x, edge_index, edge_attr, We, be, emb_g, emb_b, W1, b1, g1, bb1,
           W2, b2, Wu, bu, gu, bbu, ln_g, ln_b):
    inv = jnp.float32(1.0) / jnp.sqrt(jnp.float32(1.0 + 1e-5))
    src = edge_index[0]
    dst = edge_index[1]
    h = _tc_embed(x, We, be, emb_g * inv, emb_b)
    zeros_nh = jnp.zeros((N, H), jnp.float32)
    for l in range(W1.shape[0]):
        W1l = W1[l]
        W1i = W1l[:H]
        W1j = W1l[H:2 * H]
        W1e = W1l[2 * H:]
        s1 = g1[l] * inv
        xj, xi = _sc_gather(h, src, dst)
        m2 = _tc_edge(xi, xj, edge_attr, W1i, W1j, W1e, b1[l], s1, bb1[l],
                      W2[l], b2[l])
        parts = _sc_scatter(m2, dst, zeros_nh)
        h = _tc_update(h, parts[0], parts[1], W1i + W1j, b1[l], s1, bb1[l],
                       W2[l], b2[l], Wu[l][:H], Wu[l][H:], bu[l], gu[l] * inv,
                       bbu[l], ln_g[l], ln_b[l])
    return h

# --- scband reference (transcript-rebuilt; emitter-appended) ---
"""Pipeline reference for scband-sagnnbackbone-75849122447746 (READ-ONLY COPY).

The authoritative reference and input builder live on the scoring server;
editing this copy changes nothing except your own understanding.
"""

import jax, jax.numpy as jnp
import numpy as np

N = 10000
E = 160000
ND = 128
ED = 16
H = 128
L = 3

def bn_eval(x, g, b):
    # BatchNorm1d in eval mode with running_mean=0, running_var=1
    return x * (g / jnp.sqrt(1.0 + 1e-5)) + b

def layer_norm(x, g, b):
    mu = jnp.mean(x, axis=-1, keepdims=True)
    var = jnp.mean((x - mu) ** 2, axis=-1, keepdims=True)
    return (x - mu) / jnp.sqrt(var + 1e-5) * g + b

def setup_inputs(seed: int = 0):
    key = jax.random.key(seed)
    ks = jax.random.split(key, 12)
    x = jax.random.normal(ks[0], (N, ND), dtype=jnp.float32)
    edge_index = jax.random.randint(ks[1], (2, E), 0, N, dtype=jnp.int32)
    edge_attr = jax.random.normal(ks[2], (E, ED), dtype=jnp.float32)
    We = jax.random.normal(ks[3], (ND, H), dtype=jnp.float32) / np.sqrt(ND)
    be = jnp.zeros((H,), jnp.float32)
    emb_g = jnp.ones((H,), jnp.float32)
    emb_b = jnp.zeros((H,), jnp.float32)
    W1 = jax.random.normal(ks[4], (L, 2 * H + ED, 2 * H), dtype=jnp.float32) / np.sqrt(2 * H + ED)
    b1 = jnp.zeros((L, 2 * H), jnp.float32)
    g1 = jnp.ones((L, 2 * H), jnp.float32)
    bb1 = jnp.zeros((L, 2 * H), jnp.float32)
    W2 = jax.random.normal(ks[5], (L, 2 * H, H), dtype=jnp.float32) / np.sqrt(2 * H)
    b2 = jnp.zeros((L, H), jnp.float32)
    Wu = jax.random.normal(ks[6], (L, 2 * H, H), dtype=jnp.float32) / np.sqrt(2 * H)
    bu = jnp.zeros((L, H), jnp.float32)
    gu = jnp.ones((L, H), jnp.float32)
    bbu = jnp.zeros((L, H), jnp.float32)
    ln_g = jnp.ones((L, H), jnp.float32)
    ln_b = jnp.zeros((L, H), jnp.float32)
    return {"x": x, "edge_index": edge_index, "edge_attr": edge_attr, "We": We, "be": be, "emb_g": emb_g, "emb_b": emb_b, "W1": W1, "b1": b1, "g1": g1, "bb1": bb1, "W2": W2, "b2": b2, "Wu": Wu, "bu": bu, "gu": gu, "bbu": bbu, "ln_g": ln_g, "ln_b": ln_b}

def reference(x, edge_index, edge_attr, We, be, emb_g, emb_b, W1, b1, g1, bb1, W2, b2, Wu, bu, gu, bbu, ln_g, ln_b):
    h = jax.nn.relu(bn_eval(x @ We + be, emb_g, emb_b))
    src = edge_index[0]
    dst = edge_index[1]
    self_idx = jnp.arange(N, dtype=edge_index.dtype)
    src_sl = jnp.concatenate([src, self_idx])
    dst_sl = jnp.concatenate([dst, self_idx])
    ea_sl = jnp.concatenate([edge_attr, jnp.zeros((N, ED), edge_attr.dtype)], axis=0)
    for l in range(L):
        x_i = h[dst_sl]
        x_j = h[src_sl]
        m = jnp.concatenate([x_i, x_j, ea_sl], axis=-1)
        m = jax.nn.relu(bn_eval(m @ W1[l] + b1[l], g1[l], bb1[l]))
        m = m @ W2[l] + b2[l]
        agg = jax.ops.segment_sum(m, dst_sl, num_segments=N)
        out = jax.nn.relu(bn_eval(jnp.concatenate([h, agg], axis=1) @ Wu[l] + bu[l], gu[l], bbu[l]))
        out = layer_norm(out, ln_g[l], ln_b[l])
        h = h + out
    return h

if __name__ == "__main__":
    import jax
    _d = setup_inputs()
    print(jax.jit(kernel)(*tuple(_d.values())))

</pallas_src>

<mosaic_0001>
#map = affine_map<(d0, d1) -> (0, 0)>
#map1 = affine_map<(d0, d1) -> (0)>
module attributes {stable_mosaic.version = 14 : i64} {
  func.func @k(%arg0: i32, %arg1: i32, %arg2: memref<10000x128xf32, #tpu.memory_space<hbm>>, %arg3: memref<160000xi32, #tpu.memory_space<hbm>>, %arg4: memref<160000xi32, #tpu.memory_space<hbm>>, %arg5: memref<160000x128xf32, #tpu.memory_space<hbm>>, %arg6: memref<160000x128xf32, #tpu.memory_space<hbm>>, %arg7: memref<128xi32, #tpu.memory_space<vmem>>, %arg8: memref<128xi32, #tpu.memory_space<vmem>>, %arg9: memref<128x128xf32, #tpu.memory_space<vmem>>, %arg10: memref<128x128xf32, #tpu.memory_space<vmem>>, %arg11: memref<!tpu.dma_semaphore, #tpu.memory_space<semaphore_mem>>, %arg12: memref<!tpu.dma_semaphore, #tpu.memory_space<semaphore_mem>>) attributes {dimension_semantics = [#tpu.dimension_semantics<core_parallel>, #tpu.dimension_semantics<subcore_parallel>], iteration_bounds = array<i64: 2, 16>, scalar_prefetch = 0 : i64, scratch_operands = 6 : i64, tpu.core_type = #tpu.core_type<sc_vector_subcore>, window_params = [{transform_indices = #map}, {transform_indices = #map1}, {transform_indices = #map1}, {transform_indices = #map}, {transform_indices = #map}]} {
    %mul3A = arith.constant 2 : i32
    %mul3A_0 = arith.muli %arg1, %mul3A : i32
    %add3A = arith.addi %mul3A_0, %arg0 : i32
    %scan3A = arith.constant 0 : i32
    %scan3A_1 = arith.constant 0 : i32
    %scan3A_2 = arith.constant 40 : i32
    %scan3A_3 = arith.addi %scan3A_1, %scan3A_2 : i32
    %scan3A_4 = arith.constant 1 : i32
    scf.for %scan3A_6 = %scan3A_1 to %scan3A_3 step %scan3A_4  : i32 {
      %mul3A_7 = arith.constant 32 : i32
      %mul3A_8 = arith.muli %scan3A_6, %mul3A_7 : i32
      %add3A_9 = arith.addi %mul3A_8, %add3A : i32
      %lt3A = arith.constant 1250 : i32
      %lt3A_10 = arith.cmpi slt, %add3A_9, %lt3A : i32
      %convert_element_type3A = arith.extui %lt3A_10 : i1 to i32
      %cond3A = arith.constant 0 : i32
      %cond3A_11 = arith.cmpi ne, %convert_element_type3A, %cond3A : i32
      scf.if %cond3A_11 {
        %mul3A_12 = arith.constant 128 : i32
        %mul3A_13 = arith.muli %add3A_9, %mul3A_12 : i32
        "tpu.region"() ({
          %run_scoped3A = tpu.sem_alloc : memref<!tpu.dma_semaphore, #tpu.memory_space<semaphore_mem>>
          %dma_start3A_24 = tpu.memref_slice %arg3[%mul3A_13] : memref<160000xi32, #tpu.memory_space<hbm>> -> memref<128xi32, #tpu.memory_space<hbm>>
          %dma_start3A_25 = tpu.memref_slice %arg3[%mul3A_13] : memref<160000xi32, #tpu.memory_space<hbm>> -> memref<128xi32, #tpu.memory_space<hbm>>
          tpu.enqueue_dma source(%dma_start3A_25 : memref<128xi32, #tpu.memory_space<hbm>>) target(%arg7 : memref<128xi32, #tpu.memory_space<vmem>>) target_semaphore(%run_scoped3A : memref<!tpu.dma_semaphore, #tpu.memory_space<semaphore_mem>>)
          %dma_wait3A_26 = tpu.memref_slice %arg3[%mul3A_13] : memref<160000xi32, #tpu.memory_space<hbm>> -> memref<128xi32, #tpu.memory_space<hbm>>
          %dma_wait3A_27 = tpu.memref_slice %arg3[%mul3A_13] : memref<160000xi32, #tpu.memory_space<hbm>> -> memref<128xi32, #tpu.memory_space<hbm>>
          tpu.wait_dma2 semaphore(%run_scoped3A : memref<!tpu.dma_semaphore, #tpu.memory_space<semaphore_mem>>) src(%dma_wait3A_27 : memref<128xi32, #tpu.memory_space<hbm>>) dst(%arg7 : memref<128xi32, #tpu.memory_space<vmem>>)
          tpu.yield
        }) : () -> ()
        "tpu.region"() ({
          %run_scoped3A = tpu.sem_alloc : memref<!tpu.dma_semaphore, #tpu.memory_space<semaphore_mem>>
          %dma_start3A_24 = tpu.memref_slice %arg4[%mul3A_13] : memref<160000xi32, #tpu.memory_space<hbm>> -> memref<128xi32, #tpu.memory_space<hbm>>
          %dma_start3A_25 = tpu.memref_slice %arg4[%mul3A_13] : memref<160000xi32, #tpu.memory_space<hbm>> -> memref<128xi32, #tpu.memory_space<hbm>>
          tpu.enqueue_dma source(%dma_start3A_25 : memref<128xi32, #tpu.memory_space<hbm>>) target(%arg8 : memref<128xi32, #tpu.memory_space<vmem>>) target_semaphore(%run_scoped3A : memref<!tpu.dma_semaphore, #tpu.memory_space<semaphore_mem>>)
          %dma_wait3A_26 = tpu.memref_slice %arg4[%mul3A_13] : memref<160000xi32, #tpu.memory_space<hbm>> -> memref<128xi32, #tpu.memory_space<hbm>>
          %dma_wait3A_27 = tpu.memref_slice %arg4[%mul3A_13] : memref<160000xi32, #tpu.memory_space<hbm>> -> memref<128xi32, #tpu.memory_space<hbm>>
          tpu.wait_dma2 semaphore(%run_scoped3A : memref<!tpu.dma_semaphore, #tpu.memory_space<semaphore_mem>>) src(%dma_wait3A_27 : memref<128xi32, #tpu.memory_space<hbm>>) dst(%arg8 : memref<128xi32, #tpu.memory_space<vmem>>)
          tpu.yield
        }) : () -> ()
        %dma_start3A = arith.constant 0 : i32
        %dma_start3A_14 = arith.constant 0 : i32
        %dma_start3A_15 = tpu.memref_slice %arg2[%dma_start3A, %dma_start3A_14] : memref<10000x128xf32, #tpu.memory_space<hbm>> -> memref<10000x128xf32, #tpu.memory_space<hbm>>
        tpu.enqueue_indirect_dma source(%dma_start3A_15 : memref<10000x128xf32, #tpu.memory_space<hbm>>) target(%arg9 : memref<128x128xf32, #tpu.memory_space<vmem>>) offsets(%arg7 : memref<128xi32, #tpu.memory_space<vmem>>) semaphore(%arg11 : memref<!tpu.dma_semaphore, #tpu.memory_space<semaphore_mem>>)
        %dma_start3A_16 = arith.constant 0 : i32
        %dma_start3A_17 = arith.constant 0 : i32
        %dma_start3A_18 = tpu.memref_slice %arg2[%dma_start3A_16, %dma_start3A_17] : memref<10000x128xf32, #tpu.memory_space<hbm>> -> memref<10000x128xf32, #tpu.memory_space<hbm>>
        tpu.enqueue_indirect_dma source(%dma_start3A_18 : memref<10000x128xf32, #tpu.memory_space<hbm>>) target(%arg10 : memref<128x128xf32, #tpu.memory_space<vmem>>) offsets(%arg8 : memref<128xi32, #tpu.memory_space<vmem>>) semaphore(%arg12 : memref<!tpu.dma_semaphore, #tpu.memory_space<semaphore_mem>>)
        %dma_wait3A = arith.constant 0 : i32
        %dma_wait3A_19 = arith.constant 0 : i32
        %dma_wait3A_20 = tpu.memref_slice %arg2[%dma_wait3A, %dma_wait3A_19] : memref<10000x128xf32, #tpu.memory_space<hbm>> -> memref<10000x128xf32, #tpu.memory_space<hbm>>
        tpu.wait_indirect_dma semaphore(%arg11 : memref<!tpu.dma_semaphore, #tpu.memory_space<semaphore_mem>>) src(%dma_wait3A_20 : memref<10000x128xf32, #tpu.memory_space<hbm>>) dst(%arg9 : memref<128x128xf32, #tpu.memory_space<vmem>>)
        %dma_wait3A_21 = arith.constant 0 : i32
        %dma_wait3A_22 = arith.constant 0 : i32
        %dma_wait3A_23 = tpu.memref_slice %arg2[%dma_wait3A_21, %dma_wait3A_22] : memref<10000x128xf32, #tpu.memory_space<hbm>> -> memref<10000x128xf32, #tpu.memory_space<hbm>>
        tpu.wait_indirect_dma semaphore(%arg12 : memref<!tpu.dma_semaphore, #tpu.memory_space<semaphore_mem>>) src(%dma_wait3A_23 : memref<10000x128xf32, #tpu.memory_space<hbm>>) dst(%arg10 : memref<128x128xf32, #tpu.memory_space<vmem>>)
        "tpu.region"() ({
          %run_scoped3A = tpu.sem_alloc : memref<!tpu.dma_semaphore, #tpu.memory_space<semaphore_mem>>
          %dma_start3A_24 = arith.constant 0 : i32
          %dma_start3A_25 = tpu.memref_slice %arg5[%mul3A_13, %dma_start3A_24] : memref<160000x128xf32, #tpu.memory_space<hbm>> -> memref<128x128xf32, #tpu.memory_space<hbm>>
          %dma_start3A_26 = arith.constant 0 : i32
          %dma_start3A_27 = tpu.memref_slice %arg5[%mul3A_13, %dma_start3A_26] : memref<160000x128xf32, #tpu.memory_space<hbm>> -> memref<128x128xf32, #tpu.memory_space<hbm>>
          tpu.enqueue_dma source(%arg9 : memref<128x128xf32, #tpu.memory_space<vmem>>) target(%dma_start3A_27 : memref<128x128xf32, #tpu.memory_space<hbm>>) target_semaphore(%run_scoped3A : memref<!tpu.dma_semaphore, #tpu.memory_space<semaphore_mem>>)
          %dma_wait3A_28 = arith.constant 0 : i32
          %dma_wait3A_29 = tpu.memref_slice %arg5[%mul3A_13, %dma_wait3A_28] : memref<160000x128xf32, #tpu.memory_space<hbm>> -> memref<128x128xf32, #tpu.memory_space<hbm>>
          %dma_wait3A_30 = arith.constant 0 : i32
          %dma_wait3A_31 = tpu.memref_slice %arg5[%mul3A_13, %dma_wait3A_30] : memref<160000x128xf32, #tpu.memory_space<hbm>> -> memref<128x128xf32, #tpu.memory_space<hbm>>
          tpu.wait_dma2 semaphore(%run_scoped3A : memref<!tpu.dma_semaphore, #tpu.memory_space<semaphore_mem>>) src(%arg9 : memref<128x128xf32, #tpu.memory_space<vmem>>) dst(%dma_wait3A_31 : memref<128x128xf32, #tpu.memory_space<hbm>>)
          tpu.yield
        }) : () -> ()
        "tpu.region"() ({
          %run_scoped3A = tpu.sem_alloc : memref<!tpu.dma_semaphore, #tpu.memory_space<semaphore_mem>>
          %dma_start3A_24 = arith.constant 0 : i32
          %dma_start3A_25 = tpu.memref_slice %arg6[%mul3A_13, %dma_start3A_24] : memref<160000x128xf32, #tpu.memory_space<hbm>> -> memref<128x128xf32, #tpu.memory_space<hbm>>
          %dma_start3A_26 = arith.constant 0 : i32
          %dma_start3A_27 = tpu.memref_slice %arg6[%mul3A_13, %dma_start3A_26] : memref<160000x128xf32, #tpu.memory_space<hbm>> -> memref<128x128xf32, #tpu.memory_space<hbm>>
          tpu.enqueue_dma source(%arg10 : memref<128x128xf32, #tpu.memory_space<vmem>>) target(%dma_start3A_27 : memref<128x128xf32, #tpu.memory_space<hbm>>) target_semaphore(%run_scoped3A : memref<!tpu.dma_semaphore, #tpu.memory_space<semaphore_mem>>)
          %dma_wait3A_28 = arith.constant 0 : i32
          %dma_wait3A_29 = tpu.memref_slice %arg6[%mul3A_13, %dma_wait3A_28] : memref<160000x128xf32, #tpu.memory_space<hbm>> -> memref<128x128xf32, #tpu.memory_space<hbm>>
          %dma_wait3A_30 = arith.constant 0 : i32
          %dma_wait3A_31 = tpu.memref_slice %arg6[%mul3A_13, %dma_wait3A_30] : memref<160000x128xf32, #tpu.memory_space<hbm>> -> memref<128x128xf32, #tpu.memory_space<hbm>>
          tpu.wait_dma2 semaphore(%run_scoped3A : memref<!tpu.dma_semaphore, #tpu.memory_space<semaphore_mem>>) src(%arg10 : memref<128x128xf32, #tpu.memory_space<vmem>>) dst(%dma_wait3A_31 : memref<128x128xf32, #tpu.memory_space<hbm>>)
          tpu.yield
        }) : () -> ()
      } else {
      }
    }
    %scan3A_5 = arith.constant 40 : i32
    return
  }
}

#map = affine_map<(d0, d1) -> (0, 0)>
#map1 = affine_map<(d0, d1) -> (0)>
#map2 = affine_map<(d0, d1) -> (0, 0, 0)>
module attributes {stable_mosaic.version = 14 : i64} {
  func.func @k(%arg0: i32, %arg1: i32, %arg2: memref<160000x128xf32, #tpu.memory_space<hbm>>, %arg3: memref<160000xi32, #tpu.memory_space<hbm>>, %arg4: memref<10000x128xf32, #tpu.memory_space<hbm>>, %arg5: memref<2x10000x128xf32, #tpu.memory_space<hbm>>, %arg6: memref<128xi32, #tpu.memory_space<vmem>>, %arg7: memref<128x128xf32, #tpu.memory_space<vmem>>, %arg8: memref<10000x128xf32, #tpu.memory_space<vmem_shared>>) attributes {dimension_semantics = [#tpu.dimension_semantics<core_parallel>, #tpu.dimension_semantics<subcore_parallel>], iteration_bounds = array<i64: 2, 16>, scalar_prefetch = 0 : i64, scratch_operands = 3 : i64, tpu.core_type = #tpu.core_type<sc_vector_subcore>, window_params = [{transform_indices = #map}, {transform_indices = #map1}, {transform_indices = #map}, {transform_indices = #map2}]} {
    %mul3A = arith.constant 2 : i32
    %mul3A_0 = arith.muli %arg1, %mul3A : i32
    %add3A = arith.addi %mul3A_0, %arg0 : i32
    %add3A_1 = arith.constant 0 : i32
    %add3A_2 = arith.addi %add3A_1, %arg1 : i32
    %lt3A = arith.constant 25 : i32
    %lt3A_3 = arith.cmpi slt, %add3A_2, %lt3A : i32
    %convert_element_type3A = arith.extui %lt3A_3 : i1 to i32
    %cond3A = arith.constant 0 : i32
    %cond3A_4 = arith.cmpi ne, %convert_element_type3A, %cond3A : i32
    scf.if %cond3A_4 {
      %mul3A_32 = arith.constant 400 : i32
      %mul3A_33 = arith.muli %add3A_2, %mul3A_32 : i32
      %mul3A_34 = arith.constant 400 : i32
      %mul3A_35 = arith.muli %add3A_2, %mul3A_34 : i32
      "tpu.region"() ({
        %run_scoped3A = tpu.sem_alloc : memref<!tpu.dma_semaphore, #tpu.memory_space<semaphore_mem>>
        %dma_start3A = arith.constant 0 : i32
        %dma_start3A_36 = tpu.memref_slice %arg8[%mul3A_35, %dma_start3A] : memref<10000x128xf32, #tpu.memory_space<vmem_shared>> -> memref<400x128xf32, #tpu.memory_space<vmem_shared>>
        %dma_start3A_37 = arith.constant 0 : i32
        %dma_start3A_38 = tpu.memref_slice %arg4[%mul3A_33, %dma_start3A_37] : memref<10000x128xf32, #tpu.memory_space<hbm>> -> memref<400x128xf32, #tpu.memory_space<hbm>>
        tpu.enqueue_dma source(%dma_start3A_38 : memref<400x128xf32, #tpu.memory_space<hbm>>) target(%dma_start3A_36 : memref<400x128xf32, #tpu.memory_space<vmem_shared>>) target_semaphore(%run_scoped3A : memref<!tpu.dma_semaphore, #tpu.memory_space<semaphore_mem>>)
        %dma_wait3A = arith.constant 0 : i32
        %dma_wait3A_39 = tpu.memref_slice %arg8[%mul3A_35, %dma_wait3A] : memref<10000x128xf32, #tpu.memory_space<vmem_shared>> -> memref<400x128xf32, #tpu.memory_space<vmem_shared>>
        %dma_wait3A_40 = arith.constant 0 : i32
        %dma_wait3A_41 = tpu.memref_slice %arg4[%mul3A_33, %dma_wait3A_40] : memref<10000x128xf32, #tpu.memory_space<hbm>> -> memref<400x128xf32, #tpu.memory_space<hbm>>
        tpu.wait_dma2 semaphore(%run_scoped3A : memref<!tpu.dma_semaphore, #tpu.memory_space<semaphore_mem>>) src(%dma_wait3A_41 : memref<400x128xf32, #tpu.memory_space<hbm>>) dst(%dma_wait3A_39 : memref<400x128xf32, #tpu.memory_space<vmem_shared>>)
        tpu.yield
      }) : () -> ()
    } else {
    }
    %add3A_5 = arith.constant 16 : i32
    %add3A_6 = arith.addi %add3A_5, %arg1 : i32
    %lt3A_7 = arith.constant 25 : i32
    %lt3A_8 = arith.cmpi slt, %add3A_6, %lt3A_7 : i32
    %convert_element_type3A_9 = arith.extui %lt3A_8 : i1 to i32
    %cond3A_10 = arith.constant 0 : i32
    %cond3A_11 = arith.cmpi ne, %convert_element_type3A_9, %cond3A_10 : i32
    scf.if %cond3A_11 {
      %mul3A_32 = arith.constant 400 : i32
      %mul3A_33 = arith.muli %add3A_6, %mul3A_32 : i32
      %mul3A_34 = arith.constant 400 : i32
      %mul3A_35 = arith.muli %add3A_6, %mul3A_34 : i32
      "tpu.region"() ({
        %run_scoped3A = tpu.sem_alloc : memref<!tpu.dma_semaphore, #tpu.memory_space<semaphore_mem>>
        %dma_start3A = arith.constant 0 : i32
        %dma_start3A_36 = tpu.memref_slice %arg8[%mul3A_35, %dma_start3A] : memref<10000x128xf32, #tpu.memory_space<vmem_shared>> -> memref<400x128xf32, #tpu.memory_space<vmem_shared>>
        %dma_start3A_37 = arith.constant 0 : i32
        %dma_start3A_38 = tpu.memref_slice %arg4[%mul3A_33, %dma_start3A_37] : memref<10000x128xf32, #tpu.memory_space<hbm>> -> memref<400x128xf32, #tpu.memory_space<hbm>>
        tpu.enqueue_dma source(%dma_start3A_38 : memref<400x128xf32, #tpu.memory_space<hbm>>) target(%dma_start3A_36 : memref<400x128xf32, #tpu.memory_space<vmem_shared>>) target_semaphore(%run_scoped3A : memref<!tpu.dma_semaphore, #tpu.memory_space<semaphore_mem>>)
        %dma_wait3A = arith.constant 0 : i32
        %dma_wait3A_39 = tpu.memref_slice %arg8[%mul3A_35, %dma_wait3A] : memref<10000x128xf32, #tpu.memory_space<vmem_shared>> -> memref<400x128xf32, #tpu.memory_space<vmem_shared>>
        %dma_wait3A_40 = arith.constant 0 : i32
        %dma_wait3A_41 = tpu.memref_slice %arg4[%mul3A_33, %dma_wait3A_40] : memref<10000x128xf32, #tpu.memory_space<hbm>> -> memref<400x128xf32, #tpu.memory_space<hbm>>
        tpu.wait_dma2 semaphore(%run_scoped3A : memref<!tpu.dma_semaphore, #tpu.memory_space<semaphore_mem>>) src(%dma_wait3A_41 : memref<400x128xf32, #tpu.memory_space<hbm>>) dst(%dma_wait3A_39 : memref<400x128xf32, #tpu.memory_space<vmem_shared>>)
        tpu.yield
      }) : () -> ()
    } else {
    }
    %barrier3A = arith.constant 0 : index
    tpu.barrier barrier_id(%barrier3A)
    %scan3A = arith.constant 0 : i32
    %scan3A_12 = arith.constant 0 : i32
    %scan3A_13 = arith.constant 40 : i32
    %scan3A_14 = arith.addi %scan3A_12, %scan3A_13 : i32
    %scan3A_15 = arith.constant 1 : i32
    scf.for %scan3A_32 = %scan3A_12 to %scan3A_14 step %scan3A_15  : i32 {
      %mul3A_33 = arith.constant 32 : i32
      %mul3A_34 = arith.muli %scan3A_32, %mul3A_33 : i32
      %add3A_35 = arith.addi %mul3A_34, %add3A : i32
      %lt3A_36 = arith.constant 1250 : i32
      %lt3A_37 = arith.cmpi slt, %add3A_35, %lt3A_36 : i32
      %convert_element_type3A_38 = arith.extui %lt3A_37 : i1 to i32
      %cond3A_39 = arith.constant 0 : i32
      %cond3A_40 = arith.cmpi ne, %convert_element_type3A_38, %cond3A_39 : i32
      scf.if %cond3A_40 {
        %mul3A_41 = arith.constant 128 : i32
        %mul3A_42 = arith.muli %add3A_35, %mul3A_41 : i32
        "tpu.region"() ({
          %run_scoped3A = tpu.sem_alloc : memref<!tpu.dma_semaphore, #tpu.memory_space<semaphore_mem>>
          %dma_start3A = tpu.memref_slice %arg3[%mul3A_42] : memref<160000xi32, #tpu.memory_space<hbm>> -> memref<128xi32, #tpu.memory_space<hbm>>
          %dma_start3A_43 = tpu.memref_slice %arg3[%mul3A_42] : memref<160000xi32, #tpu.memory_space<hbm>> -> memref<128xi32, #tpu.memory_space<hbm>>
          tpu.enqueue_dma source(%dma_start3A_43 : memref<128xi32, #tpu.memory_space<hbm>>) target(%arg6 : memref<128xi32, #tpu.memory_space<vmem>>) target_semaphore(%run_scoped3A : memref<!tpu.dma_semaphore, #tpu.memory_space<semaphore_mem>>)
          %dma_wait3A = tpu.memref_slice %arg3[%mul3A_42] : memref<160000xi32, #tpu.memory_space<hbm>> -> memref<128xi32, #tpu.memory_space<hbm>>
          %dma_wait3A_44 = tpu.memref_slice %arg3[%mul3A_42] : memref<160000xi32, #tpu.memory_space<hbm>> -> memref<128xi32, #tpu.memory_space<hbm>>
          tpu.wait_dma2 semaphore(%run_scoped3A : memref<!tpu.dma_semaphore, #tpu.memory_space<semaphore_mem>>) src(%dma_wait3A_44 : memref<128xi32, #tpu.memory_space<hbm>>) dst(%arg6 : memref<128xi32, #tpu.memory_space<vmem>>)
          tpu.yield
        }) : () -> ()
        "tpu.region"() ({
          %run_scoped3A = tpu.sem_alloc : memref<!tpu.dma_semaphore, #tpu.memory_space<semaphore_mem>>
          %dma_start3A = arith.constant 0 : i32
          %dma_start3A_43 = tpu.memref_slice %arg2[%mul3A_42, %dma_start3A] : memref<160000x128xf32, #tpu.memory_space<hbm>> -> memref<128x128xf32, #tpu.memory_space<hbm>>
          %dma_start3A_44 = arith.constant 0 : i32
          %dma_start3A_45 = tpu.memref_slice %arg2[%mul3A_42, %dma_start3A_44] : memref<160000x128xf32, #tpu.memory_space<hbm>> -> memref<128x128xf32, #tpu.memory_space<hbm>>
          tpu.enqueue_dma source(%dma_start3A_45 : memref<128x128xf32, #tpu.memory_space<hbm>>) target(%arg7 : memref<128x128xf32, #tpu.memory_space<vmem>>) target_semaphore(%run_scoped3A : memref<!tpu.dma_semaphore, #tpu.memory_space<semaphore_mem>>)
          %dma_wait3A = arith.constant 0 : i32
          %dma_wait3A_46 = tpu.memref_slice %arg2[%mul3A_42, %dma_wait3A] : memref<160000x128xf32, #tpu.memory_space<hbm>> -> memref<128x128xf32, #tpu.memory_space<hbm>>
          %dma_wait3A_47 = arith.constant 0 : i32
          %dma_wait3A_48 = tpu.memref_slice %arg2[%mul3A_42, %dma_wait3A_47] : memref<160000x128xf32, #tpu.memory_space<hbm>> -> memref<128x128xf32, #tpu.memory_space<hbm>>
          tpu.wait_dma2 semaphore(%run_scoped3A : memref<!tpu.dma_semaphore, #tpu.memory_space<semaphore_mem>>) src(%dma_wait3A_48 : memref<128x128xf32, #tpu.memory_space<hbm>>) dst(%arg7 : memref<128x128xf32, #tpu.memory_space<vmem>>)
          tpu.yield
        }) : () -> ()
        "tpu.region"() ({
          %run_scoped3A = tpu.sem_alloc : memref<!tpu.dma_semaphore, #tpu.memory_space<semaphore_mem>>
          %dma_start3A = arith.constant 0 : i32
          %dma_start3A_43 = arith.constant 0 : i32
          %dma_start3A_44 = tpu.memref_slice %arg8[%dma_start3A, %dma_start3A_43] : memref<10000x128xf32, #tpu.memory_space<vmem_shared>> -> memref<10000x128xf32, #tpu.memory_space<vmem_shared>>
          tpu.enqueue_indirect_dma source(%arg7 : memref<128x128xf32, #tpu.memory_space<vmem>>) target(%dma_start3A_44 : memref<10000x128xf32, #tpu.memory_space<vmem_shared>>) offsets(%arg6 : memref<128xi32, #tpu.memory_space<vmem>>) semaphore(%run_scoped3A : memref<!tpu.dma_semaphore, #tpu.memory_space<semaphore_mem>>) {add = true}
          %dma_wait3A = arith.constant 0 : i32
          %dma_wait3A_45 = arith.constant 0 : i32
          %dma_wait3A_46 = tpu.memref_slice %arg8[%dma_wait3A, %dma_wait3A_45] : memref<10000x128xf32, #tpu.memory_space<vmem_shared>> -> memref<10000x128xf32, #tpu.memory_space<vmem_shared>>
          tpu.wait_indirect_dma semaphore(%run_scoped3A : memref<!tpu.dma_semaphore, #tpu.memory_space<semaphore_mem>>) src(%arg7 : memref<128x128xf32, #tpu.memory_space<vmem>>) dst(%dma_wait3A_46 : memref<10000x128xf32, #tpu.memory_space<vmem_shared>>)
          tpu.yield
        }) : () -> ()
      } else {
      }
    }
    %scan3A_16 = arith.constant 40 : i32
    %barrier3A_17 = arith.constant 0 : index
    tpu.barrier barrier_id(%barrier3A_17)
    %add3A_18 = arith.constant 0 : i32
    %add3A_19 = arith.addi %add3A_18, %arg1 : i32
    %lt3A_20 = arith.constant 25 : i32
    %lt3A_21 = arith.cmpi slt, %add3A_19, %lt3A_20 : i32
    %convert_element_type3A_22 = arith.extui %lt3A_21 : i1 to i32
    %cond3A_23 = arith.constant 0 : i32
    %cond3A_24 = arith.cmpi ne, %convert_element_type3A_22, %cond3A_23 : i32
    scf.if %cond3A_24 {
      %mul3A_32 = arith.constant 400 : i32
      %mul3A_33 = arith.muli %add3A_19, %mul3A_32 : i32
      %mul3A_34 = arith.constant 400 : i32
      %mul3A_35 = arith.muli %add3A_19, %mul3A_34 : i32
      "tpu.region"() ({
        %run_scoped3A = tpu.sem_alloc : memref<!tpu.dma_semaphore, #tpu.memory_space<semaphore_mem>>
        %dma_start3A = arith.constant 0 : i32
        %dma_start3A_36 = tpu.memref_slice %arg5[%arg0, %mul3A_35, %dma_start3A] : memref<2x10000x128xf32, #tpu.memory_space<hbm>> -> memref<1x400x128xf32, #tpu.memory_space<hbm>>
        %dma_start3A_37 = tpu.memref_squeeze %dma_start3A_36 : memref<1x400x128xf32, #tpu.memory_space<hbm>> -> memref<400x128xf32, #tpu.memory_space<hbm>>
        %dma_start3A_38 = arith.constant 0 : i32
        %dma_start3A_39 = tpu.memref_slice %arg8[%mul3A_33, %dma_start3A_38] : memref<10000x128xf32, #tpu.memory_space<vmem_shared>> -> memref<400x128xf32, #tpu.memory_space<vmem_shared>>
        tpu.enqueue_dma source(%dma_start3A_39 : memref<400x128xf32, #tpu.memory_space<vmem_shared>>) target(%dma_start3A_37 : memref<400x128xf32, #tpu.memory_space<hbm>>) target_semaphore(%run_scoped3A : memref<!tpu.dma_semaphore, #tpu.memory_space<semaphore_mem>>)
        %dma_wait3A = arith.constant 0 : i32
        %dma_wait3A_40 = tpu.memref_slice %arg5[%arg0, %mul3A_35, %dma_wait3A] : memref<2x10000x128xf32, #tpu.memory_space<hbm>> -> memref<1x400x128xf32, #tpu.memory_space<hbm>>
        %dma_wait3A_41 = tpu.memref_squeeze %dma_wait3A_40 : memref<1x400x128xf32, #tpu.memory_space<hbm>> -> memref<400x128xf32, #tpu.memory_space<hbm>>
        %dma_wait3A_42 = arith.constant 0 : i32
        %dma_wait3A_43 = tpu.memref_slice %arg8[%mul3A_33, %dma_wait3A_42] : memref<10000x128xf32, #tpu.memory_space<vmem_shared>> -> memref<400x128xf32, #tpu.memory_space<vmem_shared>>
        tpu.wait_dma2 semaphore(%run_scoped3A : memref<!tpu.dma_semaphore, #tpu.memory_space<semaphore_mem>>) src(%dma_wait3A_43 : memref<400x128xf32, #tpu.memory_space<vmem_shared>>) dst(%dma_wait3A_41 : memref<400x128xf32, #tpu.memory_space<hbm>>)
        tpu.yield
      }) : () -> ()
    } else {
    }
    %add3A_25 = arith.constant 16 : i32
    %add3A_26 = arith.addi %add3A_25, %arg1 : i32
    %lt3A_27 = arith.constant 25 : i32
    %lt3A_28 = arith.cmpi slt, %add3A_26, %lt3A_27 : i32
    %convert_element_type3A_29 = arith.extui %lt3A_28 : i1 to i32
    %cond3A_30 = arith.constant 0 : i32
    %cond3A_31 = arith.cmpi ne, %convert_element_type3A_29, %cond3A_30 : i32
    scf.if %cond3A_31 {
      %mul3A_32 = arith.constant 400 : i32
      %mul3A_33 = arith.muli %add3A_26, %mul3A_32 : i32
      %mul3A_34 = arith.constant 400 : i32
      %mul3A_35 = arith.muli %add3A_26, %mul3A_34 : i32
      "tpu.region"() ({
        %run_scoped3A = tpu.sem_alloc : memref<!tpu.dma_semaphore, #tpu.memory_space<semaphore_mem>>
        %dma_start3A = arith.constant 0 : i32
        %dma_start3A_36 = tpu.memref_slice %arg5[%arg0, %mul3A_35, %dma_start3A] : memref<2x10000x128xf32, #tpu.memory_space<hbm>> -> memref<1x400x128xf32, #tpu.memory_space<hbm>>
        %dma_start3A_37 = tpu.memref_squeeze %dma_start3A_36 : memref<1x400x128xf32, #tpu.memory_space<hbm>> -> memref<400x128xf32, #tpu.memory_space<hbm>>
        %dma_start3A_38 = arith.constant 0 : i32
        %dma_start3A_39 = tpu.memref_slice %arg8[%mul3A_33, %dma_start3A_38] : memref<10000x128xf32, #tpu.memory_space<vmem_shared>> -> memref<400x128xf32, #tpu.memory_space<vmem_shared>>
        tpu.enqueue_dma source(%dma_start3A_39 : memref<400x128xf32, #tpu.memory_space<vmem_shared>>) target(%dma_start3A_37 : memref<400x128xf32, #tpu.memory_space<hbm>>) target_semaphore(%run_scoped3A : memref<!tpu.dma_semaphore, #tpu.memory_space<semaphore_mem>>)
        %dma_wait3A = arith.constant 0 : i32
        %dma_wait3A_40 = tpu.memref_slice %arg5[%arg0, %mul3A_35, %dma_wait3A] : memref<2x10000x128xf32, #tpu.memory_space<hbm>> -> memref<1x400x128xf32, #tpu.memory_space<hbm>>
        %dma_wait3A_41 = tpu.memref_squeeze %dma_wait3A_40 : memref<1x400x128xf32, #tpu.memory_space<hbm>> -> memref<400x128xf32, #tpu.memory_space<hbm>>
        %dma_wait3A_42 = arith.constant 0 : i32
        %dma_wait3A_43 = tpu.memref_slice %arg8[%mul3A_33, %dma_wait3A_42] : memref<10000x128xf32, #tpu.memory_space<vmem_shared>> -> memref<400x128xf32, #tpu.memory_space<vmem_shared>>
        tpu.wait_dma2 semaphore(%run_scoped3A : memref<!tpu.dma_semaphore, #tpu.memory_space<semaphore_mem>>) src(%dma_wait3A_43 : memref<400x128xf32, #tpu.memory_space<vmem_shared>>) dst(%dma_wait3A_41 : memref<400x128xf32, #tpu.memory_space<hbm>>)
        tpu.yield
      }) : () -> ()
    } else {
    }
    return
  }
}

#map = affine_map<(d0, d1) -> (0, 0)>
#map1 = affine_map<(d0, d1) -> (0)>
module attributes {stable_mosaic.version = 14 : i64} {
  func.func @k(%arg0: i32, %arg1: i32, %arg2: memref<10000x128xf32, #tpu.memory_space<hbm>>, %arg3: memref<160000xi32, #tpu.memory_space<hbm>>, %arg4: memref<160000xi32, #tpu.memory_space<hbm>>, %arg5: memref<160000x128xf32, #tpu.memory_space<hbm>>, %arg6: memref<160000x128xf32, #tpu.memory_space<hbm>>, %arg7: memref<128xi32, #tpu.memory_space<vmem>>, %arg8: memref<128xi32, #tpu.memory_space<vmem>>, %arg9: memref<128x128xf32, #tpu.memory_space<vmem>>, %arg10: memref<128x128xf32, #tpu.memory_space<vmem>>, %arg11: memref<!tpu.dma_semaphore, #tpu.memory_space<semaphore_mem>>, %arg12: memref<!tpu.dma_semaphore, #tpu.memory_space<semaphore_mem>>) attributes {dimension_semantics = [#tpu.dimension_semantics<core_parallel>, #tpu.dimension_semantics<subcore_parallel>], iteration_bounds = array<i64: 2, 16>, scalar_prefetch = 0 : i64, scratch_operands = 6 : i64, tpu.core_type = #tpu.core_type<sc_vector_subcore>, window_params = [{transform_indices = #map}, {transform_indices = #map1}, {transform_indices = #map1}, {transform_indices = #map}, {transform_indices = #map}]} {
    %mul3A = arith.constant 2 : i32
    %mul3A_0 = arith.muli %arg1, %mul3A : i32
    %add3A = arith.addi %mul3A_0, %arg0 : i32
    %scan3A = arith.constant 0 : i32
    %scan3A_1 = arith.constant 0 : i32
    %scan3A_2 = arith.constant 40 : i32
    %scan3A_3 = arith.addi %scan3A_1, %scan3A_2 : i32
    %scan3A_4 = arith.constant 1 : i32
    scf.for %scan3A_6 = %scan3A_1 to %scan3A_3 step %scan3A_4  : i32 {
      %mul3A_7 = arith.constant 32 : i32
      %mul3A_8 = arith.muli %scan3A_6, %mul3A_7 : i32
      %add3A_9 = arith.addi %mul3A_8, %add3A : i32
      %lt3A = arith.constant 1250 : i32
      %lt3A_10 = arith.cmpi slt, %add3A_9, %lt3A : i32
      %convert_element_type3A = arith.extui %lt3A_10 : i1 to i32
      %cond3A = arith.constant 0 : i32
      %cond3A_11 = arith.cmpi ne, %convert_element_type3A, %cond3A : i32
      scf.if %cond3A_11 {
        %mul3A_12 = arith.constant 128 : i32
        %mul3A_13 = arith.muli %add3A_9, %mul3A_12 : i32
        "tpu.region"() ({
          %run_scoped3A = tpu.sem_alloc : memref<!tpu.dma_semaphore, #tpu.memory_space<semaphore_mem>>
          %dma_start3A_24 = tpu.memref_slice %arg3[%mul3A_13] : memref<160000xi32, #tpu.memory_space<hbm>> -> memref<128xi32, #tpu.memory_space<hbm>>
          %dma_start3A_25 = tpu.memref_slice %arg3[%mul3A_13] : memref<160000xi32, #tpu.memory_space<hbm>> -> memref<128xi32, #tpu.memory_space<hbm>>
          tpu.enqueue_dma source(%dma_start3A_25 : memref<128xi32, #tpu.memory_space<hbm>>) target(%arg7 : memref<128xi32, #tpu.memory_space<vmem>>) target_semaphore(%run_scoped3A : memref<!tpu.dma_semaphore, #tpu.memory_space<semaphore_mem>>)
          %dma_wait3A_26 = tpu.memref_slice %arg3[%mul3A_13] : memref<160000xi32, #tpu.memory_space<hbm>> -> memref<128xi32, #tpu.memory_space<hbm>>
          %dma_wait3A_27 = tpu.memref_slice %arg3[%mul3A_13] : memref<160000xi32, #tpu.memory_space<hbm>> -> memref<128xi32, #tpu.memory_space<hbm>>
          tpu.wait_dma2 semaphore(%run_scoped3A : memref<!tpu.dma_semaphore, #tpu.memory_space<semaphore_mem>>) src(%dma_wait3A_27 : memref<128xi32, #tpu.memory_space<hbm>>) dst(%arg7 : memref<128xi32, #tpu.memory_space<vmem>>)
          tpu.yield
        }) : () -> ()
        "tpu.region"() ({
          %run_scoped3A = tpu.sem_alloc : memref<!tpu.dma_semaphore, #tpu.memory_space<semaphore_mem>>
          %dma_start3A_24 = tpu.memref_slice %arg4[%mul3A_13] : memref<160000xi32, #tpu.memory_space<hbm>> -> memref<128xi32, #tpu.memory_space<hbm>>
          %dma_start3A_25 = tpu.memref_slice %arg4[%mul3A_13] : memref<160000xi32, #tpu.memory_space<hbm>> -> memref<128xi32, #tpu.memory_space<hbm>>
          tpu.enqueue_dma source(%dma_start3A_25 : memref<128xi32, #tpu.memory_space<hbm>>) target(%arg8 : memref<128xi32, #tpu.memory_space<vmem>>) target_semaphore(%run_scoped3A : memref<!tpu.dma_semaphore, #tpu.memory_space<semaphore_mem>>)
          %dma_wait3A_26 = tpu.memref_slice %arg4[%mul3A_13] : memref<160000xi32, #tpu.memory_space<hbm>> -> memref<128xi32, #tpu.memory_space<hbm>>
          %dma_wait3A_27 = tpu.memref_slice %arg4[%mul3A_13] : memref<160000xi32, #tpu.memory_space<hbm>> -> memref<128xi32, #tpu.memory_space<hbm>>
          tpu.wait_dma2 semaphore(%run_scoped3A : memref<!tpu.dma_semaphore, #tpu.memory_space<semaphore_mem>>) src(%dma_wait3A_27 : memref<128xi32, #tpu.memory_space<hbm>>) dst(%arg8 : memref<128xi32, #tpu.memory_space<vmem>>)
          tpu.yield
        }) : () -> ()
        %dma_start3A = arith.constant 0 : i32
        %dma_start3A_14 = arith.constant 0 : i32
        %dma_start3A_15 = tpu.memref_slice %arg2[%dma_start3A, %dma_start3A_14] : memref<10000x128xf32, #tpu.memory_space<hbm>> -> memref<10000x128xf32, #tpu.memory_space<hbm>>
        tpu.enqueue_indirect_dma source(%dma_start3A_15 : memref<10000x128xf32, #tpu.memory_space<hbm>>) target(%arg9 : memref<128x128xf32, #tpu.memory_space<vmem>>) offsets(%arg7 : memref<128xi32, #tpu.memory_space<vmem>>) semaphore(%arg11 : memref<!tpu.dma_semaphore, #tpu.memory_space<semaphore_mem>>)
        %dma_start3A_16 = arith.constant 0 : i32
        %dma_start3A_17 = arith.constant 0 : i32
        %dma_start3A_18 = tpu.memref_slice %arg2[%dma_start3A_16, %dma_start3A_17] : memref<10000x128xf32, #tpu.memory_space<hbm>> -> memref<10000x128xf32, #tpu.memory_space<hbm>>
        tpu.enqueue_indirect_dma source(%dma_start3A_18 : memref<10000x128xf32, #tpu.memory_space<hbm>>) target(%arg10 : memref<128x128xf32, #tpu.memory_space<vmem>>) offsets(%arg8 : memref<128xi32, #tpu.memory_space<vmem>>) semaphore(%arg12 : memref<!tpu.dma_semaphore, #tpu.memory_space<semaphore_mem>>)
        %dma_wait3A = arith.constant 0 : i32
        %dma_wait3A_19 = arith.constant 0 : i32
        %dma_wait3A_20 = tpu.memref_slice %arg2[%dma_wait3A, %dma_wait3A_19] : memref<10000x128xf32, #tpu.memory_space<hbm>> -> memref<10000x128xf32, #tpu.memory_space<hbm>>
        tpu.wait_indirect_dma semaphore(%arg11 : memref<!tpu.dma_semaphore, #tpu.memory_space<semaphore_mem>>) src(%dma_wait3A_20 : memref<10000x128xf32, #tpu.memory_space<hbm>>) dst(%arg9 : memref<128x128xf32, #tpu.memory_space<vmem>>)
        %dma_wait3A_21 = arith.constant 0 : i32
        %dma_wait3A_22 = arith.constant 0 : i32
        %dma_wait3A_23 = tpu.memref_slice %arg2[%dma_wait3A_21, %dma_wait3A_22] : memref<10000x128xf32, #tpu.memory_space<hbm>> -> memref<10000x128xf32, #tpu.memory_space<hbm>>
        tpu.wait_indirect_dma semaphore(%arg12 : memref<!tpu.dma_semaphore, #tpu.memory_space<semaphore_mem>>) src(%dma_wait3A_23 : memref<10000x128xf32, #tpu.memory_space<hbm>>) dst(%arg10 : memref<128x128xf32, #tpu.memory_space<vmem>>)
        "tpu.region"() ({
          %run_scoped3A = tpu.sem_alloc : memref<!tpu.dma_semaphore, #tpu.memory_space<semaphore_mem>>
          %dma_start3A_24 = arith.constant 0 : i32
          %dma_start3A_25 = tpu.memref_slice %arg5[%mul3A_13, %dma_start3A_24] : memref<160000x128xf32, #tpu.memory_space<hbm>> -> memref<128x128xf32, #tpu.memory_space<hbm>>
          %dma_start3A_26 = arith.constant 0 : i32
          %dma_start3A_27 = tpu.memref_slice %arg5[%mul3A_13, %dma_start3A_26] : memref<160000x128xf32, #tpu.memory_space<hbm>> -> memref<128x128xf32, #tpu.memory_space<hbm>>
          tpu.enqueue_dma source(%arg9 : memref<128x128xf32, #tpu.memory_space<vmem>>) target(%dma_start3A_27 : memref<128x128xf32, #tpu.memory_space<hbm>>) target_semaphore(%run_scoped3A : memref<!tpu.dma_semaphore, #tpu.memory_space<semaphore_mem>>)
          %dma_wait3A_28 = arith.constant 0 : i32
          %dma_wait3A_29 = tpu.memref_slice %arg5[%mul3A_13, %dma_wait3A_28] : memref<160000x128xf32, #tpu.memory_space<hbm>> -> memref<128x128xf32, #tpu.memory_space<hbm>>
          %dma_wait3A_30 = arith.constant 0 : i32
          %dma_wait3A_31 = tpu.memref_slice %arg5[%mul3A_13, %dma_wait3A_30] : memref<160000x128xf32, #tpu.memory_space<hbm>> -> memref<128x128xf32, #tpu.memory_space<hbm>>
          tpu.wait_dma2 semaphore(%run_scoped3A : memref<!tpu.dma_semaphore, #tpu.memory_space<semaphore_mem>>) src(%arg9 : memref<128x128xf32, #tpu.memory_space<vmem>>) dst(%dma_wait3A_31 : memref<128x128xf32, #tpu.memory_space<hbm>>)
          tpu.yield
        }) : () -> ()
        "tpu.region"() ({
          %run_scoped3A = tpu.sem_alloc : memref<!tpu.dma_semaphore, #tpu.memory_space<semaphore_mem>>
          %dma_start3A_24 = arith.constant 0 : i32
          %dma_start3A_25 = tpu.memref_slice %arg6[%mul3A_13, %dma_start3A_24] : memref<160000x128xf32, #tpu.memory_space<hbm>> -> memref<128x128xf32, #tpu.memory_space<hbm>>
          %dma_start3A_26 = arith.constant 0 : i32
          %dma_start3A_27 = tpu.memref_slice %arg6[%mul3A_13, %dma_start3A_26] : memref<160000x128xf32, #tpu.memory_space<hbm>> -> memref<128x128xf32, #tpu.memory_space<hbm>>
          tpu.enqueue_dma source(%arg10 : memref<128x128xf32, #tpu.memory_space<vmem>>) target(%dma_start3A_27 : memref<128x128xf32, #tpu.memory_space<hbm>>) target_semaphore(%run_scoped3A : memref<!tpu.dma_semaphore, #tpu.memory_space<semaphore_mem>>)
          %dma_wait3A_28 = arith.constant 0 : i32
          %dma_wait3A_29 = tpu.memref_slice %arg6[%mul3A_13, %dma_wait3A_28] : memref<160000x128xf32, #tpu.memory_space<hbm>> -> memref<128x128xf32, #tpu.memory_space<hbm>>
          %dma_wait3A_30 = arith.constant 0 : i32
          %dma_wait3A_31 = tpu.memref_slice %arg6[%mul3A_13, %dma_wait3A_30] : memref<160000x128xf32, #tpu.memory_space<hbm>> -> memref<128x128xf32, #tpu.memory_space<hbm>>
          tpu.wait_dma2 semaphore(%run_scoped3A : memref<!tpu.dma_semaphore, #tpu.memory_space<semaphore_mem>>) src(%arg10 : memref<128x128xf32, #tpu.memory_space<vmem>>) dst(%dma_wait3A_31 : memref<128x128xf32, #tpu.memory_space<hbm>>)
          tpu.yield
        }) : () -> ()
      } else {
      }
    }
    %scan3A_5 = arith.constant 40 : i32
    return
  }
}

#map = affine_map<(d0, d1) -> (0, 0)>
#map1 = affine_map<(d0, d1) -> (0)>
#map2 = affine_map<(d0, d1) -> (0, 0, 0)>
module attributes {stable_mosaic.version = 14 : i64} {
  func.func @k(%arg0: i32, %arg1: i32, %arg2: memref<160000x128xf32, #tpu.memory_space<hbm>>, %arg3: memref<160000xi32, #tpu.memory_space<hbm>>, %arg4: memref<10000x128xf32, #tpu.memory_space<hbm>>, %arg5: memref<2x10000x128xf32, #tpu.memory_space<hbm>>, %arg6: memref<128xi32, #tpu.memory_space<vmem>>, %arg7: memref<128x128xf32, #tpu.memory_space<vmem>>, %arg8: memref<10000x128xf32, #tpu.memory_space<vmem_shared>>) attributes {dimension_semantics = [#tpu.dimension_semantics<core_parallel>, #tpu.dimension_semantics<subcore_parallel>], iteration_bounds = array<i64: 2, 16>, scalar_prefetch = 0 : i64, scratch_operands = 3 : i64, tpu.core_type = #tpu.core_type<sc_vector_subcore>, window_params = [{transform_indices = #map}, {transform_indices = #map1}, {transform_indices = #map}, {transform_indices = #map2}]} {
    %mul3A = arith.constant 2 : i32
    %mul3A_0 = arith.muli %arg1, %mul3A : i32
    %add3A = arith.addi %mul3A_0, %arg0 : i32
    %add3A_1 = arith.constant 0 : i32
    %add3A_2 = arith.addi %add3A_1, %arg1 : i32
    %lt3A = arith.constant 25 : i32
    %lt3A_3 = arith.cmpi slt, %add3A_2, %lt3A : i32
    %convert_element_type3A = arith.extui %lt3A_3 : i1 to i32
    %cond3A = arith.constant 0 : i32
    %cond3A_4 = arith.cmpi ne, %convert_element_type3A, %cond3A : i32
    scf.if %cond3A_4 {
      %mul3A_32 = arith.constant 400 : i32
      %mul3A_33 = arith.muli %add3A_2, %mul3A_32 : i32
      %mul3A_34 = arith.constant 400 : i32
      %mul3A_35 = arith.muli %add3A_2, %mul3A_34 : i32
      "tpu.region"() ({
        %run_scoped3A = tpu.sem_alloc : memref<!tpu.dma_semaphore, #tpu.memory_space<semaphore_mem>>
        %dma_start3A = arith.constant 0 : i32
        %dma_start3A_36 = tpu.memref_slice %arg8[%mul3A_35, %dma_start3A] : memref<10000x128xf32, #tpu.memory_space<vmem_shared>> -> memref<400x128xf32, #tpu.memory_space<vmem_shared>>
        %dma_start3A_37 = arith.constant 0 : i32
        %dma_start3A_38 = tpu.memref_slice %arg4[%mul3A_33, %dma_start3A_37] : memref<10000x128xf32, #tpu.memory_space<hbm>> -> memref<400x128xf32, #tpu.memory_space<hbm>>
        tpu.enqueue_dma source(%dma_start3A_38 : memref<400x128xf32, #tpu.memory_space<hbm>>) target(%dma_start3A_36 : memref<400x128xf32, #tpu.memory_space<vmem_shared>>) target_semaphore(%run_scoped3A : memref<!tpu.dma_semaphore, #tpu.memory_space<semaphore_mem>>)
        %dma_wait3A = arith.constant 0 : i32
        %dma_wait3A_39 = tpu.memref_slice %arg8[%mul3A_35, %dma_wait3A] : memref<10000x128xf32, #tpu.memory_space<vmem_shared>> -> memref<400x128xf32, #tpu.memory_space<vmem_shared>>
        %dma_wait3A_40 = arith.constant 0 : i32
        %dma_wait3A_41 = tpu.memref_slice %arg4[%mul3A_33, %dma_wait3A_40] : memref<10000x128xf32, #tpu.memory_space<hbm>> -> memref<400x128xf32, #tpu.memory_space<hbm>>
        tpu.wait_dma2 semaphore(%run_scoped3A : memref<!tpu.dma_semaphore, #tpu.memory_space<semaphore_mem>>) src(%dma_wait3A_41 : memref<400x128xf32, #tpu.memory_space<hbm>>) dst(%dma_wait3A_39 : memref<400x128xf32, #tpu.memory_space<vmem_shared>>)
        tpu.yield
      }) : () -> ()
    } else {
    }
    %add3A_5 = arith.constant 16 : i32
    %add3A_6 = arith.addi %add3A_5, %arg1 : i32
    %lt3A_7 = arith.constant 25 : i32
    %lt3A_8 = arith.cmpi slt, %add3A_6, %lt3A_7 : i32
    %convert_element_type3A_9 = arith.extui %lt3A_8 : i1 to i32
    %cond3A_10 = arith.constant 0 : i32
    %cond3A_11 = arith.cmpi ne, %convert_element_type3A_9, %cond3A_10 : i32
    scf.if %cond3A_11 {
      %mul3A_32 = arith.constant 400 : i32
      %mul3A_33 = arith.muli %add3A_6, %mul3A_32 : i32
      %mul3A_34 = arith.constant 400 : i32
      %mul3A_35 = arith.muli %add3A_6, %mul3A_34 : i32
      "tpu.region"() ({
        %run_scoped3A = tpu.sem_alloc : memref<!tpu.dma_semaphore, #tpu.memory_space<semaphore_mem>>
        %dma_start3A = arith.constant 0 : i32
        %dma_start3A_36 = tpu.memref_slice %arg8[%mul3A_35, %dma_start3A] : memref<10000x128xf32, #tpu.memory_space<vmem_shared>> -> memref<400x128xf32, #tpu.memory_space<vmem_shared>>
        %dma_start3A_37 = arith.constant 0 : i32
        %dma_start3A_38 = tpu.memref_slice %arg4[%mul3A_33, %dma_start3A_37] : memref<10000x128xf32, #tpu.memory_space<hbm>> -> memref<400x128xf32, #tpu.memory_space<hbm>>
        tpu.enqueue_dma source(%dma_start3A_38 : memref<400x128xf32, #tpu.memory_space<hbm>>) target(%dma_start3A_36 : memref<400x128xf32, #tpu.memory_space<vmem_shared>>) target_semaphore(%run_scoped3A : memref<!tpu.dma_semaphore, #tpu.memory_space<semaphore_mem>>)
        %dma_wait3A = arith.constant 0 : i32
        %dma_wait3A_39 = tpu.memref_slice %arg8[%mul3A_35, %dma_wait3A] : memref<10000x128xf32, #tpu.memory_space<vmem_shared>> -> memref<400x128xf32, #tpu.memory_space<vmem_shared>>
        %dma_wait3A_40 = arith.constant 0 : i32
        %dma_wait3A_41 = tpu.memref_slice %arg4[%mul3A_33, %dma_wait3A_40] : memref<10000x128xf32, #tpu.memory_space<hbm>> -> memref<400x128xf32, #tpu.memory_space<hbm>>
        tpu.wait_dma2 semaphore(%run_scoped3A : memref<!tpu.dma_semaphore, #tpu.memory_space<semaphore_mem>>) src(%dma_wait3A_41 : memref<400x128xf32, #tpu.memory_space<hbm>>) dst(%dma_wait3A_39 : memref<400x128xf32, #tpu.memory_space<vmem_shared>>)
        tpu.yield
      }) : () -> ()
    } else {
    }
    %barrier3A = arith.constant 0 : index
    tpu.barrier barrier_id(%barrier3A)
    %scan3A = arith.constant 0 : i32
    %scan3A_12 = arith.constant 0 : i32
    %scan3A_13 = arith.constant 40 : i32
    %scan3A_14 = arith.addi %scan3A_12, %scan3A_13 : i32
    %scan3A_15 = arith.constant 1 : i32
    scf.for %scan3A_32 = %scan3A_12 to %scan3A_14 step %scan3A_15  : i32 {
      %mul3A_33 = arith.constant 32 : i32
      %mul3A_34 = arith.muli %scan3A_32, %mul3A_33 : i32
      %add3A_35 = arith.addi %mul3A_34, %add3A : i32
      %lt3A_36 = arith.constant 1250 : i32
      %lt3A_37 = arith.cmpi slt, %add3A_35, %lt3A_36 : i32
      %convert_element_type3A_38 = arith.extui %lt3A_37 : i1 to i32
      %cond3A_39 = arith.constant 0 : i32
      %cond3A_40 = arith.cmpi ne, %convert_element_type3A_38, %cond3A_39 : i32
      scf.if %cond3A_40 {
        %mul3A_41 = arith.constant 128 : i32
        %mul3A_42 = arith.muli %add3A_35, %mul3A_41 : i32
        "tpu.region"() ({
          %run_scoped3A = tpu.sem_alloc : memref<!tpu.dma_semaphore, #tpu.memory_space<semaphore_mem>>
          %dma_start3A = tpu.memref_slice %arg3[%mul3A_42] : memref<160000xi32, #tpu.memory_space<hbm>> -> memref<128xi32, #tpu.memory_space<hbm>>
          %dma_start3A_43 = tpu.memref_slice %arg3[%mul3A_42] : memref<160000xi32, #tpu.memory_space<hbm>> -> memref<128xi32, #tpu.memory_space<hbm>>
          tpu.enqueue_dma source(%dma_start3A_43 : memref<128xi32, #tpu.memory_space<hbm>>) target(%arg6 : memref<128xi32, #tpu.memory_space<vmem>>) target_semaphore(%run_scoped3A : memref<!tpu.dma_semaphore, #tpu.memory_space<semaphore_mem>>)
          %dma_wait3A = tpu.memref_slice %arg3[%mul3A_42] : memref<160000xi32, #tpu.memory_space<hbm>> -> memref<128xi32, #tpu.memory_space<hbm>>
          %dma_wait3A_44 = tpu.memref_slice %arg3[%mul3A_42] : memref<160000xi32, #tpu.memory_space<hbm>> -> memref<128xi32, #tpu.memory_space<hbm>>
          tpu.wait_dma2 semaphore(%run_scoped3A : memref<!tpu.dma_semaphore, #tpu.memory_space<semaphore_mem>>) src(%dma_wait3A_44 : memref<128xi32, #tpu.memory_space<hbm>>) dst(%arg6 : memref<128xi32, #tpu.memory_space<vmem>>)
          tpu.yield
        }) : () -> ()
        "tpu.region"() ({
          %run_scoped3A = tpu.sem_alloc : memref<!tpu.dma_semaphore, #tpu.memory_space<semaphore_mem>>
          %dma_start3A = arith.constant 0 : i32
          %dma_start3A_43 = tpu.memref_slice %arg2[%mul3A_42, %dma_start3A] : memref<160000x128xf32, #tpu.memory_space<hbm>> -> memref<128x128xf32, #tpu.memory_space<hbm>>
          %dma_start3A_44 = arith.constant 0 : i32
          %dma_start3A_45 = tpu.memref_slice %arg2[%mul3A_42, %dma_start3A_44] : memref<160000x128xf32, #tpu.memory_space<hbm>> -> memref<128x128xf32, #tpu.memory_space<hbm>>
          tpu.enqueue_dma source(%dma_start3A_45 : memref<128x128xf32, #tpu.memory_space<hbm>>) target(%arg7 : memref<128x128xf32, #tpu.memory_space<vmem>>) target_semaphore(%run_scoped3A : memref<!tpu.dma_semaphore, #tpu.memory_space<semaphore_mem>>)
          %dma_wait3A = arith.constant 0 : i32
          %dma_wait3A_46 = tpu.memref_slice %arg2[%mul3A_42, %dma_wait3A] : memref<160000x128xf32, #tpu.memory_space<hbm>> -> memref<128x128xf32, #tpu.memory_space<hbm>>
          %dma_wait3A_47 = arith.constant 0 : i32
          %dma_wait3A_48 = tpu.memref_slice %arg2[%mul3A_42, %dma_wait3A_47] : memref<160000x128xf32, #tpu.memory_space<hbm>> -> memref<128x128xf32, #tpu.memory_space<hbm>>
          tpu.wait_dma2 semaphore(%run_scoped3A : memref<!tpu.dma_semaphore, #tpu.memory_space<semaphore_mem>>) src(%dma_wait3A_48 : memref<128x128xf32, #tpu.memory_space<hbm>>) dst(%arg7 : memref<128x128xf32, #tpu.memory_space<vmem>>)
          tpu.yield
        }) : () -> ()
        "tpu.region"() ({
          %run_scoped3A = tpu.sem_alloc : memref<!tpu.dma_semaphore, #tpu.memory_space<semaphore_mem>>
          %dma_start3A = arith.constant 0 : i32
          %dma_start3A_43 = arith.constant 0 : i32
          %dma_start3A_44 = tpu.memref_slice %arg8[%dma_start3A, %dma_start3A_43] : memref<10000x128xf32, #tpu.memory_space<vmem_shared>> -> memref<10000x128xf32, #tpu.memory_space<vmem_shared>>
          tpu.enqueue_indirect_dma source(%arg7 : memref<128x128xf32, #tpu.memory_space<vmem>>) target(%dma_start3A_44 : memref<10000x128xf32, #tpu.memory_space<vmem_shared>>) offsets(%arg6 : memref<128xi32, #tpu.memory_space<vmem>>) semaphore(%run_scoped3A : memref<!tpu.dma_semaphore, #tpu.memory_space<semaphore_mem>>) {add = true}
          %dma_wait3A = arith.constant 0 : i32
          %dma_wait3A_45 = arith.constant 0 : i32
          %dma_wait3A_46 = tpu.memref_slice %arg8[%dma_wait3A, %dma_wait3A_45] : memref<10000x128xf32, #tpu.memory_space<vmem_shared>> -> memref<10000x128xf32, #tpu.memory_space<vmem_shared>>
          tpu.wait_indirect_dma semaphore(%run_scoped3A : memref<!tpu.dma_semaphore, #tpu.memory_space<semaphore_mem>>) src(%arg7 : memref<128x128xf32, #tpu.memory_space<vmem>>) dst(%dma_wait3A_46 : memref<10000x128xf32, #tpu.memory_space<vmem_shared>>)
          tpu.yield
        }) : () -> ()
      } else {
      }
    }
    %scan3A_16 = arith.constant 40 : i32
    %barrier3A_17 = arith.constant 0 : index
    tpu.barrier barrier_id(%barrier3A_17)
    %add3A_18 = arith.constant 0 : i32
    %add3A_19 = arith.addi %add3A_18, %arg1 : i32
    %lt3A_20 = arith.constant 25 : i32
    %lt3A_21 = arith.cmpi slt, %add3A_19, %lt3A_20 : i32
    %convert_element_type3A_22 = arith.extui %lt3A_21 : i1 to i32
    %cond3A_23 = arith.constant 0 : i32
    %cond3A_24 = arith.cmpi ne, %convert_element_type3A_22, %cond3A_23 : i32
    scf.if %cond3A_24 {
      %mul3A_32 = arith.constant 400 : i32
      %mul3A_33 = arith.muli %add3A_19, %mul3A_32 : i32
      %mul3A_34 = arith.constant 400 : i32
      %mul3A_35 = arith.muli %add3A_19, %mul3A_34 : i32
      "tpu.region"() ({
        %run_scoped3A = tpu.sem_alloc : memref<!tpu.dma_semaphore, #tpu.memory_space<semaphore_mem>>
        %dma_start3A = arith.constant 0 : i32
        %dma_start3A_36 = tpu.memref_slice %arg5[%arg0, %mul3A_35, %dma_start3A] : memref<2x10000x128xf32, #tpu.memory_space<hbm>> -> memref<1x400x128xf32, #tpu.memory_space<hbm>>
        %dma_start3A_37 = tpu.memref_squeeze %dma_start3A_36 : memref<1x400x128xf32, #tpu.memory_space<hbm>> -> memref<400x128xf32, #tpu.memory_space<hbm>>
        %dma_start3A_38 = arith.constant 0 : i32
        %dma_start3A_39 = tpu.memref_slice %arg8[%mul3A_33, %dma_start3A_38] : memref<10000x128xf32, #tpu.memory_space<vmem_shared>> -> memref<400x128xf32, #tpu.memory_space<vmem_shared>>
        tpu.enqueue_dma source(%dma_start3A_39 : memref<400x128xf32, #tpu.memory_space<vmem_shared>>) target(%dma_start3A_37 : memref<400x128xf32, #tpu.memory_space<hbm>>) target_semaphore(%run_scoped3A : memref<!tpu.dma_semaphore, #tpu.memory_space<semaphore_mem>>)
        %dma_wait3A = arith.constant 0 : i32
        %dma_wait3A_40 = tpu.memref_slice %arg5[%arg0, %mul3A_35, %dma_wait3A] : memref<2x10000x128xf32, #tpu.memory_space<hbm>> -> memref<1x400x128xf32, #tpu.memory_space<hbm>>
        %dma_wait3A_41 = tpu.memref_squeeze %dma_wait3A_40 : memref<1x400x128xf32, #tpu.memory_space<hbm>> -> memref<400x128xf32, #tpu.memory_space<hbm>>
        %dma_wait3A_42 = arith.constant 0 : i32
        %dma_wait3A_43 = tpu.memref_slice %arg8[%mul3A_33, %dma_wait3A_42] : memref<10000x128xf32, #tpu.memory_space<vmem_shared>> -> memref<400x128xf32, #tpu.memory_space<vmem_shared>>
        tpu.wait_dma2 semaphore(%run_scoped3A : memref<!tpu.dma_semaphore, #tpu.memory_space<semaphore_mem>>) src(%dma_wait3A_43 : memref<400x128xf32, #tpu.memory_space<vmem_shared>>) dst(%dma_wait3A_41 : memref<400x128xf32, #tpu.memory_space<hbm>>)
        tpu.yield
      }) : () -> ()
    } else {
    }
    %add3A_25 = arith.constant 16 : i32
    %add3A_26 = arith.addi %add3A_25, %arg1 : i32
    %lt3A_27 = arith.constant 25 : i32
    %lt3A_28 = arith.cmpi slt, %add3A_26, %lt3A_27 : i32
    %convert_element_type3A_29 = arith.extui %lt3A_28 : i1 to i32
    %cond3A_30 = arith.constant 0 : i32
    %cond3A_31 = arith.cmpi ne, %convert_element_type3A_29, %cond3A_30 : i32
    scf.if %cond3A_31 {
      %mul3A_32 = arith.constant 400 : i32
      %mul3A_33 = arith.muli %add3A_26, %mul3A_32 : i32
      %mul3A_34 = arith.constant 400 : i32
      %mul3A_35 = arith.muli %add3A_26, %mul3A_34 : i32
      "tpu.region"() ({
        %run_scoped3A = tpu.sem_alloc : memref<!tpu.dma_semaphore, #tpu.memory_space<semaphore_mem>>
        %dma_start3A = arith.constant 0 : i32
        %dma_start3A_36 = tpu.memref_slice %arg5[%arg0, %mul3A_35, %dma_start3A] : memref<2x10000x128xf32, #tpu.memory_space<hbm>> -> memref<1x400x128xf32, #tpu.memory_space<hbm>>
        %dma_start3A_37 = tpu.memref_squeeze %dma_start3A_36 : memref<1x400x128xf32, #tpu.memory_space<hbm>> -> memref<400x128xf32, #tpu.memory_space<hbm>>
        %dma_start3A_38 = arith.constant 0 : i32
        %dma_start3A_39 = tpu.memref_slice %arg8[%mul3A_33, %dma_start3A_38] : memref<10000x128xf32, #tpu.memory_space<vmem_shared>> -> memref<400x128xf32, #tpu.memory_space<vmem_shared>>
        tpu.enqueue_dma source(%dma_start3A_39 : memref<400x128xf32, #tpu.memory_space<vmem_shared>>) target(%dma_start3A_37 : memref<400x128xf32, #tpu.memory_space<hbm>>) target_semaphore(%run_scoped3A : memref<!tpu.dma_semaphore, #tpu.memory_space<semaphore_mem>>)
        %dma_wait3A = arith.constant 0 : i32
        %dma_wait3A_40 = tpu.memref_slice %arg5[%arg0, %mul3A_35, %dma_wait3A] : memref<2x10000x128xf32, #tpu.memory_space<hbm>> -> memref<1x400x128xf32, #tpu.memory_space<hbm>>
        %dma_wait3A_41 = tpu.memref_squeeze %dma_wait3A_40 : memref<1x400x128xf32, #tpu.memory_space<hbm>> -> memref<400x128xf32, #tpu.memory_space<hbm>>
        %dma_wait3A_42 = arith.constant 0 : i32
        %dma_wait3A_43 = tpu.memref_slice %arg8[%mul3A_33, %dma_wait3A_42] : memref<10000x128xf32, #tpu.memory_space<vmem_shared>> -> memref<400x128xf32, #tpu.memory_space<vmem_shared>>
        tpu.wait_dma2 semaphore(%run_scoped3A : memref<!tpu.dma_semaphore, #tpu.memory_space<semaphore_mem>>) src(%dma_wait3A_43 : memref<400x128xf32, #tpu.memory_space<vmem_shared>>) dst(%dma_wait3A_41 : memref<400x128xf32, #tpu.memory_space<hbm>>)
        tpu.yield
      }) : () -> ()
    } else {
    }
    return
  }
}

#map = affine_map<(d0, d1) -> (0, 0)>
#map1 = affine_map<(d0, d1) -> (0)>
module attributes {stable_mosaic.version = 14 : i64} {
  func.func @k(%arg0: i32, %arg1: i32, %arg2: memref<10000x128xf32, #tpu.memory_space<hbm>>, %arg3: memref<160000xi32, #tpu.memory_space<hbm>>, %arg4: memref<160000xi32, #tpu.memory_space<hbm>>, %arg5: memref<160000x128xf32, #tpu.memory_space<hbm>>, %arg6: memref<160000x128xf32, #tpu.memory_space<hbm>>, %arg7: memref<128xi32, #tpu.memory_space<vmem>>, %arg8: memref<128xi32, #tpu.memory_space<vmem>>, %arg9: memref<128x128xf32, #tpu.memory_space<vmem>>, %arg10: memref<128x128xf32, #tpu.memory_space<vmem>>, %arg11: memref<!tpu.dma_semaphore, #tpu.memory_space<semaphore_mem>>, %arg12: memref<!tpu.dma_semaphore, #tpu.memory_space<semaphore_mem>>) attributes {dimension_semantics = [#tpu.dimension_semantics<core_parallel>, #tpu.dimension_semantics<subcore_parallel>], iteration_bounds = array<i64: 2, 16>, scalar_prefetch = 0 : i64, scratch_operands = 6 : i64, tpu.core_type = #tpu.core_type<sc_vector_subcore>, window_params = [{transform_indices = #map}, {transform_indices = #map1}, {transform_indices = #map1}, {transform_indices = #map}, {transform_indices = #map}]} {
    %mul3A = arith.constant 2 : i32
    %mul3A_0 = arith.muli %arg1, %mul3A : i32
    %add3A = arith.addi %mul3A_0, %arg0 : i32
    %scan3A = arith.constant 0 : i32
    %scan3A_1 = arith.constant 0 : i32
    %scan3A_2 = arith.constant 40 : i32
    %scan3A_3 = arith.addi %scan3A_1, %scan3A_2 : i32
    %scan3A_4 = arith.constant 1 : i32
    scf.for %scan3A_6 = %scan3A_1 to %scan3A_3 step %scan3A_4  : i32 {
      %mul3A_7 = arith.constant 32 : i32
      %mul3A_8 = arith.muli %scan3A_6, %mul3A_7 : i32
      %add3A_9 = arith.addi %mul3A_8, %add3A : i32
      %lt3A = arith.constant 1250 : i32
      %lt3A_10 = arith.cmpi slt, %add3A_9, %lt3A : i32
      %convert_element_type3A = arith.extui %lt3A_10 : i1 to i32
      %cond3A = arith.constant 0 : i32
      %cond3A_11 = arith.cmpi ne, %convert_element_type3A, %cond3A : i32
      scf.if %cond3A_11 {
        %mul3A_12 = arith.constant 128 : i32
        %mul3A_13 = arith.muli %add3A_9, %mul3A_12 : i32
        "tpu.region"() ({
          %run_scoped3A = tpu.sem_alloc : memref<!tpu.dma_semaphore, #tpu.memory_space<semaphore_mem>>
          %dma_start3A_24 = tpu.memref_slice %arg3[%mul3A_13] : memref<160000xi32, #tpu.memory_space<hbm>> -> memref<128xi32, #tpu.memory_space<hbm>>
          %dma_start3A_25 = tpu.memref_slice %arg3[%mul3A_13] : memref<160000xi32, #tpu.memory_space<hbm>> -> memref<128xi32, #tpu.memory_space<hbm>>
          tpu.enqueue_dma source(%dma_start3A_25 : memref<128xi32, #tpu.memory_space<hbm>>) target(%arg7 : memref<128xi32, #tpu.memory_space<vmem>>) target_semaphore(%run_scoped3A : memref<!tpu.dma_semaphore, #tpu.memory_space<semaphore_mem>>)
          %dma_wait3A_26 = tpu.memref_slice %arg3[%mul3A_13] : memref<160000xi32, #tpu.memory_space<hbm>> -> memref<128xi32, #tpu.memory_space<hbm>>
          %dma_wait3A_27 = tpu.memref_slice %arg3[%mul3A_13] : memref<160000xi32, #tpu.memory_space<hbm>> -> memref<128xi32, #tpu.memory_space<hbm>>
          tpu.wait_dma2 semaphore(%run_scoped3A : memref<!tpu.dma_semaphore, #tpu.memory_space<semaphore_mem>>) src(%dma_wait3A_27 : memref<128xi32, #tpu.memory_space<hbm>>) dst(%arg7 : memref<128xi32, #tpu.memory_space<vmem>>)
          tpu.yield
        }) : () -> ()
        "tpu.region"() ({
          %run_scoped3A = tpu.sem_alloc : memref<!tpu.dma_semaphore, #tpu.memory_space<semaphore_mem>>
          %dma_start3A_24 = tpu.memref_slice %arg4[%mul3A_13] : memref<160000xi32, #tpu.memory_space<hbm>> -> memref<128xi32, #tpu.memory_space<hbm>>
          %dma_start3A_25 = tpu.memref_slice %arg4[%mul3A_13] : memref<160000xi32, #tpu.memory_space<hbm>> -> memref<128xi32, #tpu.memory_space<hbm>>
          tpu.enqueue_dma source(%dma_start3A_25 : memref<128xi32, #tpu.memory_space<hbm>>) target(%arg8 : memref<128xi32, #tpu.memory_space<vmem>>) target_semaphore(%run_scoped3A : memref<!tpu.dma_semaphore, #tpu.memory_space<semaphore_mem>>)
          %dma_wait3A_26 = tpu.memref_slice %arg4[%mul3A_13] : memref<160000xi32, #tpu.memory_space<hbm>> -> memref<128xi32, #tpu.memory_space<hbm>>
          %dma_wait3A_27 = tpu.memref_slice %arg4[%mul3A_13] : memref<160000xi32, #tpu.memory_space<hbm>> -> memref<128xi32, #tpu.memory_space<hbm>>
          tpu.wait_dma2 semaphore(%run_scoped3A : memref<!tpu.dma_semaphore, #tpu.memory_space<semaphore_mem>>) src(%dma_wait3A_27 : memref<128xi32, #tpu.memory_space<hbm>>) dst(%arg8 : memref<128xi32, #tpu.memory_space<vmem>>)
          tpu.yield
        }) : () -> ()
        %dma_start3A = arith.constant 0 : i32
        %dma_start3A_14 = arith.constant 0 : i32
        %dma_start3A_15 = tpu.memref_slice %arg2[%dma_start3A, %dma_start3A_14] : memref<10000x128xf32, #tpu.memory_space<hbm>> -> memref<10000x128xf32, #tpu.memory_space<hbm>>
        tpu.enqueue_indirect_dma source(%dma_start3A_15 : memref<10000x128xf32, #tpu.memory_space<hbm>>) target(%arg9 : memref<128x128xf32, #tpu.memory_space<vmem>>) offsets(%arg7 : memref<128xi32, #tpu.memory_space<vmem>>) semaphore(%arg11 : memref<!tpu.dma_semaphore, #tpu.memory_space<semaphore_mem>>)
        %dma_start3A_16 = arith.constant 0 : i32
        %dma_start3A_17 = arith.constant 0 : i32
        %dma_start3A_18 = tpu.memref_slice %arg2[%dma_start3A_16, %dma_start3A_17] : memref<10000x128xf32, #tpu.memory_space<hbm>> -> memref<10000x128xf32, #tpu.memory_space<hbm>>
        tpu.enqueue_indirect_dma source(%dma_start3A_18 : memref<10000x128xf32, #tpu.memory_space<hbm>>) target(%arg10 : memref<128x128xf32, #tpu.memory_space<vmem>>) offsets(%arg8 : memref<128xi32, #tpu.memory_space<vmem>>) semaphore(%arg12 : memref<!tpu.dma_semaphore, #tpu.memory_space<semaphore_mem>>)
        %dma_wait3A = arith.constant 0 : i32
        %dma_wait3A_19 = arith.constant 0 : i32
        %dma_wait3A_20 = tpu.memref_slice %arg2[%dma_wait3A, %dma_wait3A_19] : memref<10000x128xf32, #tpu.memory_space<hbm>> -> memref<10000x128xf32, #tpu.memory_space<hbm>>
        tpu.wait_indirect_dma semaphore(%arg11 : memref<!tpu.dma_semaphore, #tpu.memory_space<semaphore_mem>>) src(%dma_wait3A_20 : memref<10000x128xf32, #tpu.memory_space<hbm>>) dst(%arg9 : memref<128x128xf32, #tpu.memory_space<vmem>>)
        %dma_wait3A_21 = arith.constant 0 : i32
        %dma_wait3A_22 = arith.constant 0 : i32
        %dma_wait3A_23 = tpu.memref_slice %arg2[%dma_wait3A_21, %dma_wait3A_22] : memref<10000x128xf32, #tpu.memory_space<hbm>> -> memref<10000x128xf32, #tpu.memory_space<hbm>>
        tpu.wait_indirect_dma semaphore(%arg12 : memref<!tpu.dma_semaphore, #tpu.memory_space<semaphore_mem>>) src(%dma_wait3A_23 : memref<10000x128xf32, #tpu.memory_space<hbm>>) dst(%arg10 : memref<128x128xf32, #tpu.memory_space<vmem>>)
        "tpu.region"() ({
          %run_scoped3A = tpu.sem_alloc : memref<!tpu.dma_semaphore, #tpu.memory_space<semaphore_mem>>
          %dma_start3A_24 = arith.constant 0 : i32
          %dma_start3A_25 = tpu.memref_slice %arg5[%mul3A_13, %dma_start3A_24] : memref<160000x128xf32, #tpu.memory_space<hbm>> -> memref<128x128xf32, #tpu.memory_space<hbm>>
          %dma_start3A_26 = arith.constant 0 : i32
          %dma_start3A_27 = tpu.memref_slice %arg5[%mul3A_13, %dma_start3A_26] : memref<160000x128xf32, #tpu.memory_space<hbm>> -> memref<128x128xf32, #tpu.memory_space<hbm>>
          tpu.enqueue_dma source(%arg9 : memref<128x128xf32, #tpu.memory_space<vmem>>) target(%dma_start3A_27 : memref<128x128xf32, #tpu.memory_space<hbm>>) target_semaphore(%run_scoped3A : memref<!tpu.dma_semaphore, #tpu.memory_space<semaphore_mem>>)
          %dma_wait3A_28 = arith.constant 0 : i32
          %dma_wait3A_29 = tpu.memref_slice %arg5[%mul3A_13, %dma_wait3A_28] : memref<160000x128xf32, #tpu.memory_space<hbm>> -> memref<128x128xf32, #tpu.memory_space<hbm>>
          %dma_wait3A_30 = arith.constant 0 : i32
          %dma_wait3A_31 = tpu.memref_slice %arg5[%mul3A_13, %dma_wait3A_30] : memref<160000x128xf32, #tpu.memory_space<hbm>> -> memref<128x128xf32, #tpu.memory_space<hbm>>
          tpu.wait_dma2 semaphore(%run_scoped3A : memref<!tpu.dma_semaphore, #tpu.memory_space<semaphore_mem>>) src(%arg9 : memref<128x128xf32, #tpu.memory_space<vmem>>) dst(%dma_wait3A_31 : memref<128x128xf32, #tpu.memory_space<hbm>>)
          tpu.yield
        }) : () -> ()
        "tpu.region"() ({
          %run_scoped3A = tpu.sem_alloc : memref<!tpu.dma_semaphore, #tpu.memory_space<semaphore_mem>>
          %dma_start3A_24 = arith.constant 0 : i32
          %dma_start3A_25 = tpu.memref_slice %arg6[%mul3A_13, %dma_start3A_24] : memref<160000x128xf32, #tpu.memory_space<hbm>> -> memref<128x128xf32, #tpu.memory_space<hbm>>
          %dma_start3A_26 = arith.constant 0 : i32
          %dma_start3A_27 = tpu.memref_slice %arg6[%mul3A_13, %dma_start3A_26] : memref<160000x128xf32, #tpu.memory_space<hbm>> -> memref<128x128xf32, #tpu.memory_space<hbm>>
          tpu.enqueue_dma source(%arg10 : memref<128x128xf32, #tpu.memory_space<vmem>>) target(%dma_start3A_27 : memref<128x128xf32, #tpu.memory_space<hbm>>) target_semaphore(%run_scoped3A : memref<!tpu.dma_semaphore, #tpu.memory_space<semaphore_mem>>)
          %dma_wait3A_28 = arith.constant 0 : i32
          %dma_wait3A_29 = tpu.memref_slice %arg6[%mul3A_13, %dma_wait3A_28] : memref<160000x128xf32, #tpu.memory_space<hbm>> -> memref<128x128xf32, #tpu.memory_space<hbm>>
          %dma_wait3A_30 = arith.constant 0 : i32
          %dma_wait3A_31 = tpu.memref_slice %arg6[%mul3A_13, %dma_wait3A_30] : memref<160000x128xf32, #tpu.memory_space<hbm>> -> memref<128x128xf32, #tpu.memory_space<hbm>>
          tpu.wait_dma2 semaphore(%run_scoped3A : memref<!tpu.dma_semaphore, #tpu.memory_space<semaphore_mem>>) src(%arg10 : memref<128x128xf32, #tpu.memory_space<vmem>>) dst(%dma_wait3A_31 : memref<128x128xf32, #tpu.memory_space<hbm>>)
          tpu.yield
        }) : () -> ()
      } else {
      }
    }
    %scan3A_5 = arith.constant 40 : i32
    return
  }
}

#map = affine_map<(d0, d1) -> (0, 0)>
#map1 = affine_map<(d0, d1) -> (0)>
#map2 = affine_map<(d0, d1) -> (0, 0, 0)>
module attributes {stable_mosaic.version = 14 : i64} {
  func.func @k(%arg0: i32, %arg1: i32, %arg2: memref<160000x128xf32, #tpu.memory_space<hbm>>, %arg3: memref<160000xi32, #tpu.memory_space<hbm>>, %arg4: memref<10000x128xf32, #tpu.memory_space<hbm>>, %arg5: memref<2x10000x128xf32, #tpu.memory_space<hbm>>, %arg6: memref<128xi32, #tpu.memory_space<vmem>>, %arg7: memref<128x128xf32, #tpu.memory_space<vmem>>, %arg8: memref<10000x128xf32, #tpu.memory_space<vmem_shared>>) attributes {dimension_semantics = [#tpu.dimension_semantics<core_parallel>, #tpu.dimension_semantics<subcore_parallel>], iteration_bounds = array<i64: 2, 16>, scalar_prefetch = 0 : i64, scratch_operands = 3 : i64, tpu.core_type = #tpu.core_type<sc_vector_subcore>, window_params = [{transform_indices = #map}, {transform_indices = #map1}, {transform_indices = #map}, {transform_indices = #map2}]} {
    %mul3A = arith.constant 2 : i32
    %mul3A_0 = arith.muli %arg1, %mul3A : i32
    %add3A = arith.addi %mul3A_0, %arg0 : i32
    %add3A_1 = arith.constant 0 : i32
    %add3A_2 = arith.addi %add3A_1, %arg1 : i32
    %lt3A = arith.constant 25 : i32
    %lt3A_3 = arith.cmpi slt, %add3A_2, %lt3A : i32
    %convert_element_type3A = arith.extui %lt3A_3 : i1 to i32
    %cond3A = arith.constant 0 : i32
    %cond3A_4 = arith.cmpi ne, %convert_element_type3A, %cond3A : i32
    scf.if %cond3A_4 {
      %mul3A_32 = arith.constant 400 : i32
      %mul3A_33 = arith.muli %add3A_2, %mul3A_32 : i32
      %mul3A_34 = arith.constant 400 : i32
      %mul3A_35 = arith.muli %add3A_2, %mul3A_34 : i32
      "tpu.region"() ({
        %run_scoped3A = tpu.sem_alloc : memref<!tpu.dma_semaphore, #tpu.memory_space<semaphore_mem>>
        %dma_start3A = arith.constant 0 : i32
        %dma_start3A_36 = tpu.memref_slice %arg8[%mul3A_35, %dma_start3A] : memref<10000x128xf32, #tpu.memory_space<vmem_shared>> -> memref<400x128xf32, #tpu.memory_space<vmem_shared>>
        %dma_start3A_37 = arith.constant 0 : i32
        %dma_start3A_38 = tpu.memref_slice %arg4[%mul3A_33, %dma_start3A_37] : memref<10000x128xf32, #tpu.memory_space<hbm>> -> memref<400x128xf32, #tpu.memory_space<hbm>>
        tpu.enqueue_dma source(%dma_start3A_38 : memref<400x128xf32, #tpu.memory_space<hbm>>) target(%dma_start3A_36 : memref<400x128xf32, #tpu.memory_space<vmem_shared>>) target_semaphore(%run_scoped3A : memref<!tpu.dma_semaphore, #tpu.memory_space<semaphore_mem>>)
        %dma_wait3A = arith.constant 0 : i32
        %dma_wait3A_39 = tpu.memref_slice %arg8[%mul3A_35, %dma_wait3A] : memref<10000x128xf32, #tpu.memory_space<vmem_shared>> -> memref<400x128xf32, #tpu.memory_space<vmem_shared>>
        %dma_wait3A_40 = arith.constant 0 : i32
        %dma_wait3A_41 = tpu.memref_slice %arg4[%mul3A_33, %dma_wait3A_40] : memref<10000x128xf32, #tpu.memory_space<hbm>> -> memref<400x128xf32, #tpu.memory_space<hbm>>
        tpu.wait_dma2 semaphore(%run_scoped3A : memref<!tpu.dma_semaphore, #tpu.memory_space<semaphore_mem>>) src(%dma_wait3A_41 : memref<400x128xf32, #tpu.memory_space<hbm>>) dst(%dma_wait3A_39 : memref<400x128xf32, #tpu.memory_space<vmem_shared>>)
        tpu.yield
      }) : () -> ()
    } else {
    }
    %add3A_5 = arith.constant 16 : i32
    %add3A_6 = arith.addi %add3A_5, %arg1 : i32
    %lt3A_7 = arith.constant 25 : i32
    %lt3A_8 = arith.cmpi slt, %add3A_6, %lt3A_7 : i32
    %convert_element_type3A_9 = arith.extui %lt3A_8 : i1 to i32
    %cond3A_10 = arith.constant 0 : i32
    %cond3A_11 = arith.cmpi ne, %convert_element_type3A_9, %cond3A_10 : i32
    scf.if %cond3A_11 {
      %mul3A_32 = arith.constant 400 : i32
      %mul3A_33 = arith.muli %add3A_6, %mul3A_32 : i32
      %mul3A_34 = arith.constant 400 : i32
      %mul3A_35 = arith.muli %add3A_6, %mul3A_34 : i32
      "tpu.region"() ({
        %run_scoped3A = tpu.sem_alloc : memref<!tpu.dma_semaphore, #tpu.memory_space<semaphore_mem>>
        %dma_start3A = arith.constant 0 : i32
        %dma_start3A_36 = tpu.memref_slice %arg8[%mul3A_35, %dma_start3A] : memref<10000x128xf32, #tpu.memory_space<vmem_shared>> -> memref<400x128xf32, #tpu.memory_space<vmem_shared>>
        %dma_start3A_37 = arith.constant 0 : i32
        %dma_start3A_38 = tpu.memref_slice %arg4[%mul3A_33, %dma_start3A_37] : memref<10000x128xf32, #tpu.memory_space<hbm>> -> memref<400x128xf32, #tpu.memory_space<hbm>>
        tpu.enqueue_dma source(%dma_start3A_38 : memref<400x128xf32, #tpu.memory_space<hbm>>) target(%dma_start3A_36 : memref<400x128xf32, #tpu.memory_space<vmem_shared>>) target_semaphore(%run_scoped3A : memref<!tpu.dma_semaphore, #tpu.memory_space<semaphore_mem>>)
        %dma_wait3A = arith.constant 0 : i32
        %dma_wait3A_39 = tpu.memref_slice %arg8[%mul3A_35, %dma_wait3A] : memref<10000x128xf32, #tpu.memory_space<vmem_shared>> -> memref<400x128xf32, #tpu.memory_space<vmem_shared>>
        %dma_wait3A_40 = arith.constant 0 : i32
        %dma_wait3A_41 = tpu.memref_slice %arg4[%mul3A_33, %dma_wait3A_40] : memref<10000x128xf32, #tpu.memory_space<hbm>> -> memref<400x128xf32, #tpu.memory_space<hbm>>
        tpu.wait_dma2 semaphore(%run_scoped3A : memref<!tpu.dma_semaphore, #tpu.memory_space<semaphore_mem>>) src(%dma_wait3A_41 : memref<400x128xf32, #tpu.memory_space<hbm>>) dst(%dma_wait3A_39 : memref<400x128xf32, #tpu.memory_space<vmem_shared>>)
        tpu.yield
      }) : () -> ()
    } else {
    }
    %barrier3A = arith.constant 0 : index
    tpu.barrier barrier_id(%barrier3A)
    %scan3A = arith.constant 0 : i32
    %scan3A_12 = arith.constant 0 : i32
    %scan3A_13 = arith.constant 40 : i32
    %scan3A_14 = arith.addi %scan3A_12, %scan3A_13 : i32
    %scan3A_15 = arith.constant 1 : i32
    scf.for %scan3A_32 = %scan3A_12 to %scan3A_14 step %scan3A_15  : i32 {
      %mul3A_33 = arith.constant 32 : i32
      %mul3A_34 = arith.muli %scan3A_32, %mul3A_33 : i32
      %add3A_35 = arith.addi %mul3A_34, %add3A : i32
      %lt3A_36 = arith.constant 1250 : i32
      %lt3A_37 = arith.cmpi slt, %add3A_35, %lt3A_36 : i32
      %convert_element_type3A_38 = arith.extui %lt3A_37 : i1 to i32
      %cond3A_39 = arith.constant 0 : i32
      %cond3A_40 = arith.cmpi ne, %convert_element_type3A_38, %cond3A_39 : i32
      scf.if %cond3A_40 {
        %mul3A_41 = arith.constant 128 : i32
        %mul3A_42 = arith.muli %add3A_35, %mul3A_41 : i32
        "tpu.region"() ({
          %run_scoped3A = tpu.sem_alloc : memref<!tpu.dma_semaphore, #tpu.memory_space<semaphore_mem>>
          %dma_start3A = tpu.memref_slice %arg3[%mul3A_42] : memref<160000xi32, #tpu.memory_space<hbm>> -> memref<128xi32, #tpu.memory_space<hbm>>
          %dma_start3A_43 = tpu.memref_slice %arg3[%mul3A_42] : memref<160000xi32, #tpu.memory_space<hbm>> -> memref<128xi32, #tpu.memory_space<hbm>>
          tpu.enqueue_dma source(%dma_start3A_43 : memref<128xi32, #tpu.memory_space<hbm>>) target(%arg6 : memref<128xi32, #tpu.memory_space<vmem>>) target_semaphore(%run_scoped3A : memref<!tpu.dma_semaphore, #tpu.memory_space<semaphore_mem>>)
          %dma_wait3A = tpu.memref_slice %arg3[%mul3A_42] : memref<160000xi32, #tpu.memory_space<hbm>> -> memref<128xi32, #tpu.memory_space<hbm>>
          %dma_wait3A_44 = tpu.memref_slice %arg3[%mul3A_42] : memref<160000xi32, #tpu.memory_space<hbm>> -> memref<128xi32, #tpu.memory_space<hbm>>
          tpu.wait_dma2 semaphore(%run_scoped3A : memref<!tpu.dma_semaphore, #tpu.memory_space<semaphore_mem>>) src(%dma_wait3A_44 : memref<128xi32, #tpu.memory_space<hbm>>) dst(%arg6 : memref<128xi32, #tpu.memory_space<vmem>>)
          tpu.yield
        }) : () -> ()
        "tpu.region"() ({
          %run_scoped3A = tpu.sem_alloc : memref<!tpu.dma_semaphore, #tpu.memory_space<semaphore_mem>>
          %dma_start3A = arith.constant 0 : i32
          %dma_start3A_43 = tpu.memref_slice %arg2[%mul3A_42, %dma_start3A] : memref<160000x128xf32, #tpu.memory_space<hbm>> -> memref<128x128xf32, #tpu.memory_space<hbm>>
          %dma_start3A_44 = arith.constant 0 : i32
          %dma_start3A_45 = tpu.memref_slice %arg2[%mul3A_42, %dma_start3A_44] : memref<160000x128xf32, #tpu.memory_space<hbm>> -> memref<128x128xf32, #tpu.memory_space<hbm>>
          tpu.enqueue_dma source(%dma_start3A_45 : memref<128x128xf32, #tpu.memory_space<hbm>>) target(%arg7 : memref<128x128xf32, #tpu.memory_space<vmem>>) target_semaphore(%run_scoped3A : memref<!tpu.dma_semaphore, #tpu.memory_space<semaphore_mem>>)
          %dma_wait3A = arith.constant 0 : i32
          %dma_wait3A_46 = tpu.memref_slice %arg2[%mul3A_42, %dma_wait3A] : memref<160000x128xf32, #tpu.memory_space<hbm>> -> memref<128x128xf32, #tpu.memory_space<hbm>>
          %dma_wait3A_47 = arith.constant 0 : i32
          %dma_wait3A_48 = tpu.memref_slice %arg2[%mul3A_42, %dma_wait3A_47] : memref<160000x128xf32, #tpu.memory_space<hbm>> -> memref<128x128xf32, #tpu.memory_space<hbm>>
          tpu.wait_dma2 semaphore(%run_scoped3A : memref<!tpu.dma_semaphore, #tpu.memory_space<semaphore_mem>>) src(%dma_wait3A_48 : memref<128x128xf32, #tpu.memory_space<hbm>>) dst(%arg7 : memref<128x128xf32, #tpu.memory_space<vmem>>)
          tpu.yield
        }) : () -> ()
        "tpu.region"() ({
          %run_scoped3A = tpu.sem_alloc : memref<!tpu.dma_semaphore, #tpu.memory_space<semaphore_mem>>
          %dma_start3A = arith.constant 0 : i32
          %dma_start3A_43 = arith.constant 0 : i32
          %dma_start3A_44 = tpu.memref_slice %arg8[%dma_start3A, %dma_start3A_43] : memref<10000x128xf32, #tpu.memory_space<vmem_shared>> -> memref<10000x128xf32, #tpu.memory_space<vmem_shared>>
          tpu.enqueue_indirect_dma source(%arg7 : memref<128x128xf32, #tpu.memory_space<vmem>>) target(%dma_start3A_44 : memref<10000x128xf32, #tpu.memory_space<vmem_shared>>) offsets(%arg6 : memref<128xi32, #tpu.memory_space<vmem>>) semaphore(%run_scoped3A : memref<!tpu.dma_semaphore, #tpu.memory_space<semaphore_mem>>) {add = true}
          %dma_wait3A = arith.constant 0 : i32
          %dma_wait3A_45 = arith.constant 0 : i32
          %dma_wait3A_46 = tpu.memref_slice %arg8[%dma_wait3A, %dma_wait3A_45] : memref<10000x128xf32, #tpu.memory_space<vmem_shared>> -> memref<10000x128xf32, #tpu.memory_space<vmem_shared>>
          tpu.wait_indirect_dma semaphore(%run_scoped3A : memref<!tpu.dma_semaphore, #tpu.memory_space<semaphore_mem>>) src(%arg7 : memref<128x128xf32, #tpu.memory_space<vmem>>) dst(%dma_wait3A_46 : memref<10000x128xf32, #tpu.memory_space<vmem_shared>>)
          tpu.yield
        }) : () -> ()
      } else {
      }
    }
    %scan3A_16 = arith.constant 40 : i32
    %barrier3A_17 = arith.constant 0 : index
    tpu.barrier barrier_id(%barrier3A_17)
    %add3A_18 = arith.constant 0 : i32
    %add3A_19 = arith.addi %add3A_18, %arg1 : i32
    %lt3A_20 = arith.constant 25 : i32
    %lt3A_21 = arith.cmpi slt, %add3A_19, %lt3A_20 : i32
    %convert_element_type3A_22 = arith.extui %lt3A_21 : i1 to i32
    %cond3A_23 = arith.constant 0 : i32
    %cond3A_24 = arith.cmpi ne, %convert_element_type3A_22, %cond3A_23 : i32
    scf.if %cond3A_24 {
      %mul3A_32 = arith.constant 400 : i32
      %mul3A_33 = arith.muli %add3A_19, %mul3A_32 : i32
      %mul3A_34 = arith.constant 400 : i32
      %mul3A_35 = arith.muli %add3A_19, %mul3A_34 : i32
      "tpu.region"() ({
        %run_scoped3A = tpu.sem_alloc : memref<!tpu.dma_semaphore, #tpu.memory_space<semaphore_mem>>
        %dma_start3A = arith.constant 0 : i32
        %dma_start3A_36 = tpu.memref_slice %arg5[%arg0, %mul3A_35, %dma_start3A] : memref<2x10000x128xf32, #tpu.memory_space<hbm>> -> memref<1x400x128xf32, #tpu.memory_space<hbm>>
        %dma_start3A_37 = tpu.memref_squeeze %dma_start3A_36 : memref<1x400x128xf32, #tpu.memory_space<hbm>> -> memref<400x128xf32, #tpu.memory_space<hbm>>
        %dma_start3A_38 = arith.constant 0 : i32
        %dma_start3A_39 = tpu.memref_slice %arg8[%mul3A_33, %dma_start3A_38] : memref<10000x128xf32, #tpu.memory_space<vmem_shared>> -> memref<400x128xf32, #tpu.memory_space<vmem_shared>>
        tpu.enqueue_dma source(%dma_start3A_39 : memref<400x128xf32, #tpu.memory_space<vmem_shared>>) target(%dma_start3A_37 : memref<400x128xf32, #tpu.memory_space<hbm>>) target_semaphore(%run_scoped3A : memref<!tpu.dma_semaphore, #tpu.memory_space<semaphore_mem>>)
        %dma_wait3A = arith.constant 0 : i32
        %dma_wait3A_40 = tpu.memref_slice %arg5[%arg0, %mul3A_35, %dma_wait3A] : memref<2x10000x128xf32, #tpu.memory_space<hbm>> -> memref<1x400x128xf32, #tpu.memory_space<hbm>>
        %dma_wait3A_41 = tpu.memref_squeeze %dma_wait3A_40 : memref<1x400x128xf32, #tpu.memory_space<hbm>> -> memref<400x128xf32, #tpu.memory_space<hbm>>
        %dma_wait3A_42 = arith.constant 0 : i32
        %dma_wait3A_43 = tpu.memref_slice %arg8[%mul3A_33, %dma_wait3A_42] : memref<10000x128xf32, #tpu.memory_space<vmem_shared>> -> memref<400x128xf32, #tpu.memory_space<vmem_shared>>
        tpu.wait_dma2 semaphore(%run_scoped3A : memref<!tpu.dma_semaphore, #tpu.memory_space<semaphore_mem>>) src(%dma_wait3A_43 : memref<400x128xf32, #tpu.memory_space<vmem_shared>>) dst(%dma_wait3A_41 : memref<400x128xf32, #tpu.memory_space<hbm>>)
        tpu.yield
      }) : () -> ()
    } else {
    }
    %add3A_25 = arith.constant 16 : i32
    %add3A_26 = arith.addi %add3A_25, %arg1 : i32
    %lt3A_27 = arith.constant 25 : i32
    %lt3A_28 = arith.cmpi slt, %add3A_26, %lt3A_27 : i32
    %convert_element_type3A_29 = arith.extui %lt3A_28 : i1 to i32
    %cond3A_30 = arith.constant 0 : i32
    %cond3A_31 = arith.cmpi ne, %convert_element_type3A_29, %cond3A_30 : i32
    scf.if %cond3A_31 {
      %mul3A_32 = arith.constant 400 : i32
      %mul3A_33 = arith.muli %add3A_26, %mul3A_32 : i32
      %mul3A_34 = arith.constant 400 : i32
      %mul3A_35 = arith.muli %add3A_26, %mul3A_34 : i32
      "tpu.region"() ({
        %run_scoped3A = tpu.sem_alloc : memref<!tpu.dma_semaphore, #tpu.memory_space<semaphore_mem>>
        %dma_start3A = arith.constant 0 : i32
        %dma_start3A_36 = tpu.memref_slice %arg5[%arg0, %mul3A_35, %dma_start3A] : memref<2x10000x128xf32, #tpu.memory_space<hbm>> -> memref<1x400x128xf32, #tpu.memory_space<hbm>>
        %dma_start3A_37 = tpu.memref_squeeze %dma_start3A_36 : memref<1x400x128xf32, #tpu.memory_space<hbm>> -> memref<400x128xf32, #tpu.memory_space<hbm>>
        %dma_start3A_38 = arith.constant 0 : i32
        %dma_start3A_39 = tpu.memref_slice %arg8[%mul3A_33, %dma_start3A_38] : memref<10000x128xf32, #tpu.memory_space<vmem_shared>> -> memref<400x128xf32, #tpu.memory_space<vmem_shared>>
        tpu.enqueue_dma source(%dma_start3A_39 : memref<400x128xf32, #tpu.memory_space<vmem_shared>>) target(%dma_start3A_37 : memref<400x128xf32, #tpu.memory_space<hbm>>) target_semaphore(%run_scoped3A : memref<!tpu.dma_semaphore, #tpu.memory_space<semaphore_mem>>)
        %dma_wait3A = arith.constant 0 : i32
        %dma_wait3A_40 = tpu.memref_slice %arg5[%arg0, %mul3A_35, %dma_wait3A] : memref<2x10000x128xf32, #tpu.memory_space<hbm>> -> memref<1x400x128xf32, #tpu.memory_space<hbm>>
        %dma_wait3A_41 = tpu.memref_squeeze %dma_wait3A_40 : memref<1x400x128xf32, #tpu.memory_space<hbm>> -> memref<400x128xf32, #tpu.memory_space<hbm>>
        %dma_wait3A_42 = arith.constant 0 : i32
        %dma_wait3A_43 = tpu.memref_slice %arg8[%mul3A_33, %dma_wait3A_42] : memref<10000x128xf32, #tpu.memory_space<vmem_shared>> -> memref<400x128xf32, #tpu.memory_space<vmem_shared>>
        tpu.wait_dma2 semaphore(%run_scoped3A : memref<!tpu.dma_semaphore, #tpu.memory_space<semaphore_mem>>) src(%dma_wait3A_43 : memref<400x128xf32, #tpu.memory_space<vmem_shared>>) dst(%dma_wait3A_41 : memref<400x128xf32, #tpu.memory_space<hbm>>)
        tpu.yield
      }) : () -> ()
    } else {
    }
    return
  }
}

module attributes {stable_mosaic.version = 14 : i64} {
  func.func @body(%arg0: i32, %arg1: memref<1000x128xf32, #tpu.memory_space<vmem>>, %arg2: memref<128x128xf32, #tpu.memory_space<vmem>>, %arg3: memref<1x128xf32, #tpu.memory_space<vmem>>, %arg4: memref<1x128xf32, #tpu.memory_space<vmem>>, %arg5: memref<1x128xf32, #tpu.memory_space<vmem>>, %arg6: memref<1000x128xf32, #tpu.memory_space<vmem>>) attributes {dimension_semantics = [#tpu.dimension_semantics<arbitrary>], iteration_bounds = array<i64: 10>, scalar_prefetch = 0 : i64, scratch_operands = 0 : i64, tpu.core_type = #tpu.core_type<tc>, window_params = [{transform_indices = @transform_0, window_bounds = array<i64: 1000, 128>}, {pipeline_mode = #tpu.pipeline_mode<synchronous>, transform_indices = @transform_1, window_bounds = array<i64: 128, 128>}, {pipeline_mode = #tpu.pipeline_mode<synchronous>, transform_indices = @transform_2, window_bounds = array<i64: 1, 128>}, {pipeline_mode = #tpu.pipeline_mode<synchronous>, transform_indices = @transform_3, window_bounds = array<i64: 1, 128>}, {pipeline_mode = #tpu.pipeline_mode<synchronous>, transform_indices = @transform_4, window_bounds = array<i64: 1, 128>}, {transform_indices = @transform_5, window_bounds = array<i64: 1000, 128>}]} {
    %get3A = arith.constant 0 : index
    %get3A_0 = arith.constant 0 : index
    %get3A_1 = vector.load %arg1[%get3A, %get3A_0] : memref<1000x128xf32, #tpu.memory_space<vmem>>, vector<1000x128xf32>
    %get3A_2 = arith.constant 0 : index
    %get3A_3 = arith.constant 0 : index
    %get3A_4 = vector.load %arg2[%get3A_2, %get3A_3] : memref<128x128xf32, #tpu.memory_space<vmem>>, vector<128x128xf32>
    %dot_general3A = arith.constant dense<0.000000e+00> : vector<1000x128xf32>
    %dot_general3A_5 = tpu.matmul %get3A_1, %get3A_4, %dot_general3A {dimension_numbers = #tpu.dot_dimension_numbers<[1], [0], [0], [1], [0, 0, 1, 1], [], []>, transpose_lhs_hint = false} : vector<1000x128xf32>, vector<128x128xf32>, vector<1000x128xf32> -> vector<1000x128xf32>
    %get3A_6 = arith.constant 0 : index
    %get3A_7 = arith.constant 0 : index
    %get3A_8 = vector.load %arg3[%get3A_6, %get3A_7] : memref<1x128xf32, #tpu.memory_space<vmem>>, vector<1x128xf32>
    %add3A = vector.broadcast %get3A_8 : vector<1x128xf32> to vector<1000x128xf32>
    %add3A_9 = arith.addf %dot_general3A_5, %add3A : vector<1000x128xf32>
    %get3A_10 = arith.constant 0 : index
    %get3A_11 = arith.constant 0 : index
    %get3A_12 = vector.load %arg4[%get3A_10, %get3A_11] : memref<1x128xf32, #tpu.memory_space<vmem>>, vector<1x128xf32>
    %mul3A = vector.broadcast %get3A_12 : vector<1x128xf32> to vector<1000x128xf32>
    %mul3A_13 = arith.mulf %add3A_9, %mul3A : vector<1000x128xf32>
    %get3A_14 = arith.constant 0 : index
    %get3A_15 = arith.constant 0 : index
    %get3A_16 = vector.load %arg5[%get3A_14, %get3A_15] : memref<1x128xf32, #tpu.memory_space<vmem>>, vector<1x128xf32>
    %add3A_17 = vector.broadcast %get3A_16 : vector<1x128xf32> to vector<1000x128xf32>
    %add3A_18 = arith.addf %mul3A_13, %add3A_17 : vector<1000x128xf32>
    %max3A = arith.constant 0.000000e+00 : f32
    %max3A_19 = vector.broadcast %max3A : f32 to vector<1000x128xf32>
    %max3A_20 = arith.maximumf %add3A_18, %max3A_19 : vector<1000x128xf32>
    %swap3A = arith.constant 0 : index
    %swap3A_21 = arith.constant 0 : index
    %swap3A_22 = vector.load %arg6[%swap3A, %swap3A_21] : memref<1000x128xf32, #tpu.memory_space<vmem>>, vector<1000x128xf32>
    tpu.vector_store %arg6[%swap3A, %swap3A_21], %max3A_20 {strides = array<i32>} : memref<1000x128xf32, #tpu.memory_space<vmem>>, vector<1000x128xf32>,
    return
  }
  func.func @transform_0(%arg0: i32) -> (i32, i32) {
    %c0_i32 = arith.constant 0 : i32
    %c0_i32_0 = arith.constant 0 : i32
    return %arg0, %c0_i32 : i32, i32
  }
  func.func @transform_1(%arg0: i32) -> (i32, i32) {
    %c0_i32 = arith.constant 0 : i32
    %c0_i32_0 = arith.constant 0 : i32
    %c0_i32_1 = arith.constant 0 : i32
    return %c0_i32, %c0_i32_0 : i32, i32
  }
  func.func @transform_2(%arg0: i32) -> (i32, i32) {
    %c0_i32 = arith.constant 0 : i32
    %c0_i32_0 = arith.constant 0 : i32
    %c0_i32_1 = arith.constant 0 : i32
    return %c0_i32, %c0_i32_0 : i32, i32
  }
  func.func @transform_3(%arg0: i32) -> (i32, i32) {
    %c0_i32 = arith.constant 0 : i32
    %c0_i32_0 = arith.constant 0 : i32
    %c0_i32_1 = arith.constant 0 : i32
    return %c0_i32, %c0_i32_0 : i32, i32
  }
  func.func @transform_4(%arg0: i32) -> (i32, i32) {
    %c0_i32 = arith.constant 0 : i32
    %c0_i32_0 = arith.constant 0 : i32
    %c0_i32_1 = arith.constant 0 : i32
    return %c0_i32, %c0_i32_0 : i32, i32
  }
  func.func @transform_5(%arg0: i32) -> (i32, i32) {
    %c0_i32 = arith.constant 0 : i32
    %c0_i32_0 = arith.constant 0 : i32
    return %arg0, %c0_i32 : i32, i32
  }
}

module attributes {stable_mosaic.version = 14 : i64} {
  func.func @body(%arg0: i32, %arg1: memref<2000x128xf32, #tpu.memory_space<vmem>>, %arg2: memref<2000x128xf32, #tpu.memory_space<vmem>>, %arg3: memref<2000x16xf32, #tpu.memory_space<vmem>>, %arg4: memref<128x256xf32, #tpu.memory_space<vmem>>, %arg5: memref<128x256xf32, #tpu.memory_space<vmem>>, %arg6: memref<16x256xf32, #tpu.memory_space<vmem>>, %arg7: memref<1x256xf32, #tpu.memory_space<vmem>>, %arg8: memref<1x256xf32, #tpu.memory_space<vmem>>, %arg9: memref<1x256xf32, #tpu.memory_space<vmem>>, %arg10: memref<256x128xf32, #tpu.memory_space<vmem>>, %arg11: memref<1x128xf32, #tpu.memory_space<vmem>>, %arg12: memref<2000x128xf32, #tpu.memory_space<vmem>>) attributes {dimension_semantics = [#tpu.dimension_semantics<arbitrary>], iteration_bounds = array<i64: 80>, scalar_prefetch = 0 : i64, scratch_operands = 0 : i64, tpu.core_type = #tpu.core_type<tc>, window_params = [{transform_indices = @transform_0, window_bounds = array<i64: 2000, 128>}, {transform_indices = @transform_1, window_bounds = array<i64: 2000, 128>}, {transform_indices = @transform_2, window_bounds = array<i64: 2000, 16>}, {pipeline_mode = #tpu.pipeline_mode<synchronous>, transform_indices = @transform_3, window_bounds = array<i64: 128, 256>}, {pipeline_mode = #tpu.pipeline_mode<synchronous>, transform_indices = @transform_4, window_bounds = array<i64: 128, 256>}, {pipeline_mode = #tpu.pipeline_mode<synchronous>, transform_indices = @transform_5, window_bounds = array<i64: 16, 256>}, {pipeline_mode = #tpu.pipeline_mode<synchronous>, transform_indices = @transform_6, window_bounds = array<i64: 1, 256>}, {pipeline_mode = #tpu.pipeline_mode<synchronous>, transform_indices = @transform_7, window_bounds = array<i64: 1, 256>}, {pipeline_mode = #tpu.pipeline_mode<synchronous>, transform_indices = @transform_8, window_bounds = array<i64: 1, 256>}, {pipeline_mode = #tpu.pipeline_mode<synchronous>, transform_indices = @transform_9, window_bounds = array<i64: 256, 128>}, {pipeline_mode = #tpu.pipeline_mode<synchronous>, transform_indices = @transform_10, window_bounds = array<i64: 1, 128>}, {transform_indices = @transform_11, window_bounds = array<i64: 2000, 128>}]} {
    %get3A = arith.constant 0 : index
    %get3A_0 = arith.constant 0 : index
    %get3A_1 = vector.load %arg1[%get3A, %get3A_0] : memref<2000x128xf32, #tpu.memory_space<vmem>>, vector<2000x128xf32>
    %get3A_2 = arith.constant 0 : index
    %get3A_3 = arith.constant 0 : index
    %get3A_4 = vector.load %arg4[%get3A_2, %get3A_3] : memref<128x256xf32, #tpu.memory_space<vmem>>, vector<128x256xf32>
    %dot_general3A = arith.constant dense<0.000000e+00> : vector<2000x256xf32>
    %dot_general3A_5 = tpu.matmul %get3A_1, %get3A_4, %dot_general3A {dimension_numbers = #tpu.dot_dimension_numbers<[1], [0], [0], [1], [0, 0, 1, 1], [], []>, transpose_lhs_hint = false} : vector<2000x128xf32>, vector<128x256xf32>, vector<2000x256xf32> -> vector<2000x256xf32>
    %get3A_6 = arith.constant 0 : index
    %get3A_7 = arith.constant 0 : index
    %get3A_8 = vector.load %arg2[%get3A_6, %get3A_7] : memref<2000x128xf32, #tpu.memory_space<vmem>>, vector<2000x128xf32>
    %get3A_9 = arith.constant 0 : index
    %get3A_10 = arith.constant 0 : index
    %get3A_11 = vector.load %arg5[%get3A_9, %get3A_10] : memref<128x256xf32, #tpu.memory_space<vmem>>, vector<128x256xf32>
    %dot_general3A_12 = arith.constant dense<0.000000e+00> : vector<2000x256xf32>
    %dot_general3A_13 = tpu.matmul %get3A_8, %get3A_11, %dot_general3A_12 {dimension_numbers = #tpu.dot_dimension_numbers<[1], [0], [0], [1], [0, 0, 1, 1], [], []>, transpose_lhs_hint = false} : vector<2000x128xf32>, vector<128x256xf32>, vector<2000x256xf32> -> vector<2000x256xf32>
    %add3A = arith.addf %dot_general3A_5, %dot_general3A_13 : vector<2000x256xf32>
    %get3A_14 = arith.constant 0 : index
    %get3A_15 = arith.constant 0 : index
    %get3A_16 = vector.load %arg3[%get3A_14, %get3A_15] : memref<2000x16xf32, #tpu.memory_space<vmem>>, vector<2000x16xf32>
    %get3A_17 = arith.constant 0 : index
    %get3A_18 = arith.constant 0 : index
    %get3A_19 = vector.load %arg6[%get3A_17, %get3A_18] : memref<16x256xf32, #tpu.memory_space<vmem>>, vector<16x256xf32>
    %dot_general3A_20 = arith.constant dense<0.000000e+00> : vector<2000x256xf32>
    %dot_general3A_21 = tpu.matmul %get3A_16, %get3A_19, %dot_general3A_20 {dimension_numbers = #tpu.dot_dimension_numbers<[1], [0], [0], [1], [0, 0, 1, 1], [], []>, transpose_lhs_hint = false} : vector<2000x16xf32>, vector<16x256xf32>, vector<2000x256xf32> -> vector<2000x256xf32>
    %add3A_22 = arith.addf %add3A, %dot_general3A_21 : vector<2000x256xf32>
    %get3A_23 = arith.constant 0 : index
    %get3A_24 = arith.constant 0 : index
    %get3A_25 = vector.load %arg7[%get3A_23, %get3A_24] : memref<1x256xf32, #tpu.memory_space<vmem>>, vector<1x256xf32>
    %add3A_26 = vector.broadcast %get3A_25 : vector<1x256xf32> to vector<2000x256xf32>
    %add3A_27 = arith.addf %add3A_22, %add3A_26 : vector<2000x256xf32>
    %get3A_28 = arith.constant 0 : index
    %get3A_29 = arith.constant 0 : index
    %get3A_30 = vector.load %arg8[%get3A_28, %get3A_29] : memref<1x256xf32, #tpu.memory_space<vmem>>, vector<1x256xf32>
    %mul3A = vector.broadcast %get3A_30 : vector<1x256xf32> to vector<2000x256xf32>
    %mul3A_31 = arith.mulf %add3A_27, %mul3A : vector<2000x256xf32>
    %get3A_32 = arith.constant 0 : index
    %get3A_33 = arith.constant 0 : index
    %get3A_34 = vector.load %arg9[%get3A_32, %get3A_33] : memref<1x256xf32, #tpu.memory_space<vmem>>, vector<1x256xf32>
    %add3A_35 = vector.broadcast %get3A_34 : vector<1x256xf32> to vector<2000x256xf32>
    %add3A_36 = arith.addf %mul3A_31, %add3A_35 : vector<2000x256xf32>
    %max3A = arith.constant 0.000000e+00 : f32
    %max3A_37 = vector.broadcast %max3A : f32 to vector<2000x256xf32>
    %max3A_38 = arith.maximumf %add3A_36, %max3A_37 : vector<2000x256xf32>
    %get3A_39 = arith.constant 0 : index
    %get3A_40 = arith.constant 0 : index
    %get3A_41 = vector.load %arg10[%get3A_39, %get3A_40] : memref<256x128xf32, #tpu.memory_space<vmem>>, vector<256x128xf32>
    %dot_general3A_42 = arith.constant dense<0.000000e+00> : vector<2000x128xf32>
    %dot_general3A_43 = tpu.matmul %max3A_38, %get3A_41, %dot_general3A_42 {dimension_numbers = #tpu.dot_dimension_numbers<[1], [0], [0], [1], [0, 0, 1, 1], [], []>, transpose_lhs_hint = false} : vector<2000x256xf32>, vector<256x128xf32>, vector<2000x128xf32> -> vector<2000x128xf32>
    %get3A_44 = arith.constant 0 : index
    %get3A_45 = arith.constant 0 : index
    %get3A_46 = vector.load %arg11[%get3A_44, %get3A_45] : memref<1x128xf32, #tpu.memory_space<vmem>>, vector<1x128xf32>
    %add3A_47 = vector.broadcast %get3A_46 : vector<1x128xf32> to vector<2000x128xf32>
    %add3A_48 = arith.addf %dot_general3A_43, %add3A_47 : vector<2000x128xf32>
    %swap3A = arith.constant 0 : index
    %swap3A_49 = arith.constant 0 : index
    %swap3A_50 = vector.load %arg12[%swap3A, %swap3A_49] : memref<2000x128xf32, #tpu.memory_space<vmem>>, vector<2000x128xf32>
    tpu.vector_store %arg12[%swap3A, %swap3A_49], %add3A_48 {strides = array<i32>} : memref<2000x128xf32, #tpu.memory_space<vmem>>, vector<2000x128xf32>,
    return
  }
  func.func @transform_0(%arg0: i32) -> (i32, i32) {
    %c0_i32 = arith.constant 0 : i32
    %c0_i32_0 = arith.constant 0 : i32
    return %arg0, %c0_i32 : i32, i32
  }
  func.func @transform_1(%arg0: i32) -> (i32, i32) {
    %c0_i32 = arith.constant 0 : i32
    %c0_i32_0 = arith.constant 0 : i32
    return %arg0, %c0_i32 : i32, i32
  }
  func.func @transform_2(%arg0: i32) -> (i32, i32) {
    %c0_i32 = arith.constant 0 : i32
    %c0_i32_0 = arith.constant 0 : i32
    return %arg0, %c0_i32 : i32, i32
  }
  func.func @transform_3(%arg0: i32) -> (i32, i32) {
    %c0_i32 = arith.constant 0 : i32
    %c0_i32_0 = arith.constant 0 : i32
    %c0_i32_1 = arith.constant 0 : i32
    return %c0_i32, %c0_i32_0 : i32, i32
  }
  func.func @transform_4(%arg0: i32) -> (i32, i32) {
    %c0_i32 = arith.constant 0 : i32
    %c0_i32_0 = arith.constant 0 : i32
    %c0_i32_1 = arith.constant 0 : i32
    return %c0_i32, %c0_i32_0 : i32, i32
  }
  func.func @transform_5(%arg0: i32) -> (i32, i32) {
    %c0_i32 = arith.constant 0 : i32
    %c0_i32_0 = arith.constant 0 : i32
    %c0_i32_1 = arith.constant 0 : i32
    return %c0_i32, %c0_i32_0 : i32, i32
  }
  func.func @transform_6(%arg0: i32) -> (i32, i32) {
    %c0_i32 = arith.constant 0 : i32
    %c0_i32_0 = arith.constant 0 : i32
    %c0_i32_1 = arith.constant 0 : i32
    return %c0_i32, %c0_i32_0 : i32, i32
  }
  func.func @transform_7(%arg0: i32) -> (i32, i32) {
    %c0_i32 = arith.constant 0 : i32
    %c0_i32_0 = arith.constant 0 : i32
    %c0_i32_1 = arith.constant 0 : i32
    return %c0_i32, %c0_i32_0 : i32, i32
  }
  func.func @transform_8(%arg0: i32) -> (i32, i32) {
    %c0_i32 = arith.constant 0 : i32
    %c0_i32_0 = arith.constant 0 : i32
    %c0_i32_1 = arith.constant 0 : i32
    return %c0_i32, %c0_i32_0 : i32, i32
  }
  func.func @transform_9(%arg0: i32) -> (i32, i32) {
    %c0_i32 = arith.constant 0 : i32
    %c0_i32_0 = arith.constant 0 : i32
    %c0_i32_1 = arith.constant 0 : i32
    return %c0_i32, %c0_i32_0 : i32, i32
  }
  func.func @transform_10(%arg0: i32) -> (i32, i32) {
    %c0_i32 = arith.constant 0 : i32
    %c0_i32_0 = arith.constant 0 : i32
    %c0_i32_1 = arith.constant 0 : i32
    return %c0_i32, %c0_i32_0 : i32, i32
  }
  func.func @transform_11(%arg0: i32) -> (i32, i32) {
    %c0_i32 = arith.constant 0 : i32
    %c0_i32_0 = arith.constant 0 : i32
    return %arg0, %c0_i32 : i32, i32
  }
}

module attributes {stable_mosaic.version = 14 : i64} {
  func.func @body(%arg0: i32, %arg1: memref<1000x128xf32, #tpu.memory_space<vmem>>, %arg2: memref<1000x128xf32, #tpu.memory_space<vmem>>, %arg3: memref<1000x128xf32, #tpu.memory_space<vmem>>, %arg4: memref<128x256xf32, #tpu.memory_space<vmem>>, %arg5: memref<1x256xf32, #tpu.memory_space<vmem>>, %arg6: memref<1x256xf32, #tpu.memory_space<vmem>>, %arg7: memref<1x256xf32, #tpu.memory_space<vmem>>, %arg8: memref<256x128xf32, #tpu.memory_space<vmem>>, %arg9: memref<1x128xf32, #tpu.memory_space<vmem>>, %arg10: memref<128x128xf32, #tpu.memory_space<vmem>>, %arg11: memref<128x128xf32, #tpu.memory_space<vmem>>, %arg12: memref<1x128xf32, #tpu.memory_space<vmem>>, %arg13: memref<1x128xf32, #tpu.memory_space<vmem>>, %arg14: memref<1x128xf32, #tpu.memory_space<vmem>>, %arg15: memref<1x128xf32, #tpu.memory_space<vmem>>, %arg16: memref<1x128xf32, #tpu.memory_space<vmem>>, %arg17: memref<1000x128xf32, #tpu.memory_space<vmem>>) attributes {dimension_semantics = [#tpu.dimension_semantics<arbitrary>], iteration_bounds = array<i64: 10>, scalar_prefetch = 0 : i64, scratch_operands = 0 : i64, tpu.core_type = #tpu.core_type<tc>, window_params = [{transform_indices = @transform_0, window_bounds = array<i64: 1000, 128>}, {transform_indices = @transform_1, window_bounds = array<i64: 1000, 128>}, {transform_indices = @transform_2, window_bounds = array<i64: 1000, 128>}, {pipeline_mode = #tpu.pipeline_mode<synchronous>, transform_indices = @transform_3, window_bounds = array<i64: 128, 256>}, {pipeline_mode = #tpu.pipeline_mode<synchronous>, transform_indices = @transform_4, window_bounds = array<i64: 1, 256>}, {pipeline_mode = #tpu.pipeline_mode<synchronous>, transform_indices = @transform_5, window_bounds = array<i64: 1, 256>}, {pipeline_mode = #tpu.pipeline_mode<synchronous>, transform_indices = @transform_6, window_bounds = array<i64: 1, 256>}, {pipeline_mode = #tpu.pipeline_mode<synchronous>, transform_indices = @transform_7, window_bounds = array<i64: 256, 128>}, {pipeline_mode = #tpu.pipeline_mode<synchronous>, transform_indices = @transform_8, window_bounds = array<i64: 1, 128>}, {pipeline_mode = #tpu.pipeline_mode<synchronous>, transform_indices = @transform_9, window_bounds = array<i64: 128, 128>}, {pipeline_mode = #tpu.pipeline_mode<synchronous>, transform_indices = @transform_10, window_bounds = array<i64: 128, 128>}, {pipeline_mode = #tpu.pipeline_mode<synchronous>, transform_indices = @transform_11, window_bounds = array<i64: 1, 128>}, {pipeline_mode = #tpu.pipeline_mode<synchronous>, transform_indices = @transform_12, window_bounds = array<i64: 1, 128>}, {pipeline_mode = #tpu.pipeline_mode<synchronous>, transform_indices = @transform_13, window_bounds = array<i64: 1, 128>}, {pipeline_mode = #tpu.pipeline_mode<synchronous>, transform_indices = @transform_14, window_bounds = array<i64: 1, 128>}, {pipeline_mode = #tpu.pipeline_mode<synchronous>, transform_indices = @transform_15, window_bounds = array<i64: 1, 128>}, {transform_indices = @transform_16, window_bounds = array<i64: 1000, 128>}]} {
    %get3A = arith.constant 0 : index
    %get3A_0 = arith.constant 0 : index
    %get3A_1 = vector.load %arg1[%get3A, %get3A_0] : memref<1000x128xf32, #tpu.memory_space<vmem>>, vector<1000x128xf32>
    %get3A_2 = arith.constant 0 : index
    %get3A_3 = arith.constant 0 : index
    %get3A_4 = vector.load %arg4[%get3A_2, %get3A_3] : memref<128x256xf32, #tpu.memory_space<vmem>>, vector<128x256xf32>
    %dot_general3A = arith.constant dense<0.000000e+00> : vector<1000x256xf32>
    %dot_general3A_5 = tpu.matmul %get3A_1, %get3A_4, %dot_general3A {dimension_numbers = #tpu.dot_dimension_numbers<[1], [0], [0], [1], [0, 0, 1, 1], [], []>, transpose_lhs_hint = false} : vector<1000x128xf32>, vector<128x256xf32>, vector<1000x256xf32> -> vector<1000x256xf32>
    %get3A_6 = arith.constant 0 : index
    %get3A_7 = arith.constant 0 : index
    %get3A_8 = vector.load %arg5[%get3A_6, %get3A_7] : memref<1x256xf32, #tpu.memory_space<vmem>>, vector<1x256xf32>
    %add3A = vector.broadcast %get3A_8 : vector<1x256xf32> to vector<1000x256xf32>
    %add3A_9 = arith.addf %dot_general3A_5, %add3A : vector<1000x256xf32>
    %get3A_10 = arith.constant 0 : index
    %get3A_11 = arith.constant 0 : index
    %get3A_12 = vector.load %arg6[%get3A_10, %get3A_11] : memref<1x256xf32, #tpu.memory_space<vmem>>, vector<1x256xf32>
    %mul3A = vector.broadcast %get3A_12 : vector<1x256xf32> to vector<1000x256xf32>
    %mul3A_13 = arith.mulf %add3A_9, %mul3A : vector<1000x256xf32>
    %get3A_14 = arith.constant 0 : index
    %get3A_15 = arith.constant 0 : index
    %get3A_16 = vector.load %arg7[%get3A_14, %get3A_15] : memref<1x256xf32, #tpu.memory_space<vmem>>, vector<1x256xf32>
    %add3A_17 = vector.broadcast %get3A_16 : vector<1x256xf32> to vector<1000x256xf32>
    %add3A_18 = arith.addf %mul3A_13, %add3A_17 : vector<1000x256xf32>
    %max3A = arith.constant 0.000000e+00 : f32
    %max3A_19 = vector.broadcast %max3A : f32 to vector<1000x256xf32>
    %max3A_20 = arith.maximumf %add3A_18, %max3A_19 : vector<1000x256xf32>
    %get3A_21 = arith.constant 0 : index
    %get3A_22 = arith.constant 0 : index
    %get3A_23 = vector.load %arg8[%get3A_21, %get3A_22] : memref<256x128xf32, #tpu.memory_space<vmem>>, vector<256x128xf32>
    %dot_general3A_24 = arith.constant dense<0.000000e+00> : vector<1000x128xf32>
    %dot_general3A_25 = tpu.matmul %max3A_20, %get3A_23, %dot_general3A_24 {dimension_numbers = #tpu.dot_dimension_numbers<[1], [0], [0], [1], [0, 0, 1, 1], [], []>, transpose_lhs_hint = false} : vector<1000x256xf32>, vector<256x128xf32>, vector<1000x128xf32> -> vector<1000x128xf32>
    %get3A_26 = arith.constant 0 : index
    %get3A_27 = arith.constant 0 : index
    %get3A_28 = vector.load %arg9[%get3A_26, %get3A_27] : memref<1x128xf32, #tpu.memory_space<vmem>>, vector<1x128xf32>
    %add3A_29 = vector.broadcast %get3A_28 : vector<1x128xf32> to vector<1000x128xf32>
    %add3A_30 = arith.addf %dot_general3A_25, %add3A_29 : vector<1000x128xf32>
    %get3A_31 = arith.constant 0 : index
    %get3A_32 = arith.constant 0 : index
    %get3A_33 = vector.load %arg2[%get3A_31, %get3A_32] : memref<1000x128xf32, #tpu.memory_space<vmem>>, vector<1000x128xf32>
    %get3A_34 = arith.constant 0 : index
    %get3A_35 = arith.constant 0 : index
    %get3A_36 = vector.load %arg3[%get3A_34, %get3A_35] : memref<1000x128xf32, #tpu.memory_space<vmem>>, vector<1000x128xf32>
    %add3A_37 = arith.addf %get3A_33, %get3A_36 : vector<1000x128xf32>
    %add3A_38 = arith.addf %add3A_37, %add3A_30 : vector<1000x128xf32>
    %get3A_39 = arith.constant 0 : index
    %get3A_40 = arith.constant 0 : index
    %get3A_41 = vector.load %arg10[%get3A_39, %get3A_40] : memref<128x128xf32, #tpu.memory_space<vmem>>, vector<128x128xf32>
    %dot_general3A_42 = arith.constant dense<0.000000e+00> : vector<1000x128xf32>
    %dot_general3A_43 = tpu.matmul %get3A_1, %get3A_41, %dot_general3A_42 {dimension_numbers = #tpu.dot_dimension_numbers<[1], [0], [0], [1], [0, 0, 1, 1], [], []>, transpose_lhs_hint = false} : vector<1000x128xf32>, vector<128x128xf32>, vector<1000x128xf32> -> vector<1000x128xf32>
    %get3A_44 = arith.constant 0 : index
    %get3A_45 = arith.constant 0 : index
    %get3A_46 = vector.load %arg11[%get3A_44, %get3A_45] : memref<128x128xf32, #tpu.memory_space<vmem>>, vector<128x128xf32>
    %dot_general3A_47 = arith.constant dense<0.000000e+00> : vector<1000x128xf32>
    %dot_general3A_48 = tpu.matmul %add3A_38, %get3A_46, %dot_general3A_47 {dimension_numbers = #tpu.dot_dimension_numbers<[1], [0], [0], [1], [0, 0, 1, 1], [], []>, transpose_lhs_hint = false} : vector<1000x128xf32>, vector<128x128xf32>, vector<1000x128xf32> -> vector<1000x128xf32>
    %add3A_49 = arith.addf %dot_general3A_43, %dot_general3A_48 : vector<1000x128xf32>
    %get3A_50 = arith.constant 0 : index
    %get3A_51 = arith.constant 0 : index
    %get3A_52 = vector.load %arg12[%get3A_50, %get3A_51] : memref<1x128xf32, #tpu.memory_space<vmem>>, vector<1x128xf32>
    %add3A_53 = vector.broadcast %get3A_52 : vector<1x128xf32> to vector<1000x128xf32>
    %add3A_54 = arith.addf %add3A_49, %add3A_53 : vector<1000x128xf32>
    %get3A_55 = arith.constant 0 : index
    %get3A_56 = arith.constant 0 : index
    %get3A_57 = vector.load %arg13[%get3A_55, %get3A_56] : memref<1x128xf32, #tpu.memory_space<vmem>>, vector<1x128xf32>
    %mul3A_58 = vector.broadcast %get3A_57 : vector<1x128xf32> to vector<1000x128xf32>
    %mul3A_59 = arith.mulf %add3A_54, %mul3A_58 : vector<1000x128xf32>
    %get3A_60 = arith.constant 0 : index
    %get3A_61 = arith.constant 0 : index
    %get3A_62 = vector.load %arg14[%get3A_60, %get3A_61] : memref<1x128xf32, #tpu.memory_space<vmem>>, vector<1x128xf32>
    %add3A_63 = vector.broadcast %get3A_62 : vector<1x128xf32> to vector<1000x128xf32>
    %add3A_64 = arith.addf %mul3A_59, %add3A_63 : vector<1000x128xf32>
    %max3A_65 = arith.constant 0.000000e+00 : f32
    %max3A_66 = vector.broadcast %max3A_65 : f32 to vector<1000x128xf32>
    %max3A_67 = arith.maximumf %add3A_64, %max3A_66 : vector<1000x128xf32>
    %reduce_sum3A = arith.constant dense<0.000000e+00> : vector<1000xf32>
    %reduce_sum3A_68 = vector.multi_reduction <add>, %max3A_67, %reduce_sum3A [1] : vector<1000x128xf32> to vector<1000xf32>
    %broadcast_in_dim3A = vector.shape_cast %reduce_sum3A_68 : vector<1000xf32> to vector<1000x1xf32>
    %div3A = arith.constant 1.280000e+02 : f32
    %div3A_69 = vector.broadcast %div3A : f32 to vector<1000x1xf32>
    %div3A_70 = arith.divf %broadcast_in_dim3A, %div3A_69 : vector<1000x1xf32>
    %sub3A = vector.broadcast %div3A_70 : vector<1000x1xf32> to vector<1000x128xf32>
    %sub3A_71 = arith.subf %max3A_67, %sub3A : vector<1000x128xf32>
    %integer_pow3A = arith.mulf %sub3A_71, %sub3A_71 : vector<1000x128xf32>
    %reduce_sum3A_72 = arith.constant dense<0.000000e+00> : vector<1000xf32>
    %reduce_sum3A_73 = vector.multi_reduction <add>, %integer_pow3A, %reduce_sum3A_72 [1] : vector<1000x128xf32> to vector<1000xf32>
    %broadcast_in_dim3A_74 = vector.shape_cast %reduce_sum3A_73 : vector<1000xf32> to vector<1000x1xf32>
    %div3A_75 = arith.constant 1.280000e+02 : f32
    %div3A_76 = vector.broadcast %div3A_75 : f32 to vector<1000x1xf32>
    %div3A_77 = arith.divf %broadcast_in_dim3A_74, %div3A_76 : vector<1000x1xf32>
    %sub3A_78 = vector.broadcast %div3A_70 : vector<1000x1xf32> to vector<1000x128xf32>
    %sub3A_79 = arith.subf %max3A_67, %sub3A_78 : vector<1000x128xf32>
    %add3A_80 = arith.constant 9.99999974E-6 : f32
    %add3A_81 = vector.broadcast %add3A_80 : f32 to vector<1000x1xf32>
    %add3A_82 = arith.addf %div3A_77, %add3A_81 : vector<1000x1xf32>
    %sqrt3A = math.sqrt %add3A_82 : vector<1000x1xf32>
    %div3A_83 = vector.broadcast %sqrt3A : vector<1000x1xf32> to vector<1000x128xf32>
    %div3A_84 = arith.divf %sub3A_79, %div3A_83 : vector<1000x128xf32>
    %get3A_85 = arith.constant 0 : index
    %get3A_86 = arith.constant 0 : index
    %get3A_87 = vector.load %arg15[%get3A_85, %get3A_86] : memref<1x128xf32, #tpu.memory_space<vmem>>, vector<1x128xf32>
    %mul3A_88 = vector.broadcast %get3A_87 : vector<1x128xf32> to vector<1000x128xf32>
    %mul3A_89 = arith.mulf %div3A_84, %mul3A_88 : vector<1000x128xf32>
    %get3A_90 = arith.constant 0 : index
    %get3A_91 = arith.constant 0 : index
    %get3A_92 = vector.load %arg16[%get3A_90, %get3A_91] : memref<1x128xf32, #tpu.memory_space<vmem>>, vector<1x128xf32>
    %add3A_93 = vector.broadcast %get3A_92 : vector<1x128xf32> to vector<1000x128xf32>
    %add3A_94 = arith.addf %mul3A_89, %add3A_93 : vector<1000x128xf32>
    %add3A_95 = arith.addf %get3A_1, %add3A_94 : vector<1000x128xf32>
    %swap3A = arith.constant 0 : index
    %swap3A_96 = arith.constant 0 : index
    %swap3A_97 = vector.load %arg17[%swap3A, %swap3A_96] : memref<1000x128xf32, #tpu.memory_space<vmem>>, vector<1000x128xf32>
    tpu.vector_store %arg17[%swap3A, %swap3A_96], %add3A_95 {strides = array<i32>} : memref<1000x128xf32, #tpu.memory_space<vmem>>, vector<1000x128xf32>,
    return
  }
  func.func @transform_0(%arg0: i32) -> (i32, i32) {
    %c0_i32 = arith.constant 0 : i32
    %c0_i32_0 = arith.constant 0 : i32
    return %arg0, %c0_i32 : i32, i32
  }
  func.func @transform_1(%arg0: i32) -> (i32, i32) {
    %c0_i32 = arith.constant 0 : i32
    %c0_i32_0 = arith.constant 0 : i32
    return %arg0, %c0_i32 : i32, i32
  }
  func.func @transform_2(%arg0: i32) -> (i32, i32) {
    %c0_i32 = arith.constant 0 : i32
    %c0_i32_0 = arith.constant 0 : i32
    return %arg0, %c0_i32 : i32, i32
  }
  func.func @transform_3(%arg0: i32) -> (i32, i32) {
    %c0_i32 = arith.constant 0 : i32
    %c0_i32_0 = arith.constant 0 : i32
    %c0_i32_1 = arith.constant 0 : i32
    return %c0_i32, %c0_i32_0 : i32, i32
  }
  func.func @transform_4(%arg0: i32) -> (i32, i32) {
    %c0_i32 = arith.constant 0 : i32
    %c0_i32_0 = arith.constant 0 : i32
    %c0_i32_1 = arith.constant 0 : i32
    return %c0_i32, %c0_i32_0 : i32, i32
  }
  func.func @transform_5(%arg0: i32) -> (i32, i32) {
    %c0_i32 = arith.constant 0 : i32
    %c0_i32_0 = arith.constant 0 : i32
    %c0_i32_1 = arith.constant 0 : i32
    return %c0_i32, %c0_i32_0 : i32, i32
  }
  func.func @transform_6(%arg0: i32) -> (i32, i32) {
    %c0_i32 = arith.constant 0 : i32
    %c0_i32_0 = arith.constant 0 : i32
    %c0_i32_1 = arith.constant 0 : i32
    return %c0_i32, %c0_i32_0 : i32, i32
  }
  func.func @transform_7(%arg0: i32) -> (i32, i32) {
    %c0_i32 = arith.constant 0 : i32
    %c0_i32_0 = arith.constant 0 : i32
    %c0_i32_1 = arith.constant 0 : i32
    return %c0_i32, %c0_i32_0 : i32, i32
  }
  func.func @transform_8(%arg0: i32) -> (i32, i32) {
    %c0_i32 = arith.constant 0 : i32
    %c0_i32_0 = arith.constant 0 : i32
    %c0_i32_1 = arith.constant 0 : i32
    return %c0_i32, %c0_i32_0 : i32, i32
  }
  func.func @transform_9(%arg0: i32) -> (i32, i32) {
    %c0_i32 = arith.constant 0 : i32
    %c0_i32_0 = arith.constant 0 : i32
    %c0_i32_1 = arith.constant 0 : i32
    return %c0_i32, %c0_i32_0 : i32, i32
  }
  func.func @transform_10(%arg0: i32) -> (i32, i32) {
    %c0_i32 = arith.constant 0 : i32
    %c0_i32_0 = arith.constant 0 : i32
    %c0_i32_1 = arith.constant 0 : i32
    return %c0_i32, %c0_i32_0 : i32, i32
  }
  func.func @transform_11(%arg0: i32) -> (i32, i32) {
    %c0_i32 = arith.constant 0 : i32
    %c0_i32_0 = arith.constant 0 : i32
    %c0_i32_1 = arith.constant 0 : i32
    return %c0_i32, %c0_i32_0 : i32, i32
  }
  func.func @transform_12(%arg0: i32) -> (i32, i32) {
    %c0_i32 = arith.constant 0 : i32
    %c0_i32_0 = arith.constant 0 : i32
    %c0_i32_1 = arith.constant 0 : i32
    return %c0_i32, %c0_i32_0 : i32, i32
  }
  func.func @transform_13(%arg0: i32) -> (i32, i32) {
    %c0_i32 = arith.constant 0 : i32
    %c0_i32_0 = arith.constant 0 : i32
    %c0_i32_1 = arith.constant 0 : i32
    return %c0_i32, %c0_i32_0 : i32, i32
  }
  func.func @transform_14(%arg0: i32) -> (i32, i32) {
    %c0_i32 = arith.constant 0 : i32
    %c0_i32_0 = arith.constant 0 : i32
    %c0_i32_1 = arith.constant 0 : i32
    return %c0_i32, %c0_i32_0 : i32, i32
  }
  func.func @transform_15(%arg0: i32) -> (i32, i32) {
    %c0_i32 = arith.constant 0 : i32
    %c0_i32_0 = arith.constant 0 : i32
    %c0_i32_1 = arith.constant 0 : i32
    return %c0_i32, %c0_i32_0 : i32, i32
  }
  func.func @transform_16(%arg0: i32) -> (i32, i32) {
    %c0_i32 = arith.constant 0 : i32
    %c0_i32_0 = arith.constant 0 : i32
    return %arg0, %c0_i32 : i32, i32
  }
}

module attributes {stable_mosaic.version = 14 : i64} {
  func.func @body(%arg0: i32, %arg1: memref<1000x128xf32, #tpu.memory_space<vmem>>, %arg2: memref<1000x128xf32, #tpu.memory_space<vmem>>, %arg3: memref<1000x128xf32, #tpu.memory_space<vmem>>, %arg4: memref<128x256xf32, #tpu.memory_space<vmem>>, %arg5: memref<1x256xf32, #tpu.memory_space<vmem>>, %arg6: memref<1x256xf32, #tpu.memory_space<vmem>>, %arg7: memref<1x256xf32, #tpu.memory_space<vmem>>, %arg8: memref<256x128xf32, #tpu.memory_space<vmem>>, %arg9: memref<1x128xf32, #tpu.memory_space<vmem>>, %arg10: memref<128x128xf32, #tpu.memory_space<vmem>>, %arg11: memref<128x128xf32, #tpu.memory_space<vmem>>, %arg12: memref<1x128xf32, #tpu.memory_space<vmem>>, %arg13: memref<1x128xf32, #tpu.memory_space<vmem>>, %arg14: memref<1x128xf32, #tpu.memory_space<vmem>>, %arg15: memref<1x128xf32, #tpu.memory_space<vmem>>, %arg16: memref<1x128xf32, #tpu.memory_space<vmem>>, %arg17: memref<1000x128xf32, #tpu.memory_space<vmem>>) attributes {dimension_semantics = [#tpu.dimension_semantics<arbitrary>], iteration_bounds = array<i64: 10>, scalar_prefetch = 0 : i64, scratch_operands = 0 : i64, tpu.core_type = #tpu.core_type<tc>, window_params = [{transform_indices = @transform_0, window_bounds = array<i64: 1000, 128>}, {transform_indices = @transform_1, window_bounds = array<i64: 1000, 128>}, {transform_indices = @transform_2, window_bounds = array<i64: 1000, 128>}, {pipeline_mode = #tpu.pipeline_mode<synchronous>, transform_indices = @transform_3, window_bounds = array<i64: 128, 256>}, {pipeline_mode = #tpu.pipeline_mode<synchronous>, transform_indices = @transform_4, window_bounds = array<i64: 1, 256>}, {pipeline_mode = #tpu.pipeline_mode<synchronous>, transform_indices = @transform_5, window_bounds = array<i64: 1, 256>}, {pipeline_mode = #tpu.pipeline_mode<synchronous>, transform_indices = @transform_6, window_bounds = array<i64: 1, 256>}, {pipeline_mode = #tpu.pipeline_mode<synchronous>, transform_indices = @transform_7, window_bounds = array<i64: 256, 128>}, {pipeline_mode = #tpu.pipeline_mode<synchronous>, transform_indices = @transform_8, window_bounds = array<i64: 1, 128>}, {pipeline_mode = #tpu.pipeline_mode<synchronous>, transform_indices = @transform_9, window_bounds = array<i64: 128, 128>}, {pipeline_mode = #tpu.pipeline_mode<synchronous>, transform_indices = @transform_10, window_bounds = array<i64: 128, 128>}, {pipeline_mode = #tpu.pipeline_mode<synchronous>, transform_indices = @transform_11, window_bounds = array<i64: 1, 128>}, {pipeline_mode = #tpu.pipeline_mode<synchronous>, transform_indices = @transform_12, window_bounds = array<i64: 1, 128>}, {pipeline_mode = #tpu.pipeline_mode<synchronous>, transform_indices = @transform_13, window_bounds = array<i64: 1, 128>}, {pipeline_mode = #tpu.pipeline_mode<synchronous>, transform_indices = @transform_14, window_bounds = array<i64: 1, 128>}, {pipeline_mode = #tpu.pipeline_mode<synchronous>, transform_indices = @transform_15, window_bounds = array<i64: 1, 128>}, {transform_indices = @transform_16, window_bounds = array<i64: 1000, 128>}]} {
    %get3A = arith.constant 0 : index
    %get3A_0 = arith.constant 0 : index
    %get3A_1 = vector.load %arg1[%get3A, %get3A_0] : memref<1000x128xf32, #tpu.memory_space<vmem>>, vector<1000x128xf32>
    %get3A_2 = arith.constant 0 : index
    %get3A_3 = arith.constant 0 : index
    %get3A_4 = vector.load %arg4[%get3A_2, %get3A_3] : memref<128x256xf32, #tpu.memory_space<vmem>>, vector<128x256xf32>
    %dot_general3A = arith.constant dense<0.000000e+00> : vector<1000x256xf32>
    %dot_general3A_5 = tpu.matmul %get3A_1, %get3A_4, %dot_general3A {dimension_numbers = #tpu.dot_dimension_numbers<[1], [0], [0], [1], [0, 0, 1, 1], [], []>, transpose_lhs_hint = false} : vector<1000x128xf32>, vector<128x256xf32>, vector<1000x256xf32> -> vector<1000x256xf32>
    %get3A_6 = arith.constant 0 : index
    %get3A_7 = arith.constant 0 : index
    %get3A_8 = vector.load %arg5[%get3A_6, %get3A_7] : memref<1x256xf32, #tpu.memory_space<vmem>>, vector<1x256xf32>
    %add3A = vector.broadcast %get3A_8 : vector<1x256xf32> to vector<1000x256xf32>
    %add3A_9 = arith.addf %dot_general3A_5, %add3A : vector<1000x256xf32>
    %get3A_10 = arith.constant 0 : index
    %get3A_11 = arith.constant 0 : index
    %get3A_12 = vector.load %arg6[%get3A_10, %get3A_11] : memref<1x256xf32, #tpu.memory_space<vmem>>, vector<1x256xf32>
    %mul3A = vector.broadcast %get3A_12 : vector<1x256xf32> to vector<1000x256xf32>
    %mul3A_13 = arith.mulf %add3A_9, %mul3A : vector<1000x256xf32>
    %get3A_14 = arith.constant 0 : index
    %get3A_15 = arith.constant 0 : index
    %get3A_16 = vector.load %arg7[%get3A_14, %get3A_15] : memref<1x256xf32, #tpu.memory_space<vmem>>, vector<1x256xf32>
    %add3A_17 = vector.broadcast %get3A_16 : vector<1x256xf32> to vector<1000x256xf32>
    %add3A_18 = arith.addf %mul3A_13, %add3A_17 : vector<1000x256xf32>
    %max3A = arith.constant 0.000000e+00 : f32
    %max3A_19 = vector.broadcast %max3A : f32 to vector<1000x256xf32>
    %max3A_20 = arith.maximumf %add3A_18, %max3A_19 : vector<1000x256xf32>
    %get3A_21 = arith.constant 0 : index
    %get3A_22 = arith.constant 0 : index
    %get3A_23 = vector.load %arg8[%get3A_21, %get3A_22] : memref<256x128xf32, #tpu.memory_space<vmem>>, vector<256x128xf32>
    %dot_general3A_24 = arith.constant dense<0.000000e+00> : vector<1000x128xf32>
    %dot_general3A_25 = tpu.matmul %max3A_20, %get3A_23, %dot_general3A_24 {dimension_numbers = #tpu.dot_dimension_numbers<[1], [0], [0], [1], [0, 0, 1, 1], [], []>, transpose_lhs_hint = false} : vector<1000x256xf32>, vector<256x128xf32>, vector<1000x128xf32> -> vector<1000x128xf32>
    %get3A_26 = arith.constant 0 : index
    %get3A_27 = arith.constant 0 : index
    %get3A_28 = vector.load %arg9[%get3A_26, %get3A_27] : memref<1x128xf32, #tpu.memory_space<vmem>>, vector<1x128xf32>
    %add3A_29 = vector.broadcast %get3A_28 : vector<1x128xf32> to vector<1000x128xf32>
    %add3A_30 = arith.addf %dot_general3A_25, %add3A_29 : vector<1000x128xf32>
    %get3A_31 = arith.constant 0 : index
    %get3A_32 = arith.constant 0 : index
    %get3A_33 = vector.load %arg2[%get3A_31, %get3A_32] : memref<1000x128xf32, #tpu.memory_space<vmem>>, vector<1000x128xf32>
    %get3A_34 = arith.constant 0 : index
    %get3A_35 = arith.constant 0 : index
    %get3A_36 = vector.load %arg3[%get3A_34, %get3A_35] : memref<1000x128xf32, #tpu.memory_space<vmem>>, vector<1000x128xf32>
    %add3A_37 = arith.addf %get3A_33, %get3A_36 : vector<1000x128xf32>
    %add3A_38 = arith.addf %add3A_37, %add3A_30 : vector<1000x128xf32>
    %get3A_39 = arith.constant 0 : index
    %get3A_40 = arith.constant 0 : index
    %get3A_41 = vector.load %arg10[%get3A_39, %get3A_40] : memref<128x128xf32, #tpu.memory_space<vmem>>, vector<128x128xf32>
    %dot_general3A_42 = arith.constant dense<0.000000e+00> : vector<1000x128xf32>
    %dot_general3A_43 = tpu.matmul %get3A_1, %get3A_41, %dot_general3A_42 {dimension_numbers = #tpu.dot_dimension_numbers<[1], [0], [0], [1], [0, 0, 1, 1], [], []>, transpose_lhs_hint = false} : vector<1000x128xf32>, vector<128x128xf32>, vector<1000x128xf32> -> vector<1000x128xf32>
    %get3A_44 = arith.constant 0 : index
    %get3A_45 = arith.constant 0 : index
    %get3A_46 = vector.load %arg11[%get3A_44, %get3A_45] : memref<128x128xf32, #tpu.memory_space<vmem>>, vector<128x128xf32>
    %dot_general3A_47 = arith.constant dense<0.000000e+00> : vector<1000x128xf32>
    %dot_general3A_48 = tpu.matmul %add3A_38, %get3A_46, %dot_general3A_47 {dimension_numbers = #tpu.dot_dimension_numbers<[1], [0], [0], [1], [0, 0, 1, 1], [], []>, transpose_lhs_hint = false} : vector<1000x128xf32>, vector<128x128xf32>, vector<1000x128xf32> -> vector<1000x128xf32>
    %add3A_49 = arith.addf %dot_general3A_43, %dot_general3A_48 : vector<1000x128xf32>
    %get3A_50 = arith.constant 0 : index
    %get3A_51 = arith.constant 0 : index
    %get3A_52 = vector.load %arg12[%get3A_50, %get3A_51] : memref<1x128xf32, #tpu.memory_space<vmem>>, vector<1x128xf32>
    %add3A_53 = vector.broadcast %get3A_52 : vector<1x128xf32> to vector<1000x128xf32>
    %add3A_54 = arith.addf %add3A_49, %add3A_53 : vector<1000x128xf32>
    %get3A_55 = arith.constant 0 : index
    %get3A_56 = arith.constant 0 : index
    %get3A_57 = vector.load %arg13[%get3A_55, %get3A_56] : memref<1x128xf32, #tpu.memory_space<vmem>>, vector<1x128xf32>
    %mul3A_58 = vector.broadcast %get3A_57 : vector<1x128xf32> to vector<1000x128xf32>
    %mul3A_59 = arith.mulf %add3A_54, %mul3A_58 : vector<1000x128xf32>
    %get3A_60 = arith.constant 0 : index
    %get3A_61 = arith.constant 0 : index
    %get3A_62 = vector.load %arg14[%get3A_60, %get3A_61] : memref<1x128xf32, #tpu.memory_space<vmem>>, vector<1x128xf32>
    %add3A_63 = vector.broadcast %get3A_62 : vector<1x128xf32> to vector<1000x128xf32>
    %add3A_64 = arith.addf %mul3A_59, %add3A_63 : vector<1000x128xf32>
    %max3A_65 = arith.constant 0.000000e+00 : f32
    %max3A_66 = vector.broadcast %max3A_65 : f32 to vector<1000x128xf32>
    %max3A_67 = arith.maximumf %add3A_64, %max3A_66 : vector<1000x128xf32>
    %reduce_sum3A = arith.constant dense<0.000000e+00> : vector<1000xf32>
    %reduce_sum3A_68 = vector.multi_reduction <add>, %max3A_67, %reduce_sum3A [1] : vector<1000x128xf32> to vector<1000xf32>
    %broadcast_in_dim3A = vector.shape_cast %reduce_sum3A_68 : vector<1000xf32> to vector<1000x1xf32>
    %div3A = arith.constant 1.280000e+02 : f32
    %div3A_69 = vector.broadcast %div3A : f32 to vector<1000x1xf32>
    %div3A_70 = arith.divf %broadcast_in_dim3A, %div3A_69 : vector<1000x1xf32>
    %sub3A = vector.broadcast %div3A_70 : vector<1000x1xf32> to vector<1000x128xf32>
    %sub3A_71 = arith.subf %max3A_67, %sub3A : vector<1000x128xf32>
    %integer_pow3A = arith.mulf %sub3A_71, %sub3A_71 : vector<1000x128xf32>
    %reduce_sum3A_72 = arith.constant dense<0.000000e+00> : vector<1000xf32>
    %reduce_sum3A_73 = vector.multi_reduction <add>, %integer_pow3A, %reduce_sum3A_72 [1] : vector<1000x128xf32> to vector<1000xf32>
    %broadcast_in_dim3A_74 = vector.shape_cast %reduce_sum3A_73 : vector<1000xf32> to vector<1000x1xf32>
    %div3A_75 = arith.constant 1.280000e+02 : f32
    %div3A_76 = vector.broadcast %div3A_75 : f32 to vector<1000x1xf32>
    %div3A_77 = arith.divf %broadcast_in_dim3A_74, %div3A_76 : vector<1000x1xf32>
    %sub3A_78 = vector.broadcast %div3A_70 : vector<1000x1xf32> to vector<1000x128xf32>
    %sub3A_79 = arith.subf %max3A_67, %sub3A_78 : vector<1000x128xf32>
    %add3A_80 = arith.constant 9.99999974E-6 : f32
    %add3A_81 = vector.broadcast %add3A_80 : f32 to vector<1000x1xf32>
    %add3A_82 = arith.addf %div3A_77, %add3A_81 : vector<1000x1xf32>
    %sqrt3A = math.sqrt %add3A_82 : vector<1000x1xf32>
    %div3A_83 = vector.broadcast %sqrt3A : vector<1000x1xf32> to vector<1000x128xf32>
    %div3A_84 = arith.divf %sub3A_79, %div3A_83 : vector<1000x128xf32>
    %get3A_85 = arith.constant 0 : index
    %get3A_86 = arith.constant 0 : index
    %get3A_87 = vector.load %arg15[%get3A_85, %get3A_86] : memref<1x128xf32, #tpu.memory_space<vmem>>, vector<1x128xf32>
    %mul3A_88 = vector.broadcast %get3A_87 : vector<1x128xf32> to vector<1000x128xf32>
    %mul3A_89 = arith.mulf %div3A_84, %mul3A_88 : vector<1000x128xf32>
    %get3A_90 = arith.constant 0 : index
    %get3A_91 = arith.constant 0 : index
    %get3A_92 = vector.load %arg16[%get3A_90, %get3A_91] : memref<1x128xf32, #tpu.memory_space<vmem>>, vector<1x128xf32>
    %add3A_93 = vector.broadcast %get3A_92 : vector<1x128xf32> to vector<1000x128xf32>
    %add3A_94 = arith.addf %mul3A_89, %add3A_93 : vector<1000x128xf32>
    %add3A_95 = arith.addf %get3A_1, %add3A_94 : vector<1000x128xf32>
    %swap3A = arith.constant 0 : index
    %swap3A_96 = arith.constant 0 : index
    %swap3A_97 = vector.load %arg17[%swap3A, %swap3A_96] : memref<1000x128xf32, #tpu.memory_space<vmem>>, vector<1000x128xf32>
    tpu.vector_store %arg17[%swap3A, %swap3A_96], %add3A_95 {strides = array<i32>} : memref<1000x128xf32, #tpu.memory_space<vmem>>, vector<1000x128xf32>,
    return
  }
  func.func @transform_0(%arg0: i32) -> (i32, i32) {
    %c0_i32 = arith.constant 0 : i32
    %c0_i32_0 = arith.constant 0 : i32
    return %arg0, %c0_i32 : i32, i32
  }
  func.func @transform_1(%arg0: i32) -> (i32, i32) {
    %c0_i32 = arith.constant 0 : i32
    %c0_i32_0 = arith.constant 0 : i32
    return %arg0, %c0_i32 : i32, i32
  }
  func.func @transform_2(%arg0: i32) -> (i32, i32) {
    %c0_i32 = arith.constant 0 : i32
    %c0_i32_0 = arith.constant 0 : i32
    return %arg0, %c0_i32 : i32, i32
  }
  func.func @transform_3(%arg0: i32) -> (i32, i32) {
    %c0_i32 = arith.constant 0 : i32
    %c0_i32_0 = arith.constant 0 : i32
    %c0_i32_1 = arith.constant 0 : i32
    return %c0_i32, %c0_i32_0 : i32, i32
  }
  func.func @transform_4(%arg0: i32) -> (i32, i32) {
    %c0_i32 = arith.constant 0 : i32
    %c0_i32_0 = arith.constant 0 : i32
    %c0_i32_1 = arith.constant 0 : i32
    return %c0_i32, %c0_i32_0 : i32, i32
  }
  func.func @transform_5(%arg0: i32) -> (i32, i32) {
    %c0_i32 = arith.constant 0 : i32
    %c0_i32_0 = arith.constant 0 : i32
    %c0_i32_1 = arith.constant 0 : i32
    return %c0_i32, %c0_i32_0 : i32, i32
  }
  func.func @transform_6(%arg0: i32) -> (i32, i32) {
    %c0_i32 = arith.constant 0 : i32
    %c0_i32_0 = arith.constant 0 : i32
    %c0_i32_1 = arith.constant 0 : i32
    return %c0_i32, %c0_i32_0 : i32, i32
  }
  func.func @transform_7(%arg0: i32) -> (i32, i32) {
    %c0_i32 = arith.constant 0 : i32
    %c0_i32_0 = arith.constant 0 : i32
    %c0_i32_1 = arith.constant 0 : i32
    return %c0_i32, %c0_i32_0 : i32, i32
  }
  func.func @transform_8(%arg0: i32) -> (i32, i32) {
    %c0_i32 = arith.constant 0 : i32
    %c0_i32_0 = arith.constant 0 : i32
    %c0_i32_1 = arith.constant 0 : i32
    return %c0_i32, %c0_i32_0 : i32, i32
  }
  func.func @transform_9(%arg0: i32) -> (i32, i32) {
    %c0_i32 = arith.constant 0 : i32
    %c0_i32_0 = arith.constant 0 : i32
    %c0_i32_1 = arith.constant 0 : i32
    return %c0_i32, %c0_i32_0 : i32, i32
  }
  func.func @transform_10(%arg0: i32) -> (i32, i32) {
    %c0_i32 = arith.constant 0 : i32
    %c0_i32_0 = arith.constant 0 : i32
    %c0_i32_1 = arith.constant 0 : i32
    return %c0_i32, %c0_i32_0 : i32, i32
  }
  func.func @transform_11(%arg0: i32) -> (i32, i32) {
    %c0_i32 = arith.constant 0 : i32
    %c0_i32_0 = arith.constant 0 : i32
    %c0_i32_1 = arith.constant 0 : i32
    return %c0_i32, %c0_i32_0 : i32, i32
  }
  func.func @transform_12(%arg0: i32) -> (i32, i32) {
    %c0_i32 = arith.constant 0 : i32
    %c0_i32_0 = arith.constant 0 : i32
    %c0_i32_1 = arith.constant 0 : i32
    return %c0_i32, %c0_i32_0 : i32, i32
  }
  func.func @transform_13(%arg0: i32) -> (i32, i32) {
    %c0_i32 = arith.constant 0 : i32
    %c0_i32_0 = arith.constant 0 : i32
    %c0_i32_1 = arith.constant 0 : i32
    return %c0_i32, %c0_i32_0 : i32, i32
  }
  func.func @transform_14(%arg0: i32) -> (i32, i32) {
    %c0_i32 = arith.constant 0 : i32
    %c0_i32_0 = arith.constant 0 : i32
    %c0_i32_1 = arith.constant 0 : i32
    return %c0_i32, %c0_i32_0 : i32, i32
  }
  func.func @transform_15(%arg0: i32) -> (i32, i32) {
    %c0_i32 = arith.constant 0 : i32
    %c0_i32_0 = arith.constant 0 : i32
    %c0_i32_1 = arith.constant 0 : i32
    return %c0_i32, %c0_i32_0 : i32, i32
  }
  func.func @transform_16(%arg0: i32) -> (i32, i32) {
    %c0_i32 = arith.constant 0 : i32
    %c0_i32_0 = arith.constant 0 : i32
    return %arg0, %c0_i32 : i32, i32
  }
}

</mosaic_0001>

<sc_bundles>
// kernel: kernel.15.cloned.1.call-start
scs
__scs_entry_jumppad:
0x0: {  	(pc) =	sbr.rel $0x88, $3  }
0x1: {  	(tag) =	ssettag $0x0;
	lr =	simm.s32 $0x1  }
0x2: {  	[smem:$0x3F8E] =	sst lr;
	_ =	strace $0xD0000000  }
0x3: {  	_ = 	snop  }
0x4: {  	_ = 	snop  }
0x5: {  	_ = 	snop  }
0x6: {  	_ = 	snop  }
0x7: {  	_ = 	snop  }
__scs_overlays_trampoline_lowered:
0x8: {  	[smem:$0x3F9D] =	sst s0  }
0x9: {  	[smem:$0x3F9E] =	sst s1  }
0xa: {  	[smem:$0x3F9F] =	sst s2  }
0xb: {  	[smem:$0x3FA0] =	sst s3  }
0xc: {  	[smem:$0x3FA1] =	sst s4  }
0xd: {  	[smem:$0x3FA2] =	sst s5  }
0xe: {  	[smem:$0x3FA3] =	sst s6  }
0xf: {  	[smem:$0x3FA4] =	sst s7  }
0x10: {  	[smem:$0x3FA5] =	sst s8  }
0x11: {  	[smem:$0x3FA6] =	sst s9;
	s0 =	simm.s32 @!p0 $0x0  }
0x12: {  	s1 =	sld [smem:$0x3F8C];
	s0 =	simm.s32 @p0 $0x1  }
0x13: {  	[smem:$0x3FA7] =	sst s0;
	s0 =	simm.s32 @!p1 $0x0  }
0x14: {  	s2 =	sld [smem:$0x3F8B];
	s0 =	simm.s32 @p1 $0x1  }
0x15: {  	[smem:$0x3FA8] =	sst s0;
	s0 =	simm.s32 @!p2 $0x0  }
0x16: {  	s3 =	sld [smem:$0x3FDB];
	s0 =	simm.s32 @p2 $0x1  }
0x17: {  	s4 =	simm.s32 $0x1BF5;
	[smem:$0x3FAA] =	sst s0  }
0x18: {  	s0 =	sld [smem:$0x3F8D];
	_ =	swait.ge [sflag:s4], $0x0  }
0x19: {  	s7 =	sld [smem:$0x3F8E]  }
0x1a: {  	s8 =	sadd.s32 $0xFFFFE003, lr  }
0x1b: {  	s9 =	sadd.s32 $0xFFFFFEF7, lr;
	s5 =	simm.s32 $0xFFFFFFFF;
	p2 =	slt.u32 s8, $0xFFFFF086  }
0x1c: {  	p1 =	slt.u32 s9, $0xF7A;
	s5 =	simm.s32 @!p2 $0x0  }
0x1d: {  	s5 =	simm.s32 @p1 $0x1;
	p0 =	seq.s32 s7, s2  }
0x1e: {  	s7 =	smul.u32 @!p0 $0xF7A, s2;
	p2 =	seq.s32 @!p0 s5, $0x0  }
0x1f: {  	s9 =	smul.u32 $0xF7A, s1;
	s8 =	simm.s32 @!p0 $0x1BF5;
	p2 =	por !p2, p0  }
0x20: {  	[sflag:s8] =	ssyncset.s32 @!p0 $0xFFFFF086;
	s6 =	sadd.s32 @!p0 s3, s7;
	s7 =	simm.s32 @!p0 $0x108  }
0x21: {  	s3 =	sadd.s32 s3, s9;
	s6 =	sadd.s32 @!p0 $0x88, s6;
	s7 =	simm.s32 @p2 $0x1082  }
0x22: {  	[simem:s7], [sflag:s8] =	dma.local @!p0 [hbm:s6], $0xF7A  }
0x23: {  	s9 =	sor.u32 $0xD0000000, s2;
	s6 =	simm.s32 $0x108;
	_ =	swait.ge @!p0 [sflag:s8], $0x0  }
0x24: {  	s3 =	sadd.s32 $0x88, s3;
	s6 =	simm.s32 @!p1 $0x1082;
	[sflag:s4] =	ssyncset.s32 $0xFFFFF086  }
0x25: {  	[simem:s6], [sflag:s4] =	dma.local [hbm:s3], $0xF7A  }
0x26: {  	[smem:$0x3F8E] =	sst s1;
	(tag) =	ssettag s2;
	_ =	strace s9  }
0x27: {  	s1 =	sld [smem:$0x3F9E]  }
0x28: {  	s2 =	sld [smem:$0x3F9F]  }
0x29: {  	s4 =	sld [smem:$0x3FA1]  }
0x2a: {  	p0 =	seq.s32 s5, $0x0;
	s5 =	sld [smem:$0x3FA2]  }
0x2b: {  	s6 =	sld [smem:$0x3FA3]  }
0x2c: {  	s7 =	sld [smem:$0x3FA4]  }
0x2d: {  	s3 =	simm.s32 $0x108;
	s8 =	sld [smem:$0x3FA5]  }
0x2e: {  	s3 =	simm.s32 @!p0 $0x1082;
	s9 =	sld [smem:$0x3FA6]  }
0x2f: {  	lr =	sadd.s32 s0, s3;
	s0 =	sld [smem:$0x3F9D]  }
0x30: {  	s3 =	sld [smem:$0x3FA0]  }
0x31: {  	[smem:$0x3FA9] =	sst s10  }
0x32: {  	s10 =	sld [smem:$0x3FA7];
	_ =	sdelay $0x3  }
0x33: {  	p0 =	seq.s32 s10, $0x1;
	s10 =	sld [smem:$0x3FA9];
	_ =	sdelay $0x3  }
0x34: {  	[smem:$0x3FA9] =	sst s10  }
0x35: {  	s10 =	sld [smem:$0x3FA8];
	_ =	sdelay $0x3  }
0x36: {  	p1 =	seq.s32 s10, $0x1;
	s10 =	sld [smem:$0x3FA9];
	_ =	sdelay $0x3  }
0x37: {  	[smem:$0x3FA9] =	sst s10  }
0x38: {  	s10 =	sld [smem:$0x3FAA]  }
0x39: {  	_ = 	snop;
	(pc) =	sbr.ind lr, $3  }
0x3a: {  	_ = 	snop  }
0x3b: {  	_ = 	snop  }
0x3c: {  	p2 =	seq.s32 s10, $0x1;
	s10 =	sld [smem:$0x3FA9]  }
0x3d: {  	_ =	shalt  }
0x3e: {  	_ =	shalt  }
0x3f: {  	_ =	shalt  }
0x40: {  	_ =	shalt  }
0x41: {  	_ =	shalt  }
0x42: {  	_ =	shalt  }
0x43: {  	_ =	shalt  }
0x44: {  	_ =	shalt  }
0x45: {  	_ =	shalt  }
0x46: {  	_ =	shalt  }
0x47: {  	_ =	shalt  }
0x48: {  	_ =	shalt  }
0x49: {  	_ =	shalt  }
0x4a: {  	_ =	shalt  }
0x4b: {  	_ =	shalt  }
0x4c: {  	_ =	shalt  }
0x4d: {  	_ =	shalt  }
0x4e: {  	_ =	shalt  }
0x4f: {  	_ =	shalt  }
0x50: {  	_ =	shalt  }
0x51: {  	_ =	shalt  }
0x52: {  	_ =	shalt  }
0x53: {  	_ =	shalt  }
0x54: {  	_ =	shalt  }
0x55: {  	_ =	shalt  }
0x56: {  	_ =	shalt  }
0x57: {  	_ =	shalt  }
0x58: {  	_ =	shalt  }
0x59: {  	_ =	shalt  }
0x5a: {  	_ =	shalt  }
0x5b: {  	_ =	shalt  }
0x5c: {  	_ =	shalt  }
0x5d: {  	_ =	shalt  }
0x5e: {  	_ =	shalt  }
0x5f: {  	_ =	shalt  }
0x60: {  	_ =	shalt  }
0x61: {  	_ =	shalt  }
0x62: {  	_ =	shalt  }
0x63: {  	_ =	shalt  }
0x64: {  	_ =	shalt  }
0x65: {  	_ =	shalt  }
0x66: {  	_ =	shalt  }
0x67: {  	_ =	shalt  }
0x68: {  	_ =	shalt  }
0x69: {  	_ =	shalt  }
0x6a: {  	_ =	shalt  }
0x6b: {  	_ =	shalt  }
0x6c: {  	_ =	shalt  }
0x6d: {  	_ =	shalt  }
0x6e: {  	_ =	shalt  }
0x6f: {  	_ =	shalt  }
0x70: {  	_ =	shalt  }
0x71: {  	_ =	shalt  }
0x72: {  	_ =	shalt  }
0x73: {  	_ =	shalt  }
0x74: {  	_ =	shalt  }
0x75: {  	_ =	shalt  }
0x76: {  	_ =	shalt  }
0x77: {  	_ =	shalt  }
0x78: {  	_ =	shalt  }
0x79: {  	_ =	shalt  }
0x7a: {  	_ =	shalt  }
0x7b: {  	_ =	shalt  }
0x7c: {  	_ =	shalt  }
0x7d: {  	_ =	shalt  }
0x7e: {  	_ =	shalt  }
0x7f: {  	_ =	shalt  }
0x80: {  	_ =	shalt  }
0x81: {  	_ =	shalt  }
0x82: {  	_ =	shalt  }
0x83: {  	_ =	shalt  }
0x84: {  	_ =	shalt  }
0x85: {  	_ =	shalt  }
0x86: {  	_ =	shalt  }
0x87: {  	_ =	shalt  }
.Lfunc_end0:
.L_simem_size_0:
called_computation_lowered:
.L_overlay_start_0:
0x88: {  	s2 =	sld [smem:$0x3FD9]  }
0x89: {  	s3 =	sld [smem:$0x3FFE];
	_ =	sdelay $0x1  }
0x8a: {  	s1 =	srdreg.scid  }
0x8b: {  	s0 =	sand.u32 $0x1, s1  }
0x8c: {  	s17 =	sshll.u32 s0, $0xA;
	s2 =	sadd.s32 s3, s2  }
0x8d: {  	s2 =	sadd.s32 s2, s17  }
0x8e: {  	[smem:$0x3FB5] =	sst s2  }
0x8f: {  	_ = 	snop  }
0x90: {  	s2 =	sld [smem:$0x3FD0];
	(tm) =	ssettm $0x1  }
0x91: {  	s18 =	sld [smem:$0x3FFB];
	_ =	sdelay $0x3  }
0x92: {  	_ =	strace s18  }
0x93: {  	s3 =	sld [smem:$0x3FFC];
	_ =	sdelay $0x3  }
0x94: {  	_ =	strace s3  }
0x95: {  	s3 =	sld [smem:$0x3FFD];
	_ =	sdelay $0x3  }
0x96: {  	_ =	strace s3  }
0x97: {  	_ =	strace $0x8FFFFFFF  }
0x98: {  	s19 =	sld [smem:$0x3FDB];
	_ =	sdelay $0x1  }
0x99: {  	s4 =	simm.s32 $_scs_section_size  }
0x9a: {  	s5 =	simm.s32 $_size__tile_overlayer_lowered;
	s6 =	simm.s32 $_tile_overlayer_lowered  }
0x9b: {  	s22 =	simm.s32 $0x1BFF;
	s21 =	sshll.u32 s6, $0x1;
	s3 =	sadd.s32 s4, s19  }
0x9c: {  	s7 =	simm.s32 $0x0;
	s20 =	sshll.u32 s5, $0x1;
	s5 =	sadd.s32 s21, s3  }
0x9d: {  	[timem:s7], [sflag:s22] =	dma.local [hbm:s5], s20  }
0x9e: {  	_ =	swait.ge [sflag:s22], s20  }
0x9f: {  	s4 =	ssub.s32 $0x0, s20;
	[sflag:s22] =	ssyncset.done $0x0  }
0xa0: {  	[sflag:s22] =	ssyncadd.s32 s4;
	_ =	sdelay $0x1  }
0xa1: {  	s23 =	simm.s32 $0x1B8B  }
0xa2: {  	_ =	swait.ge [sflag:s23], $0x1  }
0xa3: {  	[sflag:s23] =	ssyncset.done $0x0  }
0xa4: {  	s25 =	simm.s32 $0x1B8E;
	s24 =	sld [smem:$0x3FFE];
	[sflag:s23] =	ssyncadd.s32 $0xFFFFFFFF  }
0xa5: {  	s26 =	simm.s32 $execute0_lowered;
	[smem:$0x3FD2] =	sst s25  }
0xa6: {  	s5 =	sshll.u32 s26, $0x1;
	_ =	strace $0x80000046;
	[dreg:$0x1] =	wrdreg $0xFFFFFFFF  }
0xa7: {  	s28 =	simm.s32 $_size_execute0_lowered;
	s3 =	sadd.s32 s3, s5;
	[dreg:$0x0] =	wrdreg $0x0  }
0xa8: {  	s5 =	sshll.u32 s28, $0x1;
	[dreg:$0x2] =	wrdreg s3  }
0xa9: {  	[dreg:$0x3] =	wrdreg s5  }
0xaa: {  	[dreg:$0x4] =	wrdreg $0xC0  }
0xab: {  	_ =	task [dreg:s7], $0x5FFFF  }
0xac: {  	[dreg:$0x1] =	wrdreg $0xFFFFFFFF  }
0xad: {  	[dreg:$0x0] =	wrdreg $0x60  }
0xae: {  	[dreg:$0x2] =	wrdreg s2  }
0xaf: {  	[dreg:$0x3] =	wrdreg s24  }
0xb0: {  	[dreg:$0x4] =	wrdreg $0x9  }
0xb1: {  	_ =	task.clear_ibuf [dreg:s7], $0x5FFFF;
	_ =	strace $0x90000046  }
0xb2: {  	s29 =	simm.s32 $0x9;
	_ =	strace $0x80000048  }
0xb3: {  	_ =	swait.ge [sflag:s29], $0x1  }
0xb4: {  	[sflag:s29] =	ssyncadd.s32 $0xFFFFFFFF  }
0xb5: {  	_ =	strace $0x90000048  }
0xb6: {  	_ =	sfence  }
0xb7: {  	s30 =	sld [smem:$0x0];
	_ =	sdelay $0x2  }
0xb8: {  	s31 =	sshll.u32 s1, $0xD;
	s1 =	sshrl.u32 s1, $0x2  }
0xb9: {  	s3 =	sand.u32 $0x4000, s31;
	s1 =	sadd.s32 s1, s30  }
0xba: {  	s0 =	sor.u32 s3, s0;
	s1 =	sshll.u32 s1, $0x11  }
0xbb: {  	s0 =	sor.u32 s1, s0  }
0xbc: {  	s0 =	sadd.s32 $0x8F2B, s0  }
0xbd: {  	[sflag:s0] =	ssyncadd.remote.s32 $0x1  }
0xbe: {  	_ =	sfence.sel $0xFFFF  }
0xbf: {  	[dreg:$0x0] =	wrdreg $0xFFFFFFFF;
	(pc) =	sbr.abs _section_cstart, $3  }
0xc0: {  	[dreg:$0x1] =	wrdreg $0xFFFFFFFF  }
0xc1: {  	_ =	task.clear_ibuf [dreg:s7], $0x2FFFF;
	_ =	strace $0x9FFFFFFF  }
0xc2: {  	(tm) =	ssettm $0x7FFFFFFF  }
0xc3: {  	_ =	shalt  }
tec
execute0_lowered:
.L_overlay_start_1:
0x0: {  	(tag) =	ssettag $0x1  }
0x1: {  	s1 =	rddreg [dreg:$0x0]  }
0x2: {  	s4 =	rddreg [dreg:$0x1]  }
0x3: {  	s0 =	rddreg [dreg:$0x2];
	s3 =	simm.s32 $0x0;
	s5 =	srdreg.scid  }
0x4: {  	s2 =	stileid.u32;
	[smem:$0x7FF] =	sst s3;
	s5 =	sand.u32 $0x1, s5  }
0x5: {  	s6 =	sshll.u32 s2, $0x5;
	s8 =	sshll.u32 s2, $0xC;
	_ =	strace $0x80000047  }
0x6: {  	s7 =	ssub.s32 $0x2, s5;
	s6 =	sadd.s32 s6, s4;
	s8 =	sadd.s32 s8, s4  }
0x7: {  	s31 =	sshll.u32 s5, $0x4;
	s10 =	sshll.u32 s5, $0xB;
	s9 =	sshrl.u32 s7, $0x1  }
0x8: {  	s4 =	sshll.u32 s2, $0x1;
	s10 =	sadd.s32 s10, s8;
	s7 =	ssub.s32 s7, s9  }
0x9: {  	s9 =	sadd.s32 s31, s6;
	s8 =	sadd.s32 $0x287600, s10;
	s5 =	smax.u32 s7, $0x1  }
0xa: {  	s6 =	sadd.s32 $0x11600, s9;
	s7 =	sadd.s32 $0xC600, s9;
	s9 =	sadd.s32 $0x16600, s10  }
.LBB2_1:
0xb: {  	p0 =	sgt.u32 s4, $0x4E1  }
0xc: {  	s10 =	sadd.s32 @!p0 $0x0, s7;
	s11 =	simm.s32 @!p0 $0x0;
	s14 =	simm.s32 @!p0 $0x4  }
0xd: {  	[tilespmem:s11], [sflag:$0x4] =	stream.linear.gather @!p0 [hbm4b:s10+s11], $0x80, $0x38;
	[tilespmem:$0x8100] =	vst v63  }
0xe: {  	_ =	swait.ge @!p0 [sflag:s14], $0x80;
	p0 =	por p0, p0  }
0xf: {  	[sflag:s14] =	ssyncset.done @!p0 $0x0  }
0x10: {  	s10 =	sadd.s32 @!p0 $0x0, s6;
	s12 =	simm.s32 @!p0 $0x80;
	[sflag:s14] =	ssyncadd.s32 @!p0 $0xFFFFFF80  }
0x11: {  	[tilespmem:s12], [sflag:$0x4] =	stream.linear.gather @!p0 [hbm4b:s10+s11], $0x80, $0x38;
	[tilespmem:$0x8100] =	vst v63  }
0x12: {  	_ =	swait.ge @!p0 [sflag:s14], $0x80  }
0x13: {  	[sflag:s14] =	ssyncset.done @!p0 $0x0  }
0x14: {  	s10 =	simm.s32 @!p0 $0x100;
	[sflag:s14] =	ssyncadd.s32 @!p0 $0xFFFFFF80  }
0x15: {  	[tilespmem:s10], [sflag:$0x1] =	stream.indirect.gather @!p0 [hbm4b:s1+s12], $0x80, s11, s12, $0xb8;
	[tilespmem:$0x8100] =	vst v63  }
0x16: {  	s15 =	simm.s32 @!p0 $0x4100;
	s13 =	simm.s32 @!p0 $0x1  }
0x17: {  	[tilespmem:s15], [sflag:$0x2] =	stream.indirect.gather @!p0 [hbm4b:s1+s12], $0x80, s12, s12, $0xb8;
	[tilespmem:$0x8100] =	vst v63  }
0x18: {  	_ =	swait.ge @!p0 [sflag:s13], $0x4000  }
0x19: {  	[sflag:s13] =	ssyncset.done @!p0 $0x0  }
0x1a: {  	s12 =	simm.s32 @!p0 $0x2;
	[sflag:s13] =	ssyncadd.s32 @!p0 $0xFFFFC000  }
0x1b: {  	_ =	swait.ge @!p0 [sflag:s12], $0x4000  }
0x1c: {  	[sflag:s12] =	ssyncset.done @!p0 $0x0  }
0x1d: {  	[sflag:s12] =	ssyncadd.s32 @!p0 $0xFFFFC000  }
0x1e: {  	[hbm4b:s9+s11] =	stream.linear.scatter @!p0 [tilespmem:s10], [sflag:$0x4], $0x4000, $0x38;
	[tilespmem:$0x8100] =	vst v63  }
0x1f: {  	_ =	swait.ge @!p0 [sflag:s14], $0x4000  }
0x20: {  	[sflag:s14] =	ssyncset.done @!p0 $0x0  }
0x21: {  	s13 =	simm.s32 $0x400;
	s12 =	simm.s32 $0x200;
	[sflag:s14] =	ssyncadd.s32 @!p0 $0xFFFFC000  }
0x22: {  	[hbm4b:s8+s11] =	stream.linear.scatter @!p0 [tilespmem:s15], [sflag:$0x3], $0x4000, $0x38;
	[tilespmem:$0x8100] =	vst v63  }
0x23: {  	s10 =	sadd.s32 $0x10000, s9;
	s14 =	sadd.s32 $0x20, s4;
	s15 =	simm.s32 @!p0 $0x3  }
0x24: {  	p2 =	sgt.u32 s14, $0x4E1;
	s11 =	sadd.s32 $0x10000, s8;
	_ =	swait.ge @!p0 [sflag:s15], $0x4000  }
.LBB2_2:
0x25: {  	s16 =	sadd.s32 @!p2 s12, s7  }
0x26: {  	s17 =	simm.s32 @!p2 $0x0;
	[sflag:s15] =	ssyncset.done @!p0 $0x0;
	s18 =	smov.u32 s13  }
0x27: {  	s13 =	sadd.s32 $0x200, s13;
	s19 =	simm.s32 @!p2 $0x4;
	[sflag:s15] =	ssyncadd.s32 @!p0 $0xFFFFC000  }
0x28: {  	[tilespmem:s17], [sflag:$0x4] =	stream.linear.gather @!p2 [hbm4b:s16+s17], $0x80, $0x38;
	[tilespmem:$0x8100] =	vst v63  }
0x29: {  	p1 =	sne.s32 s13, $0x5000;
	p0 =	por p2, p2;
	_ =	swait.ge @!p2 [sflag:s19], $0x80  }
0x2a: {  	[sflag:s19] =	ssyncset.done @!p0 $0x0  }
0x2b: {  	s12 =	sadd.s32 @!p0 s12, s6;
	s15 =	simm.s32 @!p0 $0x80;
	[sflag:s19] =	ssyncadd.s32 @!p0 $0xFFFFFF80  }
0x2c: {  	[tilespmem:s15], [sflag:$0x4] =	stream.linear.gather @!p0 [hbm4b:s12+s17], $0x80, $0x38;
	[tilespmem:$0x8100] =	vst v63  }
0x2d: {  	s12 =	smov.u32 s18;
	_ =	swait.ge @!p0 [sflag:s19], $0x80  }
0x2e: {  	[sflag:s19] =	ssyncset.done @!p0 $0x0  }
0x2f: {  	s16 =	simm.s32 @!p0 $0x100;
	[sflag:s19] =	ssyncadd.s32 @!p0 $0xFFFFFF80  }
0x30: {  	[tilespmem:s16], [sflag:$0x1] =	stream.indirect.gather @!p0 [hbm4b:s1+s15], $0x80, s17, s15, $0xb8;
	[tilespmem:$0x8100] =	vst v63  }
0x31: {  	s20 =	simm.s32 @!p0 $0x1;
	s18 =	simm.s32 @!p0 $0x4100  }
0x32: {  	[tilespmem:s18], [sflag:$0x2] =	stream.indirect.gather @!p0 [hbm4b:s1+s15], $0x80, s15, s15, $0xb8;
	[tilespmem:$0x8100] =	vst v63  }
0x33: {  	_ =	swait.ge @!p0 [sflag:s20], $0x4000  }
0x34: {  	[sflag:s20] =	ssyncset.done @!p0 $0x0  }
0x35: {  	s15 =	simm.s32 @!p0 $0x2;
	[sflag:s20] =	ssyncadd.s32 @!p0 $0xFFFFC000  }
0x36: {  	_ =	swait.ge @!p0 [sflag:s15], $0x4000  }
0x37: {  	[sflag:s15] =	ssyncset.done @!p0 $0x0  }
0x38: {  	[sflag:s15] =	ssyncadd.s32 @!p0 $0xFFFFC000  }
0x39: {  	[hbm4b:s10+s17] =	stream.linear.scatter @!p0 [tilespmem:s16], [sflag:$0x4], $0x4000, $0x38;
	[tilespmem:$0x8100] =	vst v63  }
.Ltmp0:
0x3a: {  	_ =	swait.ge @!p0 [sflag:s19], $0x4000;
	(pc) =	sbr.rel @p1 .LBB2_2-.Ltmp0, $4  }
0x3b: {  	s10 =	sadd.s32 $0x10000, s10;
	[sflag:s19] =	ssyncset.done @!p0 $0x0  }
0x3c: {  	s14 =	sadd.s32 $0x20, s14;
	s15 =	simm.s32 @!p0 $0x3;
	[sflag:s19] =	ssyncadd.s32 @!p0 $0xFFFFC000  }
0x3d: {  	[hbm4b:s11+s17] =	stream.linear.scatter @!p0 [tilespmem:s18], [sflag:$0x3], $0x4000, $0x38;
	[tilespmem:$0x8100] =	vst v63  }
0x3e: {  	p2 =	sgt.u32 s14, $0x4E1;
	s11 =	sadd.s32 $0x10000, s11;
	_ =	swait.ge @!p0 [sflag:s15], $0x4000  }
0x3f: {  	s13 =	sadd.s32 @!p2 s12, s7;
	[sflag:s15] =	ssyncset.done @!p0 $0x0  }
0x40: {  	s14 =	simm.s32 @!p2 $0x0;
	s16 =	simm.s32 @!p2 $0x4;
	[sflag:s15] =	ssyncadd.s32 @!p0 $0xFFFFC000  }
0x41: {  	[tilespmem:s14], [sflag:$0x4] =	stream.linear.gather @!p2 [hbm4b:s13+s14], $0x80, $0x38;
	[tilespmem:$0x8100] =	vst v63  }
0x42: {  	p0 =	por p2, p2;
	_ =	swait.ge @!p2 [sflag:s16], $0x80  }
0x43: {  	[sflag:s16] =	ssyncset.done @!p0 $0x0  }
0x44: {  	s12 =	sadd.s32 @!p0 s12, s6;
	s13 =	simm.s32 @!p0 $0x80;
	[sflag:s16] =	ssyncadd.s32 @!p0 $0xFFFFFF80  }
0x45: {  	[tilespmem:s13], [sflag:$0x4] =	stream.linear.gather @!p0 [hbm4b:s12+s14], $0x80, $0x38;
	[tilespmem:$0x8100] =	vst v63  }
0x46: {  	_ =	swait.ge @!p0 [sflag:s16], $0x80  }
0x47: {  	[sflag:s16] =	ssyncset.done @!p0 $0x0  }
0x48: {  	s12 =	simm.s32 @!p0 $0x100;
	[sflag:s16] =	ssyncadd.s32 @!p0 $0xFFFFFF80  }
0x49: {  	[tilespmem:s12], [sflag:$0x1] =	stream.indirect.gather @!p0 [hbm4b:s1+s13], $0x80, s14, s13, $0xb8;
	[tilespmem:$0x8100] =	vst v63  }
0x4a: {  	s15 =	simm.s32 @!p0 $0x4100;
	s17 =	simm.s32 @!p0 $0x1  }
0x4b: {  	[tilespmem:s15], [sflag:$0x2] =	stream.indirect.gather @!p0 [hbm4b:s1+s13], $0x80, s13, s13, $0xb8;
	[tilespmem:$0x8100] =	vst v63  }
0x4c: {  	_ =	swait.ge @!p0 [sflag:s17], $0x4000  }
0x4d: {  	[sflag:s17] =	ssyncset.done @!p0 $0x0  }
0x4e: {  	s13 =	simm.s32 @!p0 $0x2;
	[sflag:s17] =	ssyncadd.s32 @!p0 $0xFFFFC000  }
0x4f: {  	_ =	swait.ge @!p0 [sflag:s13], $0x4000  }
0x50: {  	[sflag:s13] =	ssyncset.done @!p0 $0x0  }
0x51: {  	[sflag:s13] =	ssyncadd.s32 @!p0 $0xFFFFC000  }
0x52: {  	[hbm4b:s10+s14] =	stream.linear.scatter @!p0 [tilespmem:s12], [sflag:$0x4], $0x4000, $0x38;
	[tilespmem:$0x8100] =	vst v63  }
0x53: {  	s3 =	sadd.s32 $0x1, s3;
	_ =	swait.ge @!p0 [sflag:s16], $0x4000  }
0x54: {  	p1 =	sne.s32 s3, s5;
	[sflag:s16] =	ssyncset.done @!p0 $0x0  }
.Ltmp1:
0x55: {  	s10 =	simm.s32 @!p0 $0x3;
	[sflag:s16] =	ssyncadd.s32 @!p0 $0xFFFFC000;
	(pc) =	sbr.rel @p1 .LBB2_1-.Ltmp1, $4  }
0x56: {  	[hbm4b:s11+s14] =	stream.linear.scatter @!p0 [tilespmem:s15], [sflag:$0x3], $0x4000, $0x38;
	[tilespmem:$0x8100] =	vst v63  }
0x57: {  	_ =	swait.ge @!p0 [sflag:s10], $0x4000  }
0x58: {  	[sflag:s10] =	ssyncset.done @!p0 $0x0  }
0x59: {  	[sflag:s10] =	ssyncadd.s32 @!p0 $0xFFFFC000  }
0x5a: {  	_ =	sfence.sel $0x180000  }
0x5b: {  	[bflag:$0x0] =	sbarrier.arrive $0xFFFF  }
0x5c: {  	p0 =	sne.s32 s2, $0x0;
	_ =	strace $0x90000047  }
0x5d: {  	s0 =	sadd.s32 @!p0 $0x100000, s0;
	[bflag:$0x2] =	sbarrier.arrive $0xFFFF  }
0x5e: {  	[sflag:s0] =	ssyncadd.tile.s32 @!p0 $0x1;
	_ =	shalt  }
.Lfunc_end2:
_tile_overlayer_lowered:
.L_overlay_start_2:
0x5f: {  	(tag) =	ssettag $0x2  }
0x60: {  	s0 =	rddreg [dreg:$0x0];
	s2 =	stileid.u32  }
0x61: {  	s1 =	rddreg [dreg:$0x1];
	p0 =	sne.s32 s2, $0x0  }
0x62: {  	s3 =	rddreg [dreg:$0x2];
	[bflag:$0x3] =	sbarrier.arrive $0xFFFF;
	s2 =	simm.s32 @!p0 $0x1C03  }
0x63: {  	[timem:s3], [sflag:s2] =	dma.local @!p0 [hbm:s0], s1  }
0x64: {  	s0 =	simm.s32 @!p0 $0x3  }
0x65: {  	_ =	swait.ge @!p0 [sflag:s0], s1  }
0x66: {  	s1 =	ssub.s32 @!p0 $0x0, s1;
	[sflag:s0] =	ssyncset.done @!p0 $0x0  }
0x67: {  	[sflag:s0] =	ssyncadd.s32 @!p0 s1  }
0x68: {  	[bflag:$0x3] =	sbarrier.arrive $0xFFFF  }
0x69: {  	_ =	shalt  }

// kernel: kernel.18.cloned.1.call-start
scs
__scs_entry_jumppad:
0x0: {  	(pc) =	sbr.rel $0x88, $3  }
0x1: {  	(tag) =	ssettag $0x0;
	lr =	simm.s32 $0x1  }
0x2: {  	[smem:$0x3F8E] =	sst lr;
	_ =	strace $0xD0000000  }
0x3: {  	_ = 	snop  }
0x4: {  	_ = 	snop  }
0x5: {  	_ = 	snop  }
0x6: {  	_ = 	snop  }
0x7: {  	_ = 	snop  }
__scs_overlays_trampoline_lowered:
0x8: {  	[smem:$0x3F9D] =	sst s0  }
0x9: {  	[smem:$0x3F9E] =	sst s1  }
0xa: {  	[smem:$0x3F9F] =	sst s2  }
0xb: {  	[smem:$0x3FA0] =	sst s3  }
0xc: {  	[smem:$0x3FA1] =	sst s4  }
0xd: {  	[smem:$0x3FA2] =	sst s5  }
0xe: {  	[smem:$0x3FA3] =	sst s6  }
0xf: {  	[smem:$0x3FA4] =	sst s7  }
0x10: {  	[smem:$0x3FA5] =	sst s8  }
0x11: {  	[smem:$0x3FA6] =	sst s9;
	s0 =	simm.s32 @!p0 $0x0  }
0x12: {  	s1 =	sld [smem:$0x3F8C];
	s0 =	simm.s32 @p0 $0x1  }
0x13: {  	[smem:$0x3FA7] =	sst s0;
	s0 =	simm.s32 @!p1 $0x0  }
0x14: {  	s2 =	sld [smem:$0x3F8B];
	s0 =	simm.s32 @p1 $0x1  }
0x15: {  	[smem:$0x3FA8] =	sst s0;
	s0 =	simm.s32 @!p2 $0x0  }
0x16: {  	s3 =	sld [smem:$0x3FDB];
	s0 =	simm.s32 @p2 $0x1  }
0x17: {  	s4 =	simm.s32 $0x1BF5;
	[smem:$0x3FAA] =	sst s0  }
0x18: {  	s0 =	sld [smem:$0x3F8D];
	_ =	swait.ge [sflag:s4], $0x0  }
0x19: {  	s7 =	sld [smem:$0x3F8E]  }
0x1a: {  	s8 =	sadd.s32 $0xFFFFE003, lr  }
0x1b: {  	s9 =	sadd.s32 $0xFFFFFEF7, lr;
	s5 =	simm.s32 $0xFFFFFFFF;
	p2 =	slt.u32 s8, $0xFFFFF086  }
0x1c: {  	p1 =	slt.u32 s9, $0xF7A;
	s5 =	simm.s32 @!p2 $0x0  }
0x1d: {  	s5 =	simm.s32 @p1 $0x1;
	p0 =	seq.s32 s7, s2  }
0x1e: {  	s7 =	smul.u32 @!p0 $0xF7A, s2;
	p2 =	seq.s32 @!p0 s5, $0x0  }
0x1f: {  	s9 =	smul.u32 $0xF7A, s1;
	s8 =	simm.s32 @!p0 $0x1BF5;
	p2 =	por !p2, p0  }
0x20: {  	[sflag:s8] =	ssyncset.s32 @!p0 $0xFFFFF086;
	s6 =	sadd.s32 @!p0 s3, s7;
	s7 =	simm.s32 @!p0 $0x108  }
0x21: {  	s3 =	sadd.s32 s3, s9;
	s6 =	sadd.s32 @!p0 $0x88, s6;
	s7 =	simm.s32 @p2 $0x1082  }
0x22: {  	[simem:s7], [sflag:s8] =	dma.local @!p0 [hbm:s6], $0xF7A  }
0x23: {  	s9 =	sor.u32 $0xD0000000, s2;
	s6 =	simm.s32 $0x108;
	_ =	swait.ge @!p0 [sflag:s8], $0x0  }
0x24: {  	s3 =	sadd.s32 $0x88, s3;
	s6 =	simm.s32 @!p1 $0x1082;
	[sflag:s4] =	ssyncset.s32 $0xFFFFF086  }
0x25: {  	[simem:s6], [sflag:s4] =	dma.local [hbm:s3], $0xF7A  }
0x26: {  	[smem:$0x3F8E] =	sst s1;
	(tag) =	ssettag s2;
	_ =	strace s9  }
0x27: {  	s1 =	sld [smem:$0x3F9E]  }
0x28: {  	s2 =	sld [smem:$0x3F9F]  }
0x29: {  	s4 =	sld [smem:$0x3FA1]  }
0x2a: {  	p0 =	seq.s32 s5, $0x0;
	s5 =	sld [smem:$0x3FA2]  }
0x2b: {  	s6 =	sld [smem:$0x3FA3]  }
0x2c: {  	s7 =	sld [smem:$0x3FA4]  }
0x2d: {  	s3 =	simm.s32 $0x108;
	s8 =	sld [smem:$0x3FA5]  }
0x2e: {  	s3 =	simm.s32 @!p0 $0x1082;
	s9 =	sld [smem:$0x3FA6]  }
0x2f: {  	lr =	sadd.s32 s0, s3;
	s0 =	sld [smem:$0x3F9D]  }
0x30: {  	s3 =	sld [smem:$0x3FA0]  }
0x31: {  	[smem:$0x3FA9] =	sst s10  }
0x32: {  	s10 =	sld [smem:$0x3FA7];
	_ =	sdelay $0x3  }
0x33: {  	p0 =	seq.s32 s10, $0x1;
	s10 =	sld [smem:$0x3FA9];
	_ =	sdelay $0x3  }
0x34: {  	[smem:$0x3FA9] =	sst s10  }
0x35: {  	s10 =	sld [smem:$0x3FA8];
	_ =	sdelay $0x3  }
0x36: {  	p1 =	seq.s32 s10, $0x1;
	s10 =	sld [smem:$0x3FA9];
	_ =	sdelay $0x3  }
0x37: {  	[smem:$0x3FA9] =	sst s10  }
0x38: {  	s10 =	sld [smem:$0x3FAA]  }
0x39: {  	_ = 	snop;
	(pc) =	sbr.ind lr, $3  }
0x3a: {  	_ = 	snop  }
0x3b: {  	_ = 	snop  }
0x3c: {  	p2 =	seq.s32 s10, $0x1;
	s10 =	sld [smem:$0x3FA9]  }
0x3d: {  	_ =	shalt  }
0x3e: {  	_ =	shalt  }
0x3f: {  	_ =	shalt  }
0x40: {  	_ =	shalt  }
0x41: {  	_ =	shalt  }
0x42: {  	_ =	shalt  }
0x43: {  	_ =	shalt  }
0x44: {  	_ =	shalt  }
0x45: {  	_ =	shalt  }
0x46: {  	_ =	shalt  }
0x47: {  	_ =	shalt  }
0x48: {  	_ =	shalt  }
0x49: {  	_ =	shalt  }
0x4a: {  	_ =	shalt  }
0x4b: {  	_ =	shalt  }
0x4c: {  	_ =	shalt  }
0x4d: {  	_ =	shalt  }
0x4e: {  	_ =	shalt  }
0x4f: {  	_ =	shalt  }
0x50: {  	_ =	shalt  }
0x51: {  	_ =	shalt  }
0x52: {  	_ =	shalt  }
0x53: {  	_ =	shalt  }
0x54: {  	_ =	shalt  }
0x55: {  	_ =	shalt  }
0x56: {  	_ =	shalt  }
0x57: {  	_ =	shalt  }
0x58: {  	_ =	shalt  }
0x59: {  	_ =	shalt  }
0x5a: {  	_ =	shalt  }
0x5b: {  	_ =	shalt  }
0x5c: {  	_ =	shalt  }
0x5d: {  	_ =	shalt  }
0x5e: {  	_ =	shalt  }
0x5f: {  	_ =	shalt  }
0x60: {  	_ =	shalt  }
0x61: {  	_ =	shalt  }
0x62: {  	_ =	shalt  }
0x63: {  	_ =	shalt  }
0x64: {  	_ =	shalt  }
0x65: {  	_ =	shalt  }
0x66: {  	_ =	shalt  }
0x67: {  	_ =	shalt  }
0x68: {  	_ =	shalt  }
0x69: {  	_ =	shalt  }
0x6a: {  	_ =	shalt  }
0x6b: {  	_ =	shalt  }
0x6c: {  	_ =	shalt  }
0x6d: {  	_ =	shalt  }
0x6e: {  	_ =	shalt  }
0x6f: {  	_ =	shalt  }
0x70: {  	_ =	shalt  }
0x71: {  	_ =	shalt  }
0x72: {  	_ =	shalt  }
0x73: {  	_ =	shalt  }
0x74: {  	_ =	shalt  }
0x75: {  	_ =	shalt  }
0x76: {  	_ =	shalt  }
0x77: {  	_ =	shalt  }
0x78: {  	_ =	shalt  }
0x79: {  	_ =	shalt  }
0x7a: {  	_ =	shalt  }
0x7b: {  	_ =	shalt  }
0x7c: {  	_ =	shalt  }
0x7d: {  	_ =	shalt  }
0x7e: {  	_ =	shalt  }
0x7f: {  	_ =	shalt  }
0x80: {  	_ =	shalt  }
0x81: {  	_ =	shalt  }
0x82: {  	_ =	shalt  }
0x83: {  	_ =	shalt  }
0x84: {  	_ =	shalt  }
0x85: {  	_ =	shalt  }
0x86: {  	_ =	shalt  }
0x87: {  	_ =	shalt  }
.Lfunc_end0:
.L_simem_size_0:
called_computation.1_lowered:
.L_overlay_start_0:
0x88: {  	s2 =	sld [smem:$0x3FD9]  }
0x89: {  	s3 =	sld [smem:$0x3FFE];
	_ =	sdelay $0x1  }
0x8a: {  	s1 =	srdreg.scid  }
0x8b: {  	s0 =	sand.u32 $0x1, s1  }
0x8c: {  	s16 =	sshll.u32 s0, $0xA;
	s2 =	sadd.s32 s3, s2  }
0x8d: {  	s2 =	sadd.s32 s2, s16  }
0x8e: {  	[smem:$0x3FB5] =	sst s2  }
0x8f: {  	_ = 	snop  }
0x90: {  	(tm) =	ssettm $0x1  }
0x91: {  	s17 =	sld [smem:$0x3FFB];
	_ =	sdelay $0x3  }
0x92: {  	_ =	strace s17  }
0x93: {  	s2 =	sld [smem:$0x3FFC];
	_ =	sdelay $0x3  }
0x94: {  	_ =	strace s2  }
0x95: {  	s2 =	sld [smem:$0x3FFD];
	_ =	sdelay $0x3  }
0x96: {  	_ =	strace s2  }
0x97: {  	_ =	strace $0x8FFFFFFF  }
0x98: {  	s18 =	sld [smem:$0x3FDB];
	_ =	sdelay $0x1  }
0x99: {  	s19 =	simm.s32 $_scs_section_size  }
0x9a: {  	s4 =	simm.s32 $_size__tile_overlayer_lowered;
	s5 =	simm.s32 $_tile_overlayer_lowered  }
0x9b: {  	s22 =	simm.s32 $0x1BFF;
	s21 =	sshll.u32 s5, $0x1;
	s2 =	sadd.s32 s19, s18  }
0x9c: {  	s6 =	simm.s32 $0x0;
	s20 =	sshll.u32 s4, $0x1;
	s4 =	sadd.s32 s21, s2  }
0x9d: {  	[timem:s6], [sflag:s22] =	dma.local [hbm:s4], s20  }
0x9e: {  	_ =	swait.ge [sflag:s22], s20  }
0x9f: {  	s3 =	ssub.s32 $0x0, s20;
	[sflag:s22] =	ssyncset.done $0x0  }
0xa0: {  	[sflag:s22] =	ssyncadd.s32 s3;
	_ =	sdelay $0x1  }
0xa1: {  	s23 =	simm.s32 $0x1B8B  }
0xa2: {  	_ =	swait.ge [sflag:s23], $0x1  }
0xa3: {  	[sflag:s23] =	ssyncset.done $0x0  }
0xa4: {  	s25 =	simm.s32 $0x1B8E;
	s24 =	sld [smem:$0x3FFE];
	[sflag:s23] =	ssyncadd.s32 $0xFFFFFFFF  }
0xa5: {  	s26 =	simm.s32 $execute0_lowered;
	[smem:$0x3FD2] =	sst s25  }
0xa6: {  	s4 =	sshll.u32 s26, $0x1;
	_ =	strace $0x80000049;
	[dreg:$0x1] =	wrdreg $0xFFFFFFFF  }
0xa7: {  	s28 =	simm.s32 $_size_execute0_lowered;
	s2 =	sadd.s32 s2, s4;
	[dreg:$0x0] =	wrdreg $0x0  }
0xa8: {  	s4 =	sshll.u32 s28, $0x1;
	[dreg:$0x2] =	wrdreg s2  }
0xa9: {  	[dreg:$0x3] =	wrdreg s4  }
0xaa: {  	[dreg:$0x4] =	wrdreg $0xC0  }
0xab: {  	_ =	task [dreg:s6], $0x5FFFF  }
0xac: {  	[dreg:$0x1] =	wrdreg $0xFFFFFFFF  }
0xad: {  	[dreg:$0x0] =	wrdreg $0x60  }
0xae: {  	[dreg:$0x2] =	wrdreg s24  }
0xaf: {  	[dreg:$0x3] =	wrdreg $0x40800  }
0xb0: {  	[dreg:$0x4] =	wrdreg $0x9  }
0xb1: {  	_ =	task.clear_ibuf [dreg:s6], $0x5FFFF;
	_ =	strace $0x90000049  }
0xb2: {  	s29 =	simm.s32 $0x9;
	_ =	strace $0x8000004B  }
0xb3: {  	_ =	swait.ge [sflag:s29], $0x1  }
0xb4: {  	[sflag:s29] =	ssyncadd.s32 $0xFFFFFFFF  }
0xb5: {  	_ =	strace $0x9000004B  }
0xb6: {  	_ =	sfence  }
0xb7: {  	s30 =	sld [smem:$0x0];
	_ =	sdelay $0x2  }
0xb8: {  	s31 =	sshll.u32 s1, $0xD;
	s1 =	sshrl.u32 s1, $0x2  }
0xb9: {  	s3 =	sand.u32 $0x4000, s31;
	s1 =	sadd.s32 s1, s30  }
0xba: {  	s0 =	sor.u32 s3, s0;
	s1 =	sshll.u32 s1, $0x11  }
0xbb: {  	s0 =	sor.u32 s1, s0  }
0xbc: {  	s0 =	sadd.s32 $0x8F2B, s0  }
0xbd: {  	[sflag:s0] =	ssyncadd.remote.s32 $0x1  }
0xbe: {  	_ =	sfence.sel $0xFFFF  }
0xbf: {  	[dreg:$0x0] =	wrdreg $0xFFFFFFFF;
	(pc) =	sbr.abs _section_cstart, $3  }
0xc0: {  	[dreg:$0x1] =	wrdreg $0xFFFFFFFF  }
0xc1: {  	_ =	task.clear_ibuf [dreg:s6], $0x2FFFF;
	_ =	strace $0x9FFFFFFF  }
0xc2: {  	(tm) =	ssettm $0x7FFFFFFF  }
0xc3: {  	_ =	shalt  }
tec
execute0_lowered:
.L_overlay_start_1:
0x0: {  	(tag) =	ssettag $0x1  }
0x1: {  	s4 =	rddreg [dreg:$0x0]  }
0x2: {  	s2 =	rddreg [dreg:$0x1]  }
0x3: {  	s0 =	rddreg [dreg:$0x2];
	s3 =	simm.s32 $0x0;
	s1 =	stileid.u32  }
0x4: {  	s22 =	srdreg.scid;
	[smem:$0x7FF] =	sst s3  }
0x5: {  	s5 =	sshll.u32 s1, $0xC;
	s21 =	sshll.u32 s1, $0x5;
	s6 =	smul.u32 $0x32000, s1  }
0x6: {  	s7 =	sadd.s32 $0x16600, s4;
	s10 =	sand.u32 $0x1, s22;
	s23 =	smul.u32 $0x1900, s1  }
0x7: {  	s9 =	sadd.s32 $0x3D800, s4;
	s14 =	sor.u32 $0x10, s1;
	s15 =	smul.u32 $0xC800, s1  }
0x8: {  	s26 =	sshll.u32 s1, $0x6;
	p0 =	sgt.u32 s1, $0x8;
	s8 =	smul.u32 $0x138800, s10  }
0x9: {  	_ =	strace $0x8000004A;
	s11 =	sadd.s32 s5, s4;
	s16 =	smul.u32 $0xC800, s14  }
0xa: {  	s12 =	sadd.s32 s21, s4;
	s24 =	ssub.s32 $0x2, s10;
	s25 =	smul.u32 $0x32000, s14  }
0xb: {  	s4 =	sshll.u32 s1, $0x1;
	s14 =	smul.u32 $0x1900, s14;
	s30 =	sshll.u32 s10, $0xB  }
0xc: {  	s31 =	sshll.u32 s10, $0x4;
	s13 =	sshrl.u32 s24, $0x1;
	s6 =	sshrl.u32 s6, $0x2  }
0xd: {  	s5 =	sadd.s32 s7, s23;
	s11 =	sadd.s32 s30, s11;
	s12 =	sadd.s32 s31, s12  }
0xe: {  	s13 =	ssub.s32 s24, s13;
	s17 =	sadd.s32 s6, s2;
	s15 =	sadd.s32 s15, s8  }
0xf: {  	s16 =	sadd.s32 s8, s16;
	s18 =	sshrl.u32 s25, $0x2;
	s6 =	sor.u32 $0x1C01, s26  }
0x10: {  	s7 =	sadd.s32 s7, s14;
	s11 =	sadd.s32 $0x778000, s11;
	s12 =	sadd.s32 $0x11600, s12  }
0x11: {  	s14 =	simm.s32 $0x1;
	s18 =	sadd.s32 s18, s2;
	s28 =	sshrl.u32 s15, $0x3  }
0x12: {  	s29 =	sshrl.u32 s16, $0x3;
	s10 =	smax.u32 s13, $0x1;
	s13 =	sshrl.u32 s17, $0x3  }
0x13: {  	s8 =	sadd.s32 s9, s28;
	s9 =	sadd.s32 s9, s29;
	s15 =	sshrl.u32 @!p0 s18, $0x3  }
.LBB2_1:
0x14: {  	[spmem:s13], [sflag:s6] =	dma.local [hbm:s5], $0x1900  }
0x15: {  	_ =	swait.ge [sflag:s14], $0x1900  }
0x16: {  	[sflag:s14] =	ssyncset.done $0x0  }
0x17: {  	s16 =	simm.s32 @!p0 $0x1;
	[sflag:s14] =	ssyncadd.s32 $0xFFFFE700  }
0x18: {  	[spmem:s15], [sflag:s6] =	dma.local @!p0 [hbm:s7], $0x1900  }
0x19: {  	_ =	swait.ge @!p0 [sflag:s16], $0x1900  }
0x1a: {  	s17 =	sadd.s32 $0x0, s4;
	[sflag:s16] =	ssyncset.done @!p0 $0x0  }
0x1b: {  	p1 =	sgt.u32 s17, $0x4E1;
	[sflag:s16] =	ssyncadd.s32 @!p0 $0xFFFFE700  }
0x1c: {  	s18 =	simm.s32 @!p1 $0x2;
	s16 =	simm.s32 @!p1 $0x0;
	[bflag:$0x0] =	sbarrier.arrive $0xFFFF  }
0x1d: {  	[tilespmem:s16], [sflag:$0x2] =	stream.linear.gather @!p1 [hbm4b:s12+s16], $0x80, $0x38;
	[tilespmem:$0x17900] =	vst v63  }
0x1e: {  	_ =	swait.ge @!p1 [sflag:s18], $0x80  }
0x1f: {  	[sflag:s18] =	ssyncset.done @!p1 $0x0;
	p1 =	por p1, p1  }
0x20: {  	[sflag:s18] =	ssyncadd.s32 @!p1 $0xFFFFFF80;
	s20 =	simm.s32 @!p1 $0x80  }
0x21: {  	[tilespmem:s20], [sflag:$0x2] =	stream.linear.gather @!p1 [hbm4b:s11+s16], $0x4000, $0x38;
	[tilespmem:$0x17900] =	vst v63  }
0x22: {  	_ =	swait.ge @!p1 [sflag:s18], $0x4000  }
0x23: {  	[sflag:s18] =	ssyncset.done @!p1 $0x0  }
0x24: {  	s31 =	sadd.s32 $0x20, s4;
	s19 =	simm.s32 @!p1 $0x1;
	[sflag:s18] =	ssyncadd.s32 @!p1 $0xFFFFC000  }
0x25: {  	[spmem:s2] =	stream.indirect.scatter.add.f32 @!p1 [tilespmem:s20], [sflag:$0x1], $0x80, s16, s20, $0xb8;
	[tilespmem:$0x17900] =	vst v63  }
0x26: {  	s17 =	simm.s32 $0x40;
	p2 =	sgt.u32 s31, $0x4E1;
	_ =	swait.ge @!p1 [sflag:s19], $0x4000  }
0x27: {  	s18 =	sadd.s32 $0x200, s12;
	s16 =	sadd.s32 $0x10000, s11;
	[sflag:s19] =	ssyncset.done @!p1 $0x0  }
.LBB2_2:
0x28: {  	s20 =	simm.s32 @!p2 $0x0;
	s21 =	simm.s32 @!p2 $0x2;
	[sflag:s19] =	ssyncadd.s32 @!p1 $0xFFFFC000  }
0x29: {  	[tilespmem:s20], [sflag:$0x2] =	stream.linear.gather @!p2 [hbm4b:s18+s20], $0x80, $0x38;
	[tilespmem:$0x17900] =	vst v63  }
0x2a: {  	s22 =	smov.u32 s17;
	s17 =	sadd.s32 $0x20, s17;
	_ =	swait.ge @!p2 [sflag:s21], $0x80  }
0x2b: {  	p1 =	por p2, p2;
	p3 =	sne.s32 s17, $0x500;
	[sflag:s21] =	ssyncset.done @!p2 $0x0  }
0x2c: {  	s23 =	simm.s32 @!p1 $0x80;
	[sflag:s21] =	ssyncadd.s32 @!p1 $0xFFFFFF80  }
0x2d: {  	[tilespmem:s23], [sflag:$0x2] =	stream.linear.gather @!p1 [hbm4b:s16+s20], $0x4000, $0x38;
	[tilespmem:$0x17900] =	vst v63  }
0x2e: {  	_ =	swait.ge @!p1 [sflag:s21], $0x4000  }
.Ltmp0:
0x2f: {  	[sflag:s21] =	ssyncset.done @!p1 $0x0;
	(pc) =	sbr.rel @p3 .LBB2_2-.Ltmp0, $4  }
0x30: {  	s19 =	simm.s32 @!p1 $0x1;
	[sflag:s21] =	ssyncadd.s32 @!p1 $0xFFFFC000  }
0x31: {  	[spmem:s2] =	stream.indirect.scatter.add.f32 @!p1 [tilespmem:s23], [sflag:$0x1], $0x80, s20, s23, $0xb8;
	[tilespmem:$0x17900] =	vst v63  }
0x32: {  	s18 =	sadd.s32 $0x200, s18;
	s20 =	sadd.s32 s22, s4;
	_ =	swait.ge @!p1 [sflag:s19], $0x4000  }
0x33: {  	s16 =	sadd.s32 $0x10000, s16;
	p2 =	sgt.u32 s20, $0x4E1;
	[sflag:s19] =	ssyncset.done @!p1 $0x0  }
0x34: {  	s17 =	simm.s32 @!p2 $0x0;
	s20 =	simm.s32 @!p2 $0x2;
	[sflag:s19] =	ssyncadd.s32 @!p1 $0xFFFFC000  }
0x35: {  	[tilespmem:s17], [sflag:$0x2] =	stream.linear.gather @!p2 [hbm4b:s18+s17], $0x80, $0x38;
	[tilespmem:$0x17900] =	vst v63  }
0x36: {  	_ =	swait.ge @!p2 [sflag:s20], $0x80  }
0x37: {  	p1 =	por p2, p2;
	[sflag:s20] =	ssyncset.done @!p2 $0x0  }
0x38: {  	s18 =	simm.s32 @!p1 $0x80;
	[sflag:s20] =	ssyncadd.s32 @!p1 $0xFFFFFF80  }
0x39: {  	[tilespmem:s18], [sflag:$0x2] =	stream.linear.gather @!p1 [hbm4b:s16+s17], $0x4000, $0x38;
	[tilespmem:$0x17900] =	vst v63  }
0x3a: {  	_ =	swait.ge @!p1 [sflag:s20], $0x4000  }
0x3b: {  	[sflag:s20] =	ssyncset.done @!p1 $0x0  }
0x3c: {  	s16 =	simm.s32 @!p1 $0x1;
	[sflag:s20] =	ssyncadd.s32 @!p1 $0xFFFFC000  }
0x3d: {  	[spmem:s2] =	stream.indirect.scatter.add.f32 @!p1 [tilespmem:s18], [sflag:$0x1], $0x80, s17, s18, $0xb8;
	[tilespmem:$0x17900] =	vst v63  }
0x3e: {  	_ =	swait.ge @!p1 [sflag:s16], $0x4000  }
0x3f: {  	[sflag:s16] =	ssyncset.done @!p1 $0x0  }
0x40: {  	[sflag:s16] =	ssyncadd.s32 @!p1 $0xFFFFC000  }
0x41: {  	[bflag:$0x0] =	sbarrier.arrive $0xFFFF  }
0x42: {  	[hbm:s8], [sflag:s6] =	dma.local [spmem:s13], $0x1900  }
0x43: {  	s3 =	sadd.s32 $0x1, s3;
	_ =	swait.ge [sflag:s14], $0x1900  }
0x44: {  	p1 =	sne.s32 s3, s10;
	[sflag:s14] =	ssyncset.done $0x0  }
.Ltmp1:
0x45: {  	s16 =	simm.s32 @!p0 $0x1;
	[sflag:s14] =	ssyncadd.s32 $0xFFFFE700;
	(pc) =	sbr.rel @p1 .LBB2_1-.Ltmp1, $4  }
0x46: {  	[hbm:s9], [sflag:s6] =	dma.local @!p0 [spmem:s15], $0x1900  }
0x47: {  	_ =	swait.ge @!p0 [sflag:s16], $0x1900  }
0x48: {  	[sflag:s16] =	ssyncset.done @!p0 $0x0  }
0x49: {  	[sflag:s16] =	ssyncadd.s32 @!p0 $0xFFFFE700  }
0x4a: {  	_ =	sfence.sel $0x180000  }
0x4b: {  	[bflag:$0x0] =	sbarrier.arrive $0xFFFF  }
0x4c: {  	p0 =	sne.s32 s1, $0x0;
	_ =	strace $0x9000004A  }
0x4d: {  	s0 =	sadd.s32 @!p0 $0x100000, s0;
	[bflag:$0x2] =	sbarrier.arrive $0xFFFF  }
0x4e: {  	[sflag:s0] =	ssyncadd.tile.s32 @!p0 $0x1;
	_ =	shalt  }
.Lfunc_end2:
_tile_overlayer_lowered:
.L_overlay_start_2:
0x4f: {  	(tag) =	ssettag $0x2  }
0x50: {  	s0 =	rddreg [dreg:$0x0];
	s2 =	stileid.u32  }
0x51: {  	s1 =	rddreg [dreg:$0x1];
	p0 =	sne.s32 s2, $0x0  }
0x52: {  	s3 =	rddreg [dreg:$0x2];
	[bflag:$0x3] =	sbarrier.arrive $0xFFFF;
	s2 =	simm.s32 @!p0 $0x1C01  }
0x53: {  	[timem:s3], [sflag:s2] =	dma.local @!p0 [hbm:s0], s1  }
0x54: {  	s0 =	simm.s32 @!p0 $0x1  }
0x55: {  	_ =	swait.ge @!p0 [sflag:s0], s1  }
0x56: {  	s1 =	ssub.s32 @!p0 $0x0, s1;
	[sflag:s0] =	ssyncset.done @!p0 $0x0  }
0x57: {  	[sflag:s0] =	ssyncadd.s32 @!p0 s1  }
0x58: {  	[bflag:$0x3] =	sbarrier.arrive $0xFFFF  }
0x59: {  	_ =	shalt  }

// kernel: kernel.21.cloned.1.call-start
scs
__scs_entry_jumppad:
0x0: {  	(pc) =	sbr.rel $0x88, $3  }
0x1: {  	(tag) =	ssettag $0x0;
	lr =	simm.s32 $0x1  }
0x2: {  	[smem:$0x3F8E] =	sst lr;
	_ =	strace $0xD0000000  }
0x3: {  	_ = 	snop  }
0x4: {  	_ = 	snop  }
0x5: {  	_ = 	snop  }
0x6: {  	_ = 	snop  }
0x7: {  	_ = 	snop  }
__scs_overlays_trampoline_lowered:
0x8: {  	[smem:$0x3F9D] =	sst s0  }
0x9: {  	[smem:$0x3F9E] =	sst s1  }
0xa: {  	[smem:$0x3F9F] =	sst s2  }
0xb: {  	[smem:$0x3FA0] =	sst s3  }
0xc: {  	[smem:$0x3FA1] =	sst s4  }
0xd: {  	[smem:$0x3FA2] =	sst s5  }
0xe: {  	[smem:$0x3FA3] =	sst s6  }
0xf: {  	[smem:$0x3FA4] =	sst s7  }
0x10: {  	[smem:$0x3FA5] =	sst s8  }
0x11: {  	[smem:$0x3FA6] =	sst s9;
	s0 =	simm.s32 @!p0 $0x0  }
0x12: {  	s1 =	sld [smem:$0x3F8C];
	s0 =	simm.s32 @p0 $0x1  }
0x13: {  	[smem:$0x3FA7] =	sst s0;
	s0 =	simm.s32 @!p1 $0x0  }
0x14: {  	s2 =	sld [smem:$0x3F8B];
	s0 =	simm.s32 @p1 $0x1  }
0x15: {  	[smem:$0x3FA8] =	sst s0;
	s0 =	simm.s32 @!p2 $0x0  }
0x16: {  	s3 =	sld [smem:$0x3FDB];
	s0 =	simm.s32 @p2 $0x1  }
0x17: {  	s4 =	simm.s32 $0x1BF5;
	[smem:$0x3FAA] =	sst s0  }
0x18: {  	s0 =	sld [smem:$0x3F8D];
	_ =	swait.ge [sflag:s4], $0x0  }
0x19: {  	s7 =	sld [smem:$0x3F8E]  }
0x1a: {  	s8 =	sadd.s32 $0xFFFFE003, lr  }
0x1b: {  	s9 =	sadd.s32 $0xFFFFFEF7, lr;
	s5 =	simm.s32 $0xFFFFFFFF;
	p2 =	slt.u32 s8, $0xFFFFF086  }
0x1c: {  	p1 =	slt.u32 s9, $0xF7A;
	s5 =	simm.s32 @!p2 $0x0  }
0x1d: {  	s5 =	simm.s32 @p1 $0x1;
	p0 =	seq.s32 s7, s2  }
0x1e: {  	s7 =	smul.u32 @!p0 $0xF7A, s2;
	p2 =	seq.s32 @!p0 s5, $0x0  }
0x1f: {  	s9 =	smul.u32 $0xF7A, s1;
	s8 =	simm.s32 @!p0 $0x1BF5;
	p2 =	por !p2, p0  }
0x20: {  	[sflag:s8] =	ssyncset.s32 @!p0 $0xFFFFF086;
	s6 =	sadd.s32 @!p0 s3, s7;
	s7 =	simm.s32 @!p0 $0x108  }
0x21: {  	s3 =	sadd.s32 s3, s9;
	s6 =	sadd.s32 @!p0 $0x88, s6;
	s7 =	simm.s32 @p2 $0x1082  }
0x22: {  	[simem:s7], [sflag:s8] =	dma.local @!p0 [hbm:s6], $0xF7A  }
0x23: {  	s9 =	sor.u32 $0xD0000000, s2;
	s6 =	simm.s32 $0x108;
	_ =	swait.ge @!p0 [sflag:s8], $0x0  }
0x24: {  	s3 =	sadd.s32 $0x88, s3;
	s6 =	simm.s32 @!p1 $0x1082;
	[sflag:s4] =	ssyncset.s32 $0xFFFFF086  }
0x25: {  	[simem:s6], [sflag:s4] =	dma.local [hbm:s3], $0xF7A  }
0x26: {  	[smem:$0x3F8E] =	sst s1;
	(tag) =	ssettag s2;
	_ =	strace s9  }
0x27: {  	s1 =	sld [smem:$0x3F9E]  }
0x28: {  	s2 =	sld [smem:$0x3F9F]  }
0x29: {  	s4 =	sld [smem:$0x3FA1]  }
0x2a: {  	p0 =	seq.s32 s5, $0x0;
	s5 =	sld [smem:$0x3FA2]  }
0x2b: {  	s6 =	sld [smem:$0x3FA3]  }
0x2c: {  	s7 =	sld [smem:$0x3FA4]  }
0x2d: {  	s3 =	simm.s32 $0x108;
	s8 =	sld [smem:$0x3FA5]  }
0x2e: {  	s3 =	simm.s32 @!p0 $0x1082;
	s9 =	sld [smem:$0x3FA6]  }
0x2f: {  	lr =	sadd.s32 s0, s3;
	s0 =	sld [smem:$0x3F9D]  }
0x30: {  	s3 =	sld [smem:$0x3FA0]  }
0x31: {  	[smem:$0x3FA9] =	sst s10  }
0x32: {  	s10 =	sld [smem:$0x3FA7];
	_ =	sdelay $0x3  }
0x33: {  	p0 =	seq.s32 s10, $0x1;
	s10 =	sld [smem:$0x3FA9];
	_ =	sdelay $0x3  }
0x34: {  	[smem:$0x3FA9] =	sst s10  }
0x35: {  	s10 =	sld [smem:$0x3FA8];
	_ =	sdelay $0x3  }
0x36: {  	p1 =	seq.s32 s10, $0x1;
	s10 =	sld [smem:$0x3FA9];
	_ =	sdelay $0x3  }
0x37: {  	[smem:$0x3FA9] =	sst s10  }
0x38: {  	s10 =	sld [smem:$0x3FAA]  }
0x39: {  	_ = 	snop;
	(pc) =	sbr.ind lr, $3  }
0x3a: {  	_ = 	snop  }
0x3b: {  	_ = 	snop  }
0x3c: {  	p2 =	seq.s32 s10, $0x1;
	s10 =	sld [smem:$0x3FA9]  }
0x3d: {  	_ =	shalt  }
0x3e: {  	_ =	shalt  }
0x3f: {  	_ =	shalt  }
0x40: {  	_ =	shalt  }
0x41: {  	_ =	shalt  }
0x42: {  	_ =	shalt  }
0x43: {  	_ =	shalt  }
0x44: {  	_ =	shalt  }
0x45: {  	_ =	shalt  }
0x46: {  	_ =	shalt  }
0x47: {  	_ =	shalt  }
0x48: {  	_ =	shalt  }
0x49: {  	_ =	shalt  }
0x4a: {  	_ =	shalt  }
0x4b: {  	_ =	shalt  }
0x4c: {  	_ =	shalt  }
0x4d: {  	_ =	shalt  }
0x4e: {  	_ =	shalt  }
0x4f: {  	_ =	shalt  }
0x50: {  	_ =	shalt  }
0x51: {  	_ =	shalt  }
0x52: {  	_ =	shalt  }
0x53: {  	_ =	shalt  }
0x54: {  	_ =	shalt  }
0x55: {  	_ =	shalt  }
0x56: {  	_ =	shalt  }
0x57: {  	_ =	shalt  }
0x58: {  	_ =	shalt  }
0x59: {  	_ =	shalt  }
0x5a: {  	_ =	shalt  }
0x5b: {  	_ =	shalt  }
0x5c: {  	_ =	shalt  }
0x5d: {  	_ =	shalt  }
0x5e: {  	_ =	shalt  }
0x5f: {  	_ =	shalt  }
0x60: {  	_ =	shalt  }
0x61: {  	_ =	shalt  }
0x62: {  	_ =	shalt  }
0x63: {  	_ =	shalt  }
0x64: {  	_ =	shalt  }
0x65: {  	_ =	shalt  }
0x66: {  	_ =	shalt  }
0x67: {  	_ =	shalt  }
0x68: {  	_ =	shalt  }
0x69: {  	_ =	shalt  }
0x6a: {  	_ =	shalt  }
0x6b: {  	_ =	shalt  }
0x6c: {  	_ =	shalt  }
0x6d: {  	_ =	shalt  }
0x6e: {  	_ =	shalt  }
0x6f: {  	_ =	shalt  }
0x70: {  	_ =	shalt  }
0x71: {  	_ =	shalt  }
0x72: {  	_ =	shalt  }
0x73: {  	_ =	shalt  }
0x74: {  	_ =	shalt  }
0x75: {  	_ =	shalt  }
0x76: {  	_ =	shalt  }
0x77: {  	_ =	shalt  }
0x78: {  	_ =	shalt  }
0x79: {  	_ =	shalt  }
0x7a: {  	_ =	shalt  }
0x7b: {  	_ =	shalt  }
0x7c: {  	_ =	shalt  }
0x7d: {  	_ =	shalt  }
0x7e: {  	_ =	shalt  }
0x7f: {  	_ =	shalt  }
0x80: {  	_ =	shalt  }
0x81: {  	_ =	shalt  }
0x82: {  	_ =	shalt  }
0x83: {  	_ =	shalt  }
0x84: {  	_ =	shalt  }
0x85: {  	_ =	shalt  }
0x86: {  	_ =	shalt  }
0x87: {  	_ =	shalt  }
.Lfunc_end0:
.L_simem_size_0:
called_computation.2_lowered:
.L_overlay_start_0:
0x88: {  	s2 =	sld [smem:$0x3FD9]  }
0x89: {  	s3 =	sld [smem:$0x3FFE];
	_ =	sdelay $0x1  }
0x8a: {  	s1 =	srdreg.scid  }
0x8b: {  	s0 =	sand.u32 $0x1, s1  }
0x8c: {  	s17 =	sshll.u32 s0, $0xA;
	s2 =	sadd.s32 s3, s2  }
0x8d: {  	s2 =	sadd.s32 s2, s17  }
0x8e: {  	[smem:$0x3FB5] =	sst s2  }
0x8f: {  	_ = 	snop  }
0x90: {  	s2 =	sld [smem:$0x3FD0];
	(tm) =	ssettm $0x1  }
0x91: {  	s18 =	sld [smem:$0x3FFB];
	_ =	sdelay $0x3  }
0x92: {  	_ =	strace s18  }
0x93: {  	s3 =	sld [smem:$0x3FFC];
	_ =	sdelay $0x3  }
0x94: {  	_ =	strace s3  }
0x95: {  	s3 =	sld [smem:$0x3FFD];
	_ =	sdelay $0x3  }
0x96: {  	_ =	strace s3  }
0x97: {  	_ =	strace $0x8FFFFFFF  }
0x98: {  	s19 =	sld [smem:$0x3FDB];
	_ =	sdelay $0x1  }
0x99: {  	s4 =	simm.s32 $_scs_section_size  }
0x9a: {  	s5 =	simm.s32 $_size__tile_overlayer_lowered;
	s6 =	simm.s32 $_tile_overlayer_lowered  }
0x9b: {  	s22 =	simm.s32 $0x1BFF;
	s21 =	sshll.u32 s6, $0x1;
	s3 =	sadd.s32 s4, s19  }
0x9c: {  	s7 =	simm.s32 $0x0;
	s20 =	sshll.u32 s5, $0x1;
	s5 =	sadd.s32 s21, s3  }
0x9d: {  	[timem:s7], [sflag:s22] =	dma.local [hbm:s5], s20  }
0x9e: {  	_ =	swait.ge [sflag:s22], s20  }
0x9f: {  	s4 =	ssub.s32 $0x0, s20;
	[sflag:s22] =	ssyncset.done $0x0  }
0xa0: {  	[sflag:s22] =	ssyncadd.s32 s4;
	_ =	sdelay $0x1  }
0xa1: {  	s23 =	simm.s32 $0x1B8B  }
0xa2: {  	_ =	swait.ge [sflag:s23], $0x1  }
0xa3: {  	[sflag:s23] =	ssyncset.done $0x0  }
0xa4: {  	s25 =	simm.s32 $0x1B8E;
	s24 =	sld [smem:$0x3FFE];
	[sflag:s23] =	ssyncadd.s32 $0xFFFFFFFF  }
0xa5: {  	s26 =	simm.s32 $execute0_lowered;
	[smem:$0x3FD2] =	sst s25  }
0xa6: {  	s5 =	sshll.u32 s26, $0x1;
	_ =	strace $0x8000004C;
	[dreg:$0x1] =	wrdreg $0xFFFFFFFF  }
0xa7: {  	s28 =	simm.s32 $_size_execute0_lowered;
	s3 =	sadd.s32 s3, s5;
	[dreg:$0x0] =	wrdreg $0x0  }
0xa8: {  	s5 =	sshll.u32 s28, $0x1;
	[dreg:$0x2] =	wrdreg s3  }
0xa9: {  	[dreg:$0x3] =	wrdreg s5  }
0xaa: {  	[dreg:$0x4] =	wrdreg $0xC0  }
0xab: {  	_ =	task [dreg:s7], $0x5FFFF  }
0xac: {  	[dreg:$0x1] =	wrdreg $0xFFFFFFFF  }
0xad: {  	[dreg:$0x0] =	wrdreg $0x60  }
0xae: {  	[dreg:$0x2] =	wrdreg s2  }
0xaf: {  	[dreg:$0x3] =	wrdreg s24  }
0xb0: {  	[dreg:$0x4] =	wrdreg $0x9  }
0xb1: {  	_ =	task.clear_ibuf [dreg:s7], $0x5FFFF;
	_ =	strace $0x9000004C  }
0xb2: {  	s29 =	simm.s32 $0x9;
	_ =	strace $0x8000004E  }
0xb3: {  	_ =	swait.ge [sflag:s29], $0x1  }
0xb4: {  	[sflag:s29] =	ssyncadd.s32 $0xFFFFFFFF  }
0xb5: {  	_ =	strace $0x9000004E  }
0xb6: {  	_ =	sfence  }
0xb7: {  	s30 =	sld [smem:$0x0];
	_ =	sdelay $0x2  }
0xb8: {  	s31 =	sshll.u32 s1, $0xD;
	s1 =	sshrl.u32 s1, $0x2  }
0xb9: {  	s3 =	sand.u32 $0x4000, s31;
	s1 =	sadd.s32 s1, s30  }
0xba: {  	s0 =	sor.u32 s3, s0;
	s1 =	sshll.u32 s1, $0x11  }
0xbb: {  	s0 =	sor.u32 s1, s0  }
0xbc: {  	s0 =	sadd.s32 $0x8F2B, s0  }
0xbd: {  	[sflag:s0] =	ssyncadd.remote.s32 $0x1  }
0xbe: {  	_ =	sfence.sel $0xFFFF  }
0xbf: {  	[dreg:$0x0] =	wrdreg $0xFFFFFFFF;
	(pc) =	sbr.abs _section_cstart, $3  }
0xc0: {  	[dreg:$0x1] =	wrdreg $0xFFFFFFFF  }
0xc1: {  	_ =	task.clear_ibuf [dreg:s7], $0x2FFFF;
	_ =	strace $0x9FFFFFFF  }
0xc2: {  	(tm) =	ssettm $0x7FFFFFFF  }
0xc3: {  	_ =	shalt  }
tec
execute0_lowered:
.L_overlay_start_1:
0x0: {  	(tag) =	ssettag $0x1  }
0x1: {  	s1 =	rddreg [dreg:$0x0]  }
0x2: {  	s4 =	rddreg [dreg:$0x1]  }
0x3: {  	s0 =	rddreg [dreg:$0x2];
	s3 =	simm.s32 $0x0;
	s5 =	srdreg.scid  }
0x4: {  	s2 =	stileid.u32;
	[smem:$0x7FF] =	sst s3;
	s5 =	sand.u32 $0x1, s5  }
0x5: {  	s6 =	sshll.u32 s2, $0x5;
	s8 =	sshll.u32 s2, $0xC;
	_ =	strace $0x8000004D  }
0x6: {  	s7 =	ssub.s32 $0x2, s5;
	s6 =	sadd.s32 s6, s4;
	s8 =	sadd.s32 s8, s4  }
0x7: {  	s31 =	sshll.u32 s5, $0x4;
	s10 =	sshll.u32 s5, $0xB;
	s9 =	sshrl.u32 s7, $0x1  }
0x8: {  	s4 =	sshll.u32 s2, $0x1;
	s10 =	sadd.s32 s10, s8;
	s7 =	ssub.s32 s7, s9  }
0x9: {  	s9 =	sadd.s32 s31, s6;
	s8 =	sadd.s32 $0x778000, s10;
	s5 =	smax.u32 s7, $0x1  }
0xa: {  	s6 =	sadd.s32 $0x11600, s9;
	s7 =	sadd.s32 $0xC600, s9;
	s9 =	sadd.s32 $0x8FA00, s10  }
.LBB2_1:
0xb: {  	p0 =	sgt.u32 s4, $0x4E1  }
0xc: {  	s10 =	sadd.s32 @!p0 $0x0, s7;
	s11 =	simm.s32 @!p0 $0x0;
	s14 =	simm.s32 @!p0 $0x4  }
0xd: {  	[tilespmem:s11], [sflag:$0x4] =	stream.linear.gather @!p0 [hbm4b:s10+s11], $0x80, $0x38;
	[tilespmem:$0x8100] =	vst v63  }
0xe: {  	_ =	swait.ge @!p0 [sflag:s14], $0x80;
	p0 =	por p0, p0  }
0xf: {  	[sflag:s14] =	ssyncset.done @!p0 $0x0  }
0x10: {  	s10 =	sadd.s32 @!p0 $0x0, s6;
	s12 =	simm.s32 @!p0 $0x80;
	[sflag:s14] =	ssyncadd.s32 @!p0 $0xFFFFFF80  }
0x11: {  	[tilespmem:s12], [sflag:$0x4] =	stream.linear.gather @!p0 [hbm4b:s10+s11], $0x80, $0x38;
	[tilespmem:$0x8100] =	vst v63  }
0x12: {  	_ =	swait.ge @!p0 [sflag:s14], $0x80  }
0x13: {  	[sflag:s14] =	ssyncset.done @!p0 $0x0  }
0x14: {  	s10 =	simm.s32 @!p0 $0x100;
	[sflag:s14] =	ssyncadd.s32 @!p0 $0xFFFFFF80  }
0x15: {  	[tilespmem:s10], [sflag:$0x1] =	stream.indirect.gather @!p0 [hbm4b:s1+s12], $0x80, s11, s12, $0xb8;
	[tilespmem:$0x8100] =	vst v63  }
0x16: {  	s15 =	simm.s32 @!p0 $0x4100;
	s13 =	simm.s32 @!p0 $0x1  }
0x17: {  	[tilespmem:s15], [sflag:$0x2] =	stream.indirect.gather @!p0 [hbm4b:s1+s12], $0x80, s12, s12, $0xb8;
	[tilespmem:$0x8100] =	vst v63  }
0x18: {  	_ =	swait.ge @!p0 [sflag:s13], $0x4000  }
0x19: {  	[sflag:s13] =	ssyncset.done @!p0 $0x0  }
0x1a: {  	s12 =	simm.s32 @!p0 $0x2;
	[sflag:s13] =	ssyncadd.s32 @!p0 $0xFFFFC000  }
0x1b: {  	_ =	swait.ge @!p0 [sflag:s12], $0x4000  }
0x1c: {  	[sflag:s12] =	ssyncset.done @!p0 $0x0  }
0x1d: {  	[sflag:s12] =	ssyncadd.s32 @!p0 $0xFFFFC000  }
0x1e: {  	[hbm4b:s9+s11] =	stream.linear.scatter @!p0 [tilespmem:s10], [sflag:$0x4], $0x4000, $0x38;
	[tilespmem:$0x8100] =	vst v63  }
0x1f: {  	_ =	swait.ge @!p0 [sflag:s14], $0x4000  }
0x20: {  	[sflag:s14] =	ssyncset.done @!p0 $0x0  }
0x21: {  	s13 =	simm.s32 $0x400;
	s12 =	simm.s32 $0x200;
	[sflag:s14] =	ssyncadd.s32 @!p0 $0xFFFFC000  }
0x22: {  	[hbm4b:s8+s11] =	stream.linear.scatter @!p0 [tilespmem:s15], [sflag:$0x3], $0x4000, $0x38;
	[tilespmem:$0x8100] =	vst v63  }
0x23: {  	s10 =	sadd.s32 $0x10000, s9;
	s14 =	sadd.s32 $0x20, s4;
	s15 =	simm.s32 @!p0 $0x3  }
0x24: {  	p2 =	sgt.u32 s14, $0x4E1;
	s11 =	sadd.s32 $0x10000, s8;
	_ =	swait.ge @!p0 [sflag:s15], $0x4000  }
.LBB2_2:
0x25: {  	s16 =	sadd.s32 @!p2 s12, s7  }
0x26: {  	s17 =	simm.s32 @!p2 $0x0;
	[sflag:s15] =	ssyncset.done @!p0 $0x0;
	s18 =	smov.u32 s13  }
0x27: {  	s13 =	sadd.s32 $0x200, s13;
	s19 =	simm.s32 @!p2 $0x4;
	[sflag:s15] =	ssyncadd.s32 @!p0 $0xFFFFC000  }
0x28: {  	[tilespmem:s17], [sflag:$0x4] =	stream.linear.gather @!p2 [hbm4b:s16+s17], $0x80, $0x38;
	[tilespmem:$0x8100] =	vst v63  }
0x29: {  	p1 =	sne.s32 s13, $0x5000;
	p0 =	por p2, p2;
	_ =	swait.ge @!p2 [sflag:s19], $0x80  }
0x2a: {  	[sflag:s19] =	ssyncset.done @!p0 $0x0  }
0x2b: {  	s12 =	sadd.s32 @!p0 s12, s6;
	s15 =	simm.s32 @!p0 $0x80;
	[sflag:s19] =	ssyncadd.s32 @!p0 $0xFFFFFF80  }
0x2c: {  	[tilespmem:s15], [sflag:$0x4] =	stream.linear.gather @!p0 [hbm4b:s12+s17], $0x80, $0x38;
	[tilespmem:$0x8100] =	vst v63  }
0x2d: {  	s12 =	smov.u32 s18;
	_ =	swait.ge @!p0 [sflag:s19], $0x80  }
0x2e: {  	[sflag:s19] =	ssyncset.done @!p0 $0x0  }
0x2f: {  	s16 =	simm.s32 @!p0 $0x100;
	[sflag:s19] =	ssyncadd.s32 @!p0 $0xFFFFFF80  }
0x30: {  	[tilespmem:s16], [sflag:$0x1] =	stream.indirect.gather @!p0 [hbm4b:s1+s15], $0x80, s17, s15, $0xb8;
	[tilespmem:$0x8100] =	vst v63  }
0x31: {  	s20 =	simm.s32 @!p0 $0x1;
	s18 =	simm.s32 @!p0 $0x4100  }
0x32: {  	[tilespmem:s18], [sflag:$0x2] =	stream.indirect.gather @!p0 [hbm4b:s1+s15], $0x80, s15, s15, $0xb8;
	[tilespmem:$0x8100] =	vst v63  }
0x33: {  	_ =	swait.ge @!p0 [sflag:s20], $0x4000  }
0x34: {  	[sflag:s20] =	ssyncset.done @!p0 $0x0  }
0x35: {  	s15 =	simm.s32 @!p0 $0x2;
	[sflag:s20] =	ssyncadd.s32 @!p0 $0xFFFFC000  }
0x36: {  	_ =	swait.ge @!p0 [sflag:s15], $0x4000  }
0x37: {  	[sflag:s15] =	ssyncset.done @!p0 $0x0  }
0x38: {  	[sflag:s15] =	ssyncadd.s32 @!p0 $0xFFFFC000  }
0x39: {  	[hbm4b:s10+s17] =	stream.linear.scatter @!p0 [tilespmem:s16], [sflag:$0x4], $0x4000, $0x38;
	[tilespmem:$0x8100] =	vst v63  }
.Ltmp0:
0x3a: {  	_ =	swait.ge @!p0 [sflag:s19], $0x4000;
	(pc) =	sbr.rel @p1 .LBB2_2-.Ltmp0, $4  }
0x3b: {  	s10 =	sadd.s32 $0x10000, s10;
	[sflag:s19] =	ssyncset.done @!p0 $0x0  }
0x3c: {  	s14 =	sadd.s32 $0x20, s14;
	s15 =	simm.s32 @!p0 $0x3;
	[sflag:s19] =	ssyncadd.s32 @!p0 $0xFFFFC000  }
0x3d: {  	[hbm4b:s11+s17] =	stream.linear.scatter @!p0 [tilespmem:s18], [sflag:$0x3], $0x4000, $0x38;
	[tilespmem:$0x8100] =	vst v63  }
0x3e: {  	p2 =	sgt.u32 s14, $0x4E1;
	s11 =	sadd.s32 $0x10000, s11;
	_ =	swait.ge @!p0 [sflag:s15], $0x4000  }
0x3f: {  	s13 =	sadd.s32 @!p2 s12, s7;
	[sflag:s15] =	ssyncset.done @!p0 $0x0  }
0x40: {  	s14 =	simm.s32 @!p2 $0x0;
	s16 =	simm.s32 @!p2 $0x4;
	[sflag:s15] =	ssyncadd.s32 @!p0 $0xFFFFC000  }
0x41: {  	[tilespmem:s14], [sflag:$0x4] =	stream.linear.gather @!p2 [hbm4b:s13+s14], $0x80, $0x38;
	[tilespmem:$0x8100] =	vst v63  }
0x42: {  	p0 =	por p2, p2;
	_ =	swait.ge @!p2 [sflag:s16], $0x80  }
0x43: {  	[sflag:s16] =	ssyncset.done @!p0 $0x0  }
0x44: {  	s12 =	sadd.s32 @!p0 s12, s6;
	s13 =	simm.s32 @!p0 $0x80;
	[sflag:s16] =	ssyncadd.s32 @!p0 $0xFFFFFF80  }
0x45: {  	[tilespmem:s13], [sflag:$0x4] =	stream.linear.gather @!p0 [hbm4b:s12+s14], $0x80, $0x38;
	[tilespmem:$0x8100] =	vst v63  }
0x46: {  	_ =	swait.ge @!p0 [sflag:s16], $0x80  }
0x47: {  	[sflag:s16] =	ssyncset.done @!p0 $0x0  }
0x48: {  	s12 =	simm.s32 @!p0 $0x100;
	[sflag:s16] =	ssyncadd.s32 @!p0 $0xFFFFFF80  }
0x49: {  	[tilespmem:s12], [sflag:$0x1] =	stream.indirect.gather @!p0 [hbm4b:s1+s13], $0x80, s14, s13, $0xb8;
	[tilespmem:$0x8100] =	vst v63  }
0x4a: {  	s15 =	simm.s32 @!p0 $0x4100;
	s17 =	simm.s32 @!p0 $0x1  }
0x4b: {  	[tilespmem:s15], [sflag:$0x2] =	stream.indirect.gather @!p0 [hbm4b:s1+s13], $0x80, s13, s13, $0xb8;
	[tilespmem:$0x8100] =	vst v63  }
0x4c: {  	_ =	swait.ge @!p0 [sflag:s17], $0x4000  }
0x4d: {  	[sflag:s17] =	ssyncset.done @!p0 $0x0  }
0x4e: {  	s13 =	simm.s32 @!p0 $0x2;
	[sflag:s17] =	ssyncadd.s32 @!p0 $0xFFFFC000  }
0x4f: {  	_ =	swait.ge @!p0 [sflag:s13], $0x4000  }
0x50: {  	[sflag:s13] =	ssyncset.done @!p0 $0x0  }
0x51: {  	[sflag:s13] =	ssyncadd.s32 @!p0 $0xFFFFC000  }
0x52: {  	[hbm4b:s10+s14] =	stream.linear.scatter @!p0 [tilespmem:s12], [sflag:$0x4], $0x4000, $0x38;
	[tilespmem:$0x8100] =	vst v63  }
0x53: {  	s3 =	sadd.s32 $0x1, s3;
	_ =	swait.ge @!p0 [sflag:s16], $0x4000  }
0x54: {  	p1 =	sne.s32 s3, s5;
	[sflag:s16] =	ssyncset.done @!p0 $0x0  }
.Ltmp1:
0x55: {  	s10 =	simm.s32 @!p0 $0x3;
	[sflag:s16] =	ssyncadd.s32 @!p0 $0xFFFFC000;
	(pc) =	sbr.rel @p1 .LBB2_1-.Ltmp1, $4  }
0x56: {  	[hbm4b:s11+s14] =	stream.linear.scatter @!p0 [tilespmem:s15], [sflag:$0x3], $0x4000, $0x38;
	[tilespmem:$0x8100] =	vst v63  }
0x57: {  	_ =	swait.ge @!p0 [sflag:s10], $0x4000  }
0x58: {  	[sflag:s10] =	ssyncset.done @!p0 $0x0  }
0x59: {  	[sflag:s10] =	ssyncadd.s32 @!p0 $0xFFFFC000  }
0x5a: {  	_ =	sfence.sel $0x180000  }
0x5b: {  	[bflag:$0x0] =	sbarrier.arrive $0xFFFF  }
0x5c: {  	p0 =	sne.s32 s2, $0x0;
	_ =	strace $0x9000004D  }
0x5d: {  	s0 =	sadd.s32 @!p0 $0x100000, s0;
	[bflag:$0x2] =	sbarrier.arrive $0xFFFF  }
0x5e: {  	[sflag:s0] =	ssyncadd.tile.s32 @!p0 $0x1;
	_ =	shalt  }
.Lfunc_end2:
_tile_overlayer_lowered:
.L_overlay_start_2:
0x5f: {  	(tag) =	ssettag $0x2  }
0x60: {  	s0 =	rddreg [dreg:$0x0];
	s2 =	stileid.u32  }
0x61: {  	s1 =	rddreg [dreg:$0x1];
	p0 =	sne.s32 s2, $0x0  }
0x62: {  	s3 =	rddreg [dreg:$0x2];
	[bflag:$0x3] =	sbarrier.arrive $0xFFFF;
	s2 =	simm.s32 @!p0 $0x1C03  }
0x63: {  	[timem:s3], [sflag:s2] =	dma.local @!p0 [hbm:s0], s1  }
0x64: {  	s0 =	simm.s32 @!p0 $0x3  }
0x65: {  	_ =	swait.ge @!p0 [sflag:s0], s1  }
0x66: {  	s1 =	ssub.s32 @!p0 $0x0, s1;
	[sflag:s0] =	ssyncset.done @!p0 $0x0  }
0x67: {  	[sflag:s0] =	ssyncadd.s32 @!p0 s1  }
0x68: {  	[bflag:$0x3] =	sbarrier.arrive $0xFFFF  }
0x69: {  	_ =	shalt  }

// kernel: kernel.24.cloned.1.call-start
scs
__scs_entry_jumppad:
0x0: {  	(pc) =	sbr.rel $0x88, $3  }
0x1: {  	(tag) =	ssettag $0x0;
	lr =	simm.s32 $0x1  }
0x2: {  	[smem:$0x3F8E] =	sst lr;
	_ =	strace $0xD0000000  }
0x3: {  	_ = 	snop  }
0x4: {  	_ = 	snop  }
0x5: {  	_ = 	snop  }
0x6: {  	_ = 	snop  }
0x7: {  	_ = 	snop  }
__scs_overlays_trampoline_lowered:
0x8: {  	[smem:$0x3F9D] =	sst s0  }
0x9: {  	[smem:$0x3F9E] =	sst s1  }
0xa: {  	[smem:$0x3F9F] =	sst s2  }
0xb: {  	[smem:$0x3FA0] =	sst s3  }
0xc: {  	[smem:$0x3FA1] =	sst s4  }
0xd: {  	[smem:$0x3FA2] =	sst s5  }
0xe: {  	[smem:$0x3FA3] =	sst s6  }
0xf: {  	[smem:$0x3FA4] =	sst s7  }
0x10: {  	[smem:$0x3FA5] =	sst s8  }
0x11: {  	[smem:$0x3FA6] =	sst s9;
	s0 =	simm.s32 @!p0 $0x0  }
0x12: {  	s1 =	sld [smem:$0x3F8C];
	s0 =	simm.s32 @p0 $0x1  }
0x13: {  	[smem:$0x3FA7] =	sst s0;
	s0 =	simm.s32 @!p1 $0x0  }
0x14: {  	s2 =	sld [smem:$0x3F8B];
	s0 =	simm.s32 @p1 $0x1  }
0x15: {  	[smem:$0x3FA8] =	sst s0;
	s0 =	simm.s32 @!p2 $0x0  }
0x16: {  	s3 =	sld [smem:$0x3FDB];
	s0 =	simm.s32 @p2 $0x1  }
0x17: {  	s4 =	simm.s32 $0x1BF5;
	[smem:$0x3FAA] =	sst s0  }
0x18: {  	s0 =	sld [smem:$0x3F8D];
	_ =	swait.ge [sflag:s4], $0x0  }
0x19: {  	s7 =	sld [smem:$0x3F8E]  }
0x1a: {  	s8 =	sadd.s32 $0xFFFFE003, lr  }
0x1b: {  	s9 =	sadd.s32 $0xFFFFFEF7, lr;
	s5 =	simm.s32 $0xFFFFFFFF;
	p2 =	slt.u32 s8, $0xFFFFF086  }
0x1c: {  	p1 =	slt.u32 s9, $0xF7A;
	s5 =	simm.s32 @!p2 $0x0  }
0x1d: {  	s5 =	simm.s32 @p1 $0x1;
	p0 =	seq.s32 s7, s2  }
0x1e: {  	s7 =	smul.u32 @!p0 $0xF7A, s2;
	p2 =	seq.s32 @!p0 s5, $0x0  }
0x1f: {  	s9 =	smul.u32 $0xF7A, s1;
	s8 =	simm.s32 @!p0 $0x1BF5;
	p2 =	por !p2, p0  }
0x20: {  	[sflag:s8] =	ssyncset.s32 @!p0 $0xFFFFF086;
	s6 =	sadd.s32 @!p0 s3, s7;
	s7 =	simm.s32 @!p0 $0x108  }
0x21: {  	s3 =	sadd.s32 s3, s9;
	s6 =	sadd.s32 @!p0 $0x88, s6;
	s7 =	simm.s32 @p2 $0x1082  }
0x22: {  	[simem:s7], [sflag:s8] =	dma.local @!p0 [hbm:s6], $0xF7A  }
0x23: {  	s9 =	sor.u32 $0xD0000000, s2;
	s6 =	simm.s32 $0x108;
	_ =	swait.ge @!p0 [sflag:s8], $0x0  }
0x24: {  	s3 =	sadd.s32 $0x88, s3;
	s6 =	simm.s32 @!p1 $0x1082;
	[sflag:s4] =	ssyncset.s32 $0xFFFFF086  }
0x25: {  	[simem:s6], [sflag:s4] =	dma.local [hbm:s3], $0xF7A  }
0x26: {  	[smem:$0x3F8E] =	sst s1;
	(tag) =	ssettag s2;
	_ =	strace s9  }
0x27: {  	s1 =	sld [smem:$0x3F9E]  }
0x28: {  	s2 =	sld [smem:$0x3F9F]  }
0x29: {  	s4 =	sld [smem:$0x3FA1]  }
0x2a: {  	p0 =	seq.s32 s5, $0x0;
	s5 =	sld [smem:$0x3FA2]  }
0x2b: {  	s6 =	sld [smem:$0x3FA3]  }
0x2c: {  	s7 =	sld [smem:$0x3FA4]  }
0x2d: {  	s3 =	simm.s32 $0x108;
	s8 =	sld [smem:$0x3FA5]  }
0x2e: {  	s3 =	simm.s32 @!p0 $0x1082;
	s9 =	sld [smem:$0x3FA6]  }
0x2f: {  	lr =	sadd.s32 s0, s3;
	s0 =	sld [smem:$0x3F9D]  }
0x30: {  	s3 =	sld [smem:$0x3FA0]  }
0x31: {  	[smem:$0x3FA9] =	sst s10  }
0x32: {  	s10 =	sld [smem:$0x3FA7];
	_ =	sdelay $0x3  }
0x33: {  	p0 =	seq.s32 s10, $0x1;
	s10 =	sld [smem:$0x3FA9];
	_ =	sdelay $0x3  }
0x34: {  	[smem:$0x3FA9] =	sst s10  }
0x35: {  	s10 =	sld [smem:$0x3FA8];
	_ =	sdelay $0x3  }
0x36: {  	p1 =	seq.s32 s10, $0x1;
	s10 =	sld [smem:$0x3FA9];
	_ =	sdelay $0x3  }
0x37: {  	[smem:$0x3FA9] =	sst s10  }
0x38: {  	s10 =	sld [smem:$0x3FAA]  }
0x39: {  	_ = 	snop;
	(pc) =	sbr.ind lr, $3  }
0x3a: {  	_ = 	snop  }
0x3b: {  	_ = 	snop  }
0x3c: {  	p2 =	seq.s32 s10, $0x1;
	s10 =	sld [smem:$0x3FA9]  }
0x3d: {  	_ =	shalt  }
0x3e: {  	_ =	shalt  }
0x3f: {  	_ =	shalt  }
0x40: {  	_ =	shalt  }
0x41: {  	_ =	shalt  }
0x42: {  	_ =	shalt  }
0x43: {  	_ =	shalt  }
0x44: {  	_ =	shalt  }
0x45: {  	_ =	shalt  }
0x46: {  	_ =	shalt  }
0x47: {  	_ =	shalt  }
0x48: {  	_ =	shalt  }
0x49: {  	_ =	shalt  }
0x4a: {  	_ =	shalt  }
0x4b: {  	_ =	shalt  }
0x4c: {  	_ =	shalt  }
0x4d: {  	_ =	shalt  }
0x4e: {  	_ =	shalt  }
0x4f: {  	_ =	shalt  }
0x50: {  	_ =	shalt  }
0x51: {  	_ =	shalt  }
0x52: {  	_ =	shalt  }
0x53: {  	_ =	shalt  }
0x54: {  	_ =	shalt  }
0x55: {  	_ =	shalt  }
0x56: {  	_ =	shalt  }
0x57: {  	_ =	shalt  }
0x58: {  	_ =	shalt  }
0x59: {  	_ =	shalt  }
0x5a: {  	_ =	shalt  }
0x5b: {  	_ =	shalt  }
0x5c: {  	_ =	shalt  }
0x5d: {  	_ =	shalt  }
0x5e: {  	_ =	shalt  }
0x5f: {  	_ =	shalt  }
0x60: {  	_ =	shalt  }
0x61: {  	_ =	shalt  }
0x62: {  	_ =	shalt  }
0x63: {  	_ =	shalt  }
0x64: {  	_ =	shalt  }
0x65: {  	_ =	shalt  }
0x66: {  	_ =	shalt  }
0x67: {  	_ =	shalt  }
0x68: {  	_ =	shalt  }
0x69: {  	_ =	shalt  }
0x6a: {  	_ =	shalt  }
0x6b: {  	_ =	shalt  }
0x6c: {  	_ =	shalt  }
0x6d: {  	_ =	shalt  }
0x6e: {  	_ =	shalt  }
0x6f: {  	_ =	shalt  }
0x70: {  	_ =	shalt  }
0x71: {  	_ =	shalt  }
0x72: {  	_ =	shalt  }
0x73: {  	_ =	shalt  }
0x74: {  	_ =	shalt  }
0x75: {  	_ =	shalt  }
0x76: {  	_ =	shalt  }
0x77: {  	_ =	shalt  }
0x78: {  	_ =	shalt  }
0x79: {  	_ =	shalt  }
0x7a: {  	_ =	shalt  }
0x7b: {  	_ =	shalt  }
0x7c: {  	_ =	shalt  }
0x7d: {  	_ =	shalt  }
0x7e: {  	_ =	shalt  }
0x7f: {  	_ =	shalt  }
0x80: {  	_ =	shalt  }
0x81: {  	_ =	shalt  }
0x82: {  	_ =	shalt  }
0x83: {  	_ =	shalt  }
0x84: {  	_ =	shalt  }
0x85: {  	_ =	shalt  }
0x86: {  	_ =	shalt  }
0x87: {  	_ =	shalt  }
.Lfunc_end0:
.L_simem_size_0:
called_computation.3_lowered:
.L_overlay_start_0:
0x88: {  	s2 =	sld [smem:$0x3FD9]  }
0x89: {  	s3 =	sld [smem:$0x3FFE];
	_ =	sdelay $0x1  }
0x8a: {  	s1 =	srdreg.scid  }
0x8b: {  	s0 =	sand.u32 $0x1, s1  }
0x8c: {  	s16 =	sshll.u32 s0, $0xA;
	s2 =	sadd.s32 s3, s2  }
0x8d: {  	s2 =	sadd.s32 s2, s16  }
0x8e: {  	[smem:$0x3FB5] =	sst s2  }
0x8f: {  	_ = 	snop  }
0x90: {  	(tm) =	ssettm $0x1  }
0x91: {  	s17 =	sld [smem:$0x3FFB];
	_ =	sdelay $0x3  }
0x92: {  	_ =	strace s17  }
0x93: {  	s2 =	sld [smem:$0x3FFC];
	_ =	sdelay $0x3  }
0x94: {  	_ =	strace s2  }
0x95: {  	s2 =	sld [smem:$0x3FFD];
	_ =	sdelay $0x3  }
0x96: {  	_ =	strace s2  }
0x97: {  	_ =	strace $0x8FFFFFFF  }
0x98: {  	s18 =	sld [smem:$0x3FDB];
	_ =	sdelay $0x1  }
0x99: {  	s19 =	simm.s32 $_scs_section_size  }
0x9a: {  	s4 =	simm.s32 $_size__tile_overlayer_lowered;
	s5 =	simm.s32 $_tile_overlayer_lowered  }
0x9b: {  	s22 =	simm.s32 $0x1BFF;
	s21 =	sshll.u32 s5, $0x1;
	s2 =	sadd.s32 s19, s18  }
0x9c: {  	s6 =	simm.s32 $0x0;
	s20 =	sshll.u32 s4, $0x1;
	s4 =	sadd.s32 s21, s2  }
0x9d: {  	[timem:s6], [sflag:s22] =	dma.local [hbm:s4], s20  }
0x9e: {  	_ =	swait.ge [sflag:s22], s20  }
0x9f: {  	s3 =	ssub.s32 $0x0, s20;
	[sflag:s22] =	ssyncset.done $0x0  }
0xa0: {  	[sflag:s22] =	ssyncadd.s32 s3;
	_ =	sdelay $0x1  }
0xa1: {  	s23 =	simm.s32 $0x1B8B  }
0xa2: {  	_ =	swait.ge [sflag:s23], $0x1  }
0xa3: {  	[sflag:s23] =	ssyncset.done $0x0  }
0xa4: {  	s25 =	simm.s32 $0x1B8E;
	s24 =	sld [smem:$0x3FFE];
	[sflag:s23] =	ssyncadd.s32 $0xFFFFFFFF  }
0xa5: {  	s26 =	simm.s32 $execute0_lowered;
	[smem:$0x3FD2] =	sst s25  }
0xa6: {  	s4 =	sshll.u32 s26, $0x1;
	_ =	strace $0x8000004F;
	[dreg:$0x1] =	wrdreg $0xFFFFFFFF  }
0xa7: {  	s28 =	simm.s32 $_size_execute0_lowered;
	s2 =	sadd.s32 s2, s4;
	[dreg:$0x0] =	wrdreg $0x0  }
0xa8: {  	s4 =	sshll.u32 s28, $0x1;
	[dreg:$0x2] =	wrdreg s2  }
0xa9: {  	[dreg:$0x3] =	wrdreg s4  }
0xaa: {  	[dreg:$0x4] =	wrdreg $0xC0  }
0xab: {  	_ =	task [dreg:s6], $0x5FFFF  }
0xac: {  	[dreg:$0x1] =	wrdreg $0xFFFFFFFF  }
0xad: {  	[dreg:$0x0] =	wrdreg $0x60  }
0xae: {  	[dreg:$0x2] =	wrdreg s24  }
0xaf: {  	[dreg:$0x3] =	wrdreg $0x40800  }
0xb0: {  	[dreg:$0x4] =	wrdreg $0x9  }
0xb1: {  	_ =	task.clear_ibuf [dreg:s6], $0x5FFFF;
	_ =	strace $0x9000004F  }
0xb2: {  	s29 =	simm.s32 $0x9;
	_ =	strace $0x80000051  }
0xb3: {  	_ =	swait.ge [sflag:s29], $0x1  }
0xb4: {  	[sflag:s29] =	ssyncadd.s32 $0xFFFFFFFF  }
0xb5: {  	_ =	strace $0x90000051  }
0xb6: {  	_ =	sfence  }
0xb7: {  	s30 =	sld [smem:$0x0];
	_ =	sdelay $0x2  }
0xb8: {  	s31 =	sshll.u32 s1, $0xD;
	s1 =	sshrl.u32 s1, $0x2  }
0xb9: {  	s3 =	sand.u32 $0x4000, s31;
	s1 =	sadd.s32 s1, s30  }
0xba: {  	s0 =	sor.u32 s3, s0;
	s1 =	sshll.u32 s1, $0x11  }
0xbb: {  	s0 =	sor.u32 s1, s0  }
0xbc: {  	s0 =	sadd.s32 $0x8F2B, s0  }
0xbd: {  	[sflag:s0] =	ssyncadd.remote.s32 $0x1  }
0xbe: {  	_ =	sfence.sel $0xFFFF  }
0xbf: {  	[dreg:$0x0] =	wrdreg $0xFFFFFFFF;
	(pc) =	sbr.abs _section_cstart, $3  }
0xc0: {  	[dreg:$0x1] =	wrdreg $0xFFFFFFFF  }
0xc1: {  	_ =	task.clear_ibuf [dreg:s6], $0x2FFFF;
	_ =	strace $0x9FFFFFFF  }
0xc2: {  	(tm) =	ssettm $0x7FFFFFFF  }
0xc3: {  	_ =	shalt  }
tec
execute0_lowered:
.L_overlay_start_1:
0x0: {  	(tag) =	ssettag $0x1  }
0x1: {  	s4 =	rddreg [dreg:$0x0]  }
0x2: {  	s2 =	rddreg [dreg:$0x1]  }
0x3: {  	s0 =	rddreg [dreg:$0x2];
	s3 =	simm.s32 $0x0;
	s1 =	stileid.u32  }
0x4: {  	s22 =	srdreg.scid;
	[smem:$0x7FF] =	sst s3  }
0x5: {  	s5 =	sshll.u32 s1, $0xC;
	s21 =	sshll.u32 s1, $0x5;
	s6 =	smul.u32 $0x32000, s1  }
0x6: {  	s7 =	sadd.s32 $0x16600, s4;
	s10 =	sand.u32 $0x1, s22;
	s23 =	smul.u32 $0x1900, s1  }
0x7: {  	s9 =	sadd.s32 $0x3D800, s4;
	s14 =	sor.u32 $0x10, s1;
	s15 =	smul.u32 $0xC800, s1  }
0x8: {  	s26 =	sshll.u32 s1, $0x6;
	p0 =	sgt.u32 s1, $0x8;
	s8 =	smul.u32 $0x138800, s10  }
0x9: {  	_ =	strace $0x80000050;
	s11 =	sadd.s32 s5, s4;
	s16 =	smul.u32 $0xC800, s14  }
0xa: {  	s12 =	sadd.s32 s21, s4;
	s24 =	ssub.s32 $0x2, s10;
	s25 =	smul.u32 $0x32000, s14  }
0xb: {  	s4 =	sshll.u32 s1, $0x1;
	s14 =	smul.u32 $0x1900, s14;
	s30 =	sshll.u32 s10, $0xB  }
0xc: {  	s31 =	sshll.u32 s10, $0x4;
	s13 =	sshrl.u32 s24, $0x1;
	s6 =	sshrl.u32 s6, $0x2  }
0xd: {  	s5 =	sadd.s32 s7, s23;
	s11 =	sadd.s32 s30, s11;
	s12 =	sadd.s32 s31, s12  }
0xe: {  	s13 =	ssub.s32 s24, s13;
	s17 =	sadd.s32 s6, s2;
	s15 =	sadd.s32 s15, s8  }
0xf: {  	s16 =	sadd.s32 s8, s16;
	s18 =	sshrl.u32 s25, $0x2;
	s6 =	sor.u32 $0x1C01, s26  }
0x10: {  	s7 =	sadd.s32 s7, s14;
	s11 =	sadd.s32 $0x9E9000, s11;
	s12 =	sadd.s32 $0x11600, s12  }
0x11: {  	s14 =	simm.s32 $0x1;
	s18 =	sadd.s32 s18, s2;
	s28 =	sshrl.u32 s15, $0x3  }
0x12: {  	s29 =	sshrl.u32 s16, $0x3;
	s10 =	smax.u32 s13, $0x1;
	s13 =	sshrl.u32 s17, $0x3  }
0x13: {  	s8 =	sadd.s32 s9, s28;
	s9 =	sadd.s32 s9, s29;
	s15 =	sshrl.u32 @!p0 s18, $0x3  }
.LBB2_1:
0x14: {  	[spmem:s13], [sflag:s6] =	dma.local [hbm:s5], $0x1900  }
0x15: {  	_ =	swait.ge [sflag:s14], $0x1900  }
0x16: {  	[sflag:s14] =	ssyncset.done $0x0  }
0x17: {  	s16 =	simm.s32 @!p0 $0x1;
	[sflag:s14] =	ssyncadd.s32 $0xFFFFE700  }
0x18: {  	[spmem:s15], [sflag:s6] =	dma.local @!p0 [hbm:s7], $0x1900  }
0x19: {  	_ =	swait.ge @!p0 [sflag:s16], $0x1900  }
0x1a: {  	s17 =	sadd.s32 $0x0, s4;
	[sflag:s16] =	ssyncset.done @!p0 $0x0  }
0x1b: {  	p1 =	sgt.u32 s17, $0x4E1;
	[sflag:s16] =	ssyncadd.s32 @!p0 $0xFFFFE700  }
0x1c: {  	s18 =	simm.s32 @!p1 $0x2;
	s16 =	simm.s32 @!p1 $0x0;
	[bflag:$0x0] =	sbarrier.arrive $0xFFFF  }
0x1d: {  	[tilespmem:s16], [sflag:$0x2] =	stream.linear.gather @!p1 [hbm4b:s12+s16], $0x80, $0x38;
	[tilespmem:$0x17900] =	vst v63  }
0x1e: {  	_ =	swait.ge @!p1 [sflag:s18], $0x80  }
0x1f: {  	[sflag:s18] =	ssyncset.done @!p1 $0x0;
	p1 =	por p1, p1  }
0x20: {  	[sflag:s18] =	ssyncadd.s32 @!p1 $0xFFFFFF80;
	s20 =	simm.s32 @!p1 $0x80  }
0x21: {  	[tilespmem:s20], [sflag:$0x2] =	stream.linear.gather @!p1 [hbm4b:s11+s16], $0x4000, $0x38;
	[tilespmem:$0x17900] =	vst v63  }
0x22: {  	_ =	swait.ge @!p1 [sflag:s18], $0x4000  }
0x23: {  	[sflag:s18] =	ssyncset.done @!p1 $0x0  }
0x24: {  	s31 =	sadd.s32 $0x20, s4;
	s19 =	simm.s32 @!p1 $0x1;
	[sflag:s18] =	ssyncadd.s32 @!p1 $0xFFFFC000  }
0x25: {  	[spmem:s2] =	stream.indirect.scatter.add.f32 @!p1 [tilespmem:s20], [sflag:$0x1], $0x80, s16, s20, $0xb8;
	[tilespmem:$0x17900] =	vst v63  }
0x26: {  	s17 =	simm.s32 $0x40;
	p2 =	sgt.u32 s31, $0x4E1;
	_ =	swait.ge @!p1 [sflag:s19], $0x4000  }
0x27: {  	s18 =	sadd.s32 $0x200, s12;
	s16 =	sadd.s32 $0x10000, s11;
	[sflag:s19] =	ssyncset.done @!p1 $0x0  }
.LBB2_2:
0x28: {  	s20 =	simm.s32 @!p2 $0x0;
	s21 =	simm.s32 @!p2 $0x2;
	[sflag:s19] =	ssyncadd.s32 @!p1 $0xFFFFC000  }
0x29: {  	[tilespmem:s20], [sflag:$0x2] =	stream.linear.gather @!p2 [hbm4b:s18+s20], $0x80, $0x38;
	[tilespmem:$0x17900] =	vst v63  }
0x2a: {  	s22 =	smov.u32 s17;
	s17 =	sadd.s32 $0x20, s17;
	_ =	swait.ge @!p2 [sflag:s21], $0x80  }
0x2b: {  	p1 =	por p2, p2;
	p3 =	sne.s32 s17, $0x500;
	[sflag:s21] =	ssyncset.done @!p2 $0x0  }
0x2c: {  	s23 =	simm.s32 @!p1 $0x80;
	[sflag:s21] =	ssyncadd.s32 @!p1 $0xFFFFFF80  }
0x2d: {  	[tilespmem:s23], [sflag:$0x2] =	stream.linear.gather @!p1 [hbm4b:s16+s20], $0x4000, $0x38;
	[tilespmem:$0x17900] =	vst v63  }
0x2e: {  	_ =	swait.ge @!p1 [sflag:s21], $0x4000  }
.Ltmp0:
0x2f: {  	[sflag:s21] =	ssyncset.done @!p1 $0x0;
	(pc) =	sbr.rel @p3 .LBB2_2-.Ltmp0, $4  }
0x30: {  	s19 =	simm.s32 @!p1 $0x1;
	[sflag:s21] =	ssyncadd.s32 @!p1 $0xFFFFC000  }
0x31: {  	[spmem:s2] =	stream.indirect.scatter.add.f32 @!p1 [tilespmem:s23], [sflag:$0x1], $0x80, s20, s23, $0xb8;
	[tilespmem:$0x17900] =	vst v63  }
0x32: {  	s18 =	sadd.s32 $0x200, s18;
	s20 =	sadd.s32 s22, s4;
	_ =	swait.ge @!p1 [sflag:s19], $0x4000  }
0x33: {  	s16 =	sadd.s32 $0x10000, s16;
	p2 =	sgt.u32 s20, $0x4E1;
	[sflag:s19] =	ssyncset.done @!p1 $0x0  }
0x34: {  	s17 =	simm.s32 @!p2 $0x0;
	s20 =	simm.s32 @!p2 $0x2;
	[sflag:s19] =	ssyncadd.s32 @!p1 $0xFFFFC000  }
0x35: {  	[tilespmem:s17], [sflag:$0x2] =	stream.linear.gather @!p2 [hbm4b:s18+s17], $0x80, $0x38;
	[tilespmem:$0x17900] =	vst v63  }
0x36: {  	_ =	swait.ge @!p2 [sflag:s20], $0x80  }
0x37: {  	p1 =	por p2, p2;
	[sflag:s20] =	ssyncset.done @!p2 $0x0  }
0x38: {  	s18 =	simm.s32 @!p1 $0x80;
	[sflag:s20] =	ssyncadd.s32 @!p1 $0xFFFFFF80  }
0x39: {  	[tilespmem:s18], [sflag:$0x2] =	stream.linear.gather @!p1 [hbm4b:s16+s17], $0x4000, $0x38;
	[tilespmem:$0x17900] =	vst v63  }
0x3a: {  	_ =	swait.ge @!p1 [sflag:s20], $0x4000  }
0x3b: {  	[sflag:s20] =	ssyncset.done @!p1 $0x0  }
0x3c: {  	s16 =	simm.s32 @!p1 $0x1;
	[sflag:s20] =	ssyncadd.s32 @!p1 $0xFFFFC000  }
0x3d: {  	[spmem:s2] =	stream.indirect.scatter.add.f32 @!p1 [tilespmem:s18], [sflag:$0x1], $0x80, s17, s18, $0xb8;
	[tilespmem:$0x17900] =	vst v63  }
0x3e: {  	_ =	swait.ge @!p1 [sflag:s16], $0x4000  }
0x3f: {  	[sflag:s16] =	ssyncset.done @!p1 $0x0  }
0x40: {  	[sflag:s16] =	ssyncadd.s32 @!p1 $0xFFFFC000  }
0x41: {  	[bflag:$0x0] =	sbarrier.arrive $0xFFFF  }
0x42: {  	[hbm:s8], [sflag:s6] =	dma.local [spmem:s13], $0x1900  }
0x43: {  	s3 =	sadd.s32 $0x1, s3;
	_ =	swait.ge [sflag:s14], $0x1900  }
0x44: {  	p1 =	sne.s32 s3, s10;
	[sflag:s14] =	ssyncset.done $0x0  }
.Ltmp1:
0x45: {  	s16 =	simm.s32 @!p0 $0x1;
	[sflag:s14] =	ssyncadd.s32 $0xFFFFE700;
	(pc) =	sbr.rel @p1 .LBB2_1-.Ltmp1, $4  }
0x46: {  	[hbm:s9], [sflag:s6] =	dma.local @!p0 [spmem:s15], $0x1900  }
0x47: {  	_ =	swait.ge @!p0 [sflag:s16], $0x1900  }
0x48: {  	[sflag:s16] =	ssyncset.done @!p0 $0x0  }
0x49: {  	[sflag:s16] =	ssyncadd.s32 @!p0 $0xFFFFE700  }
0x4a: {  	_ =	sfence.sel $0x180000  }
0x4b: {  	[bflag:$0x0] =	sbarrier.arrive $0xFFFF  }
0x4c: {  	p0 =	sne.s32 s1, $0x0;
	_ =	strace $0x90000050  }
0x4d: {  	s0 =	sadd.s32 @!p0 $0x100000, s0;
	[bflag:$0x2] =	sbarrier.arrive $0xFFFF  }
0x4e: {  	[sflag:s0] =	ssyncadd.tile.s32 @!p0 $0x1;
	_ =	shalt  }
.Lfunc_end2:
_tile_overlayer_lowered:
.L_overlay_start_2:
0x4f: {  	(tag) =	ssettag $0x2  }
0x50: {  	s0 =	rddreg [dreg:$0x0];
	s2 =	stileid.u32  }
0x51: {  	s1 =	rddreg [dreg:$0x1];
	p0 =	sne.s32 s2, $0x0  }
0x52: {  	s3 =	rddreg [dreg:$0x2];
	[bflag:$0x3] =	sbarrier.arrive $0xFFFF;
	s2 =	simm.s32 @!p0 $0x1C01  }
0x53: {  	[timem:s3], [sflag:s2] =	dma.local @!p0 [hbm:s0], s1  }
0x54: {  	s0 =	simm.s32 @!p0 $0x1  }
0x55: {  	_ =	swait.ge @!p0 [sflag:s0], s1  }
0x56: {  	s1 =	ssub.s32 @!p0 $0x0, s1;
	[sflag:s0] =	ssyncset.done @!p0 $0x0  }
0x57: {  	[sflag:s0] =	ssyncadd.s32 @!p0 s1  }
0x58: {  	[bflag:$0x3] =	sbarrier.arrive $0xFFFF  }
0x59: {  	_ =	shalt  }

// kernel: kernel.27.cloned.1.call-start
scs
__scs_entry_jumppad:
0x0: {  	(pc) =	sbr.rel $0x88, $3  }
0x1: {  	(tag) =	ssettag $0x0;
	lr =	simm.s32 $0x1  }
0x2: {  	[smem:$0x3F8E] =	sst lr;
	_ =	strace $0xD0000000  }
0x3: {  	_ = 	snop  }
0x4: {  	_ = 	snop  }
0x5: {  	_ = 	snop  }
0x6: {  	_ = 	snop  }
0x7: {  	_ = 	snop  }
__scs_overlays_trampoline_lowered:
0x8: {  	[smem:$0x3F9D] =	sst s0  }
0x9: {  	[smem:$0x3F9E] =	sst s1  }
0xa: {  	[smem:$0x3F9F] =	sst s2  }
0xb: {  	[smem:$0x3FA0] =	sst s3  }
0xc: {  	[smem:$0x3FA1] =	sst s4  }
0xd: {  	[smem:$0x3FA2] =	sst s5  }
0xe: {  	[smem:$0x3FA3] =	sst s6  }
0xf: {  	[smem:$0x3FA4] =	sst s7  }
0x10: {  	[smem:$0x3FA5] =	sst s8  }
0x11: {  	[smem:$0x3FA6] =	sst s9;
	s0 =	simm.s32 @!p0 $0x0  }
0x12: {  	s1 =	sld [smem:$0x3F8C];
	s0 =	simm.s32 @p0 $0x1  }
0x13: {  	[smem:$0x3FA7] =	sst s0;
	s0 =	simm.s32 @!p1 $0x0  }
0x14: {  	s2 =	sld [smem:$0x3F8B];
	s0 =	simm.s32 @p1 $0x1  }
0x15: {  	[smem:$0x3FA8] =	sst s0;
	s0 =	simm.s32 @!p2 $0x0  }
0x16: {  	s3 =	sld [smem:$0x3FDB];
	s0 =	simm.s32 @p2 $0x1  }
0x17: {  	s4 =	simm.s32 $0x1BF5;
	[smem:$0x3FAA] =	sst s0  }
0x18: {  	s0 =	sld [smem:$0x3F8D];
	_ =	swait.ge [sflag:s4], $0x0  }
0x19: {  	s7 =	sld [smem:$0x3F8E]  }
0x1a: {  	s8 =	sadd.s32 $0xFFFFE003, lr  }
0x1b: {  	s9 =	sadd.s32 $0xFFFFFEF7, lr;
	s5 =	simm.s32 $0xFFFFFFFF;
	p2 =	slt.u32 s8, $0xFFFFF086  }
0x1c: {  	p1 =	slt.u32 s9, $0xF7A;
	s5 =	simm.s32 @!p2 $0x0  }
0x1d: {  	s5 =	simm.s32 @p1 $0x1;
	p0 =	seq.s32 s7, s2  }
0x1e: {  	s7 =	smul.u32 @!p0 $0xF7A, s2;
	p2 =	seq.s32 @!p0 s5, $0x0  }
0x1f: {  	s9 =	smul.u32 $0xF7A, s1;
	s8 =	simm.s32 @!p0 $0x1BF5;
	p2 =	por !p2, p0  }
0x20: {  	[sflag:s8] =	ssyncset.s32 @!p0 $0xFFFFF086;
	s6 =	sadd.s32 @!p0 s3, s7;
	s7 =	simm.s32 @!p0 $0x108  }
0x21: {  	s3 =	sadd.s32 s3, s9;
	s6 =	sadd.s32 @!p0 $0x88, s6;
	s7 =	simm.s32 @p2 $0x1082  }
0x22: {  	[simem:s7], [sflag:s8] =	dma.local @!p0 [hbm:s6], $0xF7A  }
0x23: {  	s9 =	sor.u32 $0xD0000000, s2;
	s6 =	simm.s32 $0x108;
	_ =	swait.ge @!p0 [sflag:s8], $0x0  }
0x24: {  	s3 =	sadd.s32 $0x88, s3;
	s6 =	simm.s32 @!p1 $0x1082;
	[sflag:s4] =	ssyncset.s32 $0xFFFFF086  }
0x25: {  	[simem:s6], [sflag:s4] =	dma.local [hbm:s3], $0xF7A  }
0x26: {  	[smem:$0x3F8E] =	sst s1;
	(tag) =	ssettag s2;
	_ =	strace s9  }
0x27: {  	s1 =	sld [smem:$0x3F9E]  }
0x28: {  	s2 =	sld [smem:$0x3F9F]  }
0x29: {  	s4 =	sld [smem:$0x3FA1]  }
0x2a: {  	p0 =	seq.s32 s5, $0x0;
	s5 =	sld [smem:$0x3FA2]  }
0x2b: {  	s6 =	sld [smem:$0x3FA3]  }
0x2c: {  	s7 =	sld [smem:$0x3FA4]  }
0x2d: {  	s3 =	simm.s32 $0x108;
	s8 =	sld [smem:$0x3FA5]  }
0x2e: {  	s3 =	simm.s32 @!p0 $0x1082;
	s9 =	sld [smem:$0x3FA6]  }
0x2f: {  	lr =	sadd.s32 s0, s3;
	s0 =	sld [smem:$0x3F9D]  }
0x30: {  	s3 =	sld [smem:$0x3FA0]  }
0x31: {  	[smem:$0x3FA9] =	sst s10  }
0x32: {  	s10 =	sld [smem:$0x3FA7];
	_ =	sdelay $0x3  }
0x33: {  	p0 =	seq.s32 s10, $0x1;
	s10 =	sld [smem:$0x3FA9];
	_ =	sdelay $0x3  }
0x34: {  	[smem:$0x3FA9] =	sst s10  }
0x35: {  	s10 =	sld [smem:$0x3FA8];
	_ =	sdelay $0x3  }
0x36: {  	p1 =	seq.s32 s10, $0x1;
	s10 =	sld [smem:$0x3FA9];
	_ =	sdelay $0x3  }
0x37: {  	[smem:$0x3FA9] =	sst s10  }
0x38: {  	s10 =	sld [smem:$0x3FAA]  }
0x39: {  	_ = 	snop;
	(pc) =	sbr.ind lr, $3  }
0x3a: {  	_ = 	snop  }
0x3b: {  	_ = 	snop  }
0x3c: {  	p2 =	seq.s32 s10, $0x1;
	s10 =	sld [smem:$0x3FA9]  }
0x3d: {  	_ =	shalt  }
0x3e: {  	_ =	shalt  }
0x3f: {  	_ =	shalt  }
0x40: {  	_ =	shalt  }
0x41: {  	_ =	shalt  }
0x42: {  	_ =	shalt  }
0x43: {  	_ =	shalt  }
0x44: {  	_ =	shalt  }
0x45: {  	_ =	shalt  }
0x46: {  	_ =	shalt  }
0x47: {  	_ =	shalt  }
0x48: {  	_ =	shalt  }
0x49: {  	_ =	shalt  }
0x4a: {  	_ =	shalt  }
0x4b: {  	_ =	shalt  }
0x4c: {  	_ =	shalt  }
0x4d: {  	_ =	shalt  }
0x4e: {  	_ =	shalt  }
0x4f: {  	_ =	shalt  }
0x50: {  	_ =	shalt  }
0x51: {  	_ =	shalt  }
0x52: {  	_ =	shalt  }
0x53: {  	_ =	shalt  }
0x54: {  	_ =	shalt  }
0x55: {  	_ =	shalt  }
0x56: {  	_ =	shalt  }
0x57: {  	_ =	shalt  }
0x58: {  	_ =	shalt  }
0x59: {  	_ =	shalt  }
0x5a: {  	_ =	shalt  }
0x5b: {  	_ =	shalt  }
0x5c: {  	_ =	shalt  }
0x5d: {  	_ =	shalt  }
0x5e: {  	_ =	shalt  }
0x5f: {  	_ =	shalt  }
0x60: {  	_ =	shalt  }
0x61: {  	_ =	shalt  }
0x62: {  	_ =	shalt  }
0x63: {  	_ =	shalt  }
0x64: {  	_ =	shalt  }
0x65: {  	_ =	shalt  }
0x66: {  	_ =	shalt  }
0x67: {  	_ =	shalt  }
0x68: {  	_ =	shalt  }
0x69: {  	_ =	shalt  }
0x6a: {  	_ =	shalt  }
0x6b: {  	_ =	shalt  }
0x6c: {  	_ =	shalt  }
0x6d: {  	_ =	shalt  }
0x6e: {  	_ =	shalt  }
0x6f: {  	_ =	shalt  }
0x70: {  	_ =	shalt  }
0x71: {  	_ =	shalt  }
0x72: {  	_ =	shalt  }
0x73: {  	_ =	shalt  }
0x74: {  	_ =	shalt  }
0x75: {  	_ =	shalt  }
0x76: {  	_ =	shalt  }
0x77: {  	_ =	shalt  }
0x78: {  	_ =	shalt  }
0x79: {  	_ =	shalt  }
0x7a: {  	_ =	shalt  }
0x7b: {  	_ =	shalt  }
0x7c: {  	_ =	shalt  }
0x7d: {  	_ =	shalt  }
0x7e: {  	_ =	shalt  }
0x7f: {  	_ =	shalt  }
0x80: {  	_ =	shalt  }
0x81: {  	_ =	shalt  }
0x82: {  	_ =	shalt  }
0x83: {  	_ =	shalt  }
0x84: {  	_ =	shalt  }
0x85: {  	_ =	shalt  }
0x86: {  	_ =	shalt  }
0x87: {  	_ =	shalt  }
.Lfunc_end0:
.L_simem_size_0:
called_computation.4_lowered:
.L_overlay_start_0:
0x88: {  	s2 =	sld [smem:$0x3FD9]  }
0x89: {  	s3 =	sld [smem:$0x3FFE];
	_ =	sdelay $0x1  }
0x8a: {  	s1 =	srdreg.scid  }
0x8b: {  	s0 =	sand.u32 $0x1, s1  }
0x8c: {  	s17 =	sshll.u32 s0, $0xA;
	s2 =	sadd.s32 s3, s2  }
0x8d: {  	s2 =	sadd.s32 s2, s17  }
0x8e: {  	[smem:$0x3FB5] =	sst s2  }
0x8f: {  	_ = 	snop  }
0x90: {  	s2 =	sld [smem:$0x3FD0];
	(tm) =	ssettm $0x1  }
0x91: {  	s18 =	sld [smem:$0x3FFB];
	_ =	sdelay $0x3  }
0x92: {  	_ =	strace s18  }
0x93: {  	s3 =	sld [smem:$0x3FFC];
	_ =	sdelay $0x3  }
0x94: {  	_ =	strace s3  }
0x95: {  	s3 =	sld [smem:$0x3FFD];
	_ =	sdelay $0x3  }
0x96: {  	_ =	strace s3  }
0x97: {  	_ =	strace $0x8FFFFFFF  }
0x98: {  	s19 =	sld [smem:$0x3FDB];
	_ =	sdelay $0x1  }
0x99: {  	s4 =	simm.s32 $_scs_section_size  }
0x9a: {  	s5 =	simm.s32 $_size__tile_overlayer_lowered;
	s6 =	simm.s32 $_tile_overlayer_lowered  }
0x9b: {  	s22 =	simm.s32 $0x1BFF;
	s21 =	sshll.u32 s6, $0x1;
	s3 =	sadd.s32 s4, s19  }
0x9c: {  	s7 =	simm.s32 $0x0;
	s20 =	sshll.u32 s5, $0x1;
	s5 =	sadd.s32 s21, s3  }
0x9d: {  	[timem:s7], [sflag:s22] =	dma.local [hbm:s5], s20  }
0x9e: {  	_ =	swait.ge [sflag:s22], s20  }
0x9f: {  	s4 =	ssub.s32 $0x0, s20;
	[sflag:s22] =	ssyncset.done $0x0  }
0xa0: {  	[sflag:s22] =	ssyncadd.s32 s4;
	_ =	sdelay $0x1  }
0xa1: {  	s23 =	simm.s32 $0x1B8B  }
0xa2: {  	_ =	swait.ge [sflag:s23], $0x1  }
0xa3: {  	[sflag:s23] =	ssyncset.done $0x0  }
0xa4: {  	s25 =	simm.s32 $0x1B8E;
	s24 =	sld [smem:$0x3FFE];
	[sflag:s23] =	ssyncadd.s32 $0xFFFFFFFF  }
0xa5: {  	s26 =	simm.s32 $execute0_lowered;
	[smem:$0x3FD2] =	sst s25  }
0xa6: {  	s5 =	sshll.u32 s26, $0x1;
	_ =	strace $0x80000052;
	[dreg:$0x1] =	wrdreg $0xFFFFFFFF  }
0xa7: {  	s28 =	simm.s32 $_size_execute0_lowered;
	s3 =	sadd.s32 s3, s5;
	[dreg:$0x0] =	wrdreg $0x0  }
0xa8: {  	s5 =	sshll.u32 s28, $0x1;
	[dreg:$0x2] =	wrdreg s3  }
0xa9: {  	[dreg:$0x3] =	wrdreg s5  }
0xaa: {  	[dreg:$0x4] =	wrdreg $0xC0  }
0xab: {  	_ =	task [dreg:s7], $0x5FFFF  }
0xac: {  	[dreg:$0x1] =	wrdreg $0xFFFFFFFF  }
0xad: {  	[dreg:$0x0] =	wrdreg $0x60  }
0xae: {  	[dreg:$0x2] =	wrdreg s2  }
0xaf: {  	[dreg:$0x3] =	wrdreg s24  }
0xb0: {  	[dreg:$0x4] =	wrdreg $0x9  }
0xb1: {  	_ =	task.clear_ibuf [dreg:s7], $0x5FFFF;
	_ =	strace $0x90000052  }
0xb2: {  	s29 =	simm.s32 $0x9;
	_ =	strace $0x80000054  }
0xb3: {  	_ =	swait.ge [sflag:s29], $0x1  }
0xb4: {  	[sflag:s29] =	ssyncadd.s32 $0xFFFFFFFF  }
0xb5: {  	_ =	strace $0x90000054  }
0xb6: {  	_ =	sfence  }
0xb7: {  	s30 =	sld [smem:$0x0];
	_ =	sdelay $0x2  }
0xb8: {  	s31 =	sshll.u32 s1, $0xD;
	s1 =	sshrl.u32 s1, $0x2  }
0xb9: {  	s3 =	sand.u32 $0x4000, s31;
	s1 =	sadd.s32 s1, s30  }
0xba: {  	s0 =	sor.u32 s3, s0;
	s1 =	sshll.u32 s1, $0x11  }
0xbb: {  	s0 =	sor.u32 s1, s0  }
0xbc: {  	s0 =	sadd.s32 $0x8F2B, s0  }
0xbd: {  	[sflag:s0] =	ssyncadd.remote.s32 $0x1  }
0xbe: {  	_ =	sfence.sel $0xFFFF  }
0xbf: {  	[dreg:$0x0] =	wrdreg $0xFFFFFFFF;
	(pc) =	sbr.abs _section_cstart, $3  }
0xc0: {  	[dreg:$0x1] =	wrdreg $0xFFFFFFFF  }
0xc1: {  	_ =	task.clear_ibuf [dreg:s7], $0x2FFFF;
	_ =	strace $0x9FFFFFFF  }
0xc2: {  	(tm) =	ssettm $0x7FFFFFFF  }
0xc3: {  	_ =	shalt  }
tec
execute0_lowered:
.L_overlay_start_1:
0x0: {  	(tag) =	ssettag $0x1  }
0x1: {  	s1 =	rddreg [dreg:$0x0]  }
0x2: {  	s4 =	rddreg [dreg:$0x1]  }
0x3: {  	s0 =	rddreg [dreg:$0x2];
	s3 =	simm.s32 $0x0;
	s5 =	srdreg.scid  }
0x4: {  	s2 =	stileid.u32;
	[smem:$0x7FF] =	sst s3;
	s5 =	sand.u32 $0x1, s5  }
0x5: {  	s6 =	sshll.u32 s2, $0x5;
	s8 =	sshll.u32 s2, $0xC;
	_ =	strace $0x80000053  }
0x6: {  	s7 =	ssub.s32 $0x2, s5;
	s6 =	sadd.s32 s6, s4;
	s8 =	sadd.s32 s8, s4  }
0x7: {  	s31 =	sshll.u32 s5, $0x4;
	s10 =	sshll.u32 s5, $0xB;
	s9 =	sshrl.u32 s7, $0x1  }
0x8: {  	s4 =	sshll.u32 s2, $0x1;
	s10 =	sadd.s32 s10, s8;
	s7 =	ssub.s32 s7, s9  }
0x9: {  	s9 =	sadd.s32 s31, s6;
	s8 =	sadd.s32 $0x778000, s10;
	s5 =	smax.u32 s7, $0x1  }
0xa: {  	s6 =	sadd.s32 $0x11600, s9;
	s7 =	sadd.s32 $0xC600, s9;
	s9 =	sadd.s32 $0x8FA00, s10  }
.LBB2_1:
0xb: {  	p0 =	sgt.u32 s4, $0x4E1  }
0xc: {  	s10 =	sadd.s32 @!p0 $0x0, s7;
	s11 =	simm.s32 @!p0 $0x0;
	s14 =	simm.s32 @!p0 $0x4  }
0xd: {  	[tilespmem:s11], [sflag:$0x4] =	stream.linear.gather @!p0 [hbm4b:s10+s11], $0x80, $0x38;
	[tilespmem:$0x8100] =	vst v63  }
0xe: {  	_ =	swait.ge @!p0 [sflag:s14], $0x80;
	p0 =	por p0, p0  }
0xf: {  	[sflag:s14] =	ssyncset.done @!p0 $0x0  }
0x10: {  	s10 =	sadd.s32 @!p0 $0x0, s6;
	s12 =	simm.s32 @!p0 $0x80;
	[sflag:s14] =	ssyncadd.s32 @!p0 $0xFFFFFF80  }
0x11: {  	[tilespmem:s12], [sflag:$0x4] =	stream.linear.gather @!p0 [hbm4b:s10+s11], $0x80, $0x38;
	[tilespmem:$0x8100] =	vst v63  }
0x12: {  	_ =	swait.ge @!p0 [sflag:s14], $0x80  }
0x13: {  	[sflag:s14] =	ssyncset.done @!p0 $0x0  }
0x14: {  	s10 =	simm.s32 @!p0 $0x100;
	[sflag:s14] =	ssyncadd.s32 @!p0 $0xFFFFFF80  }
0x15: {  	[tilespmem:s10], [sflag:$0x1] =	stream.indirect.gather @!p0 [hbm4b:s1+s12], $0x80, s11, s12, $0xb8;
	[tilespmem:$0x8100] =	vst v63  }
0x16: {  	s15 =	simm.s32 @!p0 $0x4100;
	s13 =	simm.s32 @!p0 $0x1  }
0x17: {  	[tilespmem:s15], [sflag:$0x2] =	stream.indirect.gather @!p0 [hbm4b:s1+s12], $0x80, s12, s12, $0xb8;
	[tilespmem:$0x8100] =	vst v63  }
0x18: {  	_ =	swait.ge @!p0 [sflag:s13], $0x4000  }
0x19: {  	[sflag:s13] =	ssyncset.done @!p0 $0x0  }
0x1a: {  	s12 =	simm.s32 @!p0 $0x2;
	[sflag:s13] =	ssyncadd.s32 @!p0 $0xFFFFC000  }
0x1b: {  	_ =	swait.ge @!p0 [sflag:s12], $0x4000  }
0x1c: {  	[sflag:s12] =	ssyncset.done @!p0 $0x0  }
0x1d: {  	[sflag:s12] =	ssyncadd.s32 @!p0 $0xFFFFC000  }
0x1e: {  	[hbm4b:s9+s11] =	stream.linear.scatter @!p0 [tilespmem:s10], [sflag:$0x4], $0x4000, $0x38;
	[tilespmem:$0x8100] =	vst v63  }
0x1f: {  	_ =	swait.ge @!p0 [sflag:s14], $0x4000  }
0x20: {  	[sflag:s14] =	ssyncset.done @!p0 $0x0  }
0x21: {  	s13 =	simm.s32 $0x400;
	s12 =	simm.s32 $0x200;
	[sflag:s14] =	ssyncadd.s32 @!p0 $0xFFFFC000  }
0x22: {  	[hbm4b:s8+s11] =	stream.linear.scatter @!p0 [tilespmem:s15], [sflag:$0x3], $0x4000, $0x38;
	[tilespmem:$0x8100] =	vst v63  }
0x23: {  	s10 =	sadd.s32 $0x10000, s9;
	s14 =	sadd.s32 $0x20, s4;
	s15 =	simm.s32 @!p0 $0x3  }
0x24: {  	p2 =	sgt.u32 s14, $0x4E1;
	s11 =	sadd.s32 $0x10000, s8;
	_ =	swait.ge @!p0 [sflag:s15], $0x4000  }
.LBB2_2:
0x25: {  	s16 =	sadd.s32 @!p2 s12, s7  }
0x26: {  	s17 =	simm.s32 @!p2 $0x0;
	[sflag:s15] =	ssyncset.done @!p0 $0x0;
	s18 =	smov.u32 s13  }
0x27: {  	s13 =	sadd.s32 $0x200, s13;
	s19 =	simm.s32 @!p2 $0x4;
	[sflag:s15] =	ssyncadd.s32 @!p0 $0xFFFFC000  }
0x28: {  	[tilespmem:s17], [sflag:$0x4] =	stream.linear.gather @!p2 [hbm4b:s16+s17], $0x80, $0x38;
	[tilespmem:$0x8100] =	vst v63  }
0x29: {  	p1 =	sne.s32 s13, $0x5000;
	p0 =	por p2, p2;
	_ =	swait.ge @!p2 [sflag:s19], $0x80  }
0x2a: {  	[sflag:s19] =	ssyncset.done @!p0 $0x0  }
0x2b: {  	s12 =	sadd.s32 @!p0 s12, s6;
	s15 =	simm.s32 @!p0 $0x80;
	[sflag:s19] =	ssyncadd.s32 @!p0 $0xFFFFFF80  }
0x2c: {  	[tilespmem:s15], [sflag:$0x4] =	stream.linear.gather @!p0 [hbm4b:s12+s17], $0x80, $0x38;
	[tilespmem:$0x8100] =	vst v63  }
0x2d: {  	s12 =	smov.u32 s18;
	_ =	swait.ge @!p0 [sflag:s19], $0x80  }
0x2e: {  	[sflag:s19] =	ssyncset.done @!p0 $0x0  }
0x2f: {  	s16 =	simm.s32 @!p0 $0x100;
	[sflag:s19] =	ssyncadd.s32 @!p0 $0xFFFFFF80  }
0x30: {  	[tilespmem:s16], [sflag:$0x1] =	stream.indirect.gather @!p0 [hbm4b:s1+s15], $0x80, s17, s15, $0xb8;
	[tilespmem:$0x8100] =	vst v63  }
0x31: {  	s20 =	simm.s32 @!p0 $0x1;
	s18 =	simm.s32 @!p0 $0x4100  }
0x32: {  	[tilespmem:s18], [sflag:$0x2] =	stream.indirect.gather @!p0 [hbm4b:s1+s15], $0x80, s15, s15, $0xb8;
	[tilespmem:$0x8100] =	vst v63  }
0x33: {  	_ =	swait.ge @!p0 [sflag:s20], $0x4000  }
0x34: {  	[sflag:s20] =	ssyncset.done @!p0 $0x0  }
0x35: {  	s15 =	simm.s32 @!p0 $0x2;
	[sflag:s20] =	ssyncadd.s32 @!p0 $0xFFFFC000  }
0x36: {  	_ =	swait.ge @!p0 [sflag:s15], $0x4000  }
0x37: {  	[sflag:s15] =	ssyncset.done @!p0 $0x0  }
0x38: {  	[sflag:s15] =	ssyncadd.s32 @!p0 $0xFFFFC000  }
0x39: {  	[hbm4b:s10+s17] =	stream.linear.scatter @!p0 [tilespmem:s16], [sflag:$0x4], $0x4000, $0x38;
	[tilespmem:$0x8100] =	vst v63  }
.Ltmp0:
0x3a: {  	_ =	swait.ge @!p0 [sflag:s19], $0x4000;
	(pc) =	sbr.rel @p1 .LBB2_2-.Ltmp0, $4  }
0x3b: {  	s10 =	sadd.s32 $0x10000, s10;
	[sflag:s19] =	ssyncset.done @!p0 $0x0  }
0x3c: {  	s14 =	sadd.s32 $0x20, s14;
	s15 =	simm.s32 @!p0 $0x3;
	[sflag:s19] =	ssyncadd.s32 @!p0 $0xFFFFC000  }
0x3d: {  	[hbm4b:s11+s17] =	stream.linear.scatter @!p0 [tilespmem:s18], [sflag:$0x3], $0x4000, $0x38;
	[tilespmem:$0x8100] =	vst v63  }
0x3e: {  	p2 =	sgt.u32 s14, $0x4E1;
	s11 =	sadd.s32 $0x10000, s11;
	_ =	swait.ge @!p0 [sflag:s15], $0x4000  }
0x3f: {  	s13 =	sadd.s32 @!p2 s12, s7;
	[sflag:s15] =	ssyncset.done @!p0 $0x0  }
0x40: {  	s14 =	simm.s32 @!p2 $0x0;
	s16 =	simm.s32 @!p2 $0x4;
	[sflag:s15] =	ssyncadd.s32 @!p0 $0xFFFFC000  }
0x41: {  	[tilespmem:s14], [sflag:$0x4] =	stream.linear.gather @!p2 [hbm4b:s13+s14], $0x80, $0x38;
	[tilespmem:$0x8100] =	vst v63  }
0x42: {  	p0 =	por p2, p2;
	_ =	swait.ge @!p2 [sflag:s16], $0x80  }
0x43: {  	[sflag:s16] =	ssyncset.done @!p0 $0x0  }
0x44: {  	s12 =	sadd.s32 @!p0 s12, s6;
	s13 =	simm.s32 @!p0 $0x80;
	[sflag:s16] =	ssyncadd.s32 @!p0 $0xFFFFFF80  }
0x45: {  	[tilespmem:s13], [sflag:$0x4] =	stream.linear.gather @!p0 [hbm4b:s12+s14], $0x80, $0x38;
	[tilespmem:$0x8100] =	vst v63  }
0x46: {  	_ =	swait.ge @!p0 [sflag:s16], $0x80  }
0x47: {  	[sflag:s16] =	ssyncset.done @!p0 $0x0  }
0x48: {  	s12 =	simm.s32 @!p0 $0x100;
	[sflag:s16] =	ssyncadd.s32 @!p0 $0xFFFFFF80  }
0x49: {  	[tilespmem:s12], [sflag:$0x1] =	stream.indirect.gather @!p0 [hbm4b:s1+s13], $0x80, s14, s13, $0xb8;
	[tilespmem:$0x8100] =	vst v63  }
0x4a: {  	s15 =	simm.s32 @!p0 $0x4100;
	s17 =	simm.s32 @!p0 $0x1  }
0x4b: {  	[tilespmem:s15], [sflag:$0x2] =	stream.indirect.gather @!p0 [hbm4b:s1+s13], $0x80, s13, s13, $0xb8;
	[tilespmem:$0x8100] =	vst v63  }
0x4c: {  	_ =	swait.ge @!p0 [sflag:s17], $0x4000  }
0x4d: {  	[sflag:s17] =	ssyncset.done @!p0 $0x0  }
0x4e: {  	s13 =	simm.s32 @!p0 $0x2;
	[sflag:s17] =	ssyncadd.s32 @!p0 $0xFFFFC000  }
0x4f: {  	_ =	swait.ge @!p0 [sflag:s13], $0x4000  }
0x50: {  	[sflag:s13] =	ssyncset.done @!p0 $0x0  }
0x51: {  	[sflag:s13] =	ssyncadd.s32 @!p0 $0xFFFFC000  }
0x52: {  	[hbm4b:s10+s14] =	stream.linear.scatter @!p0 [tilespmem:s12], [sflag:$0x4], $0x4000, $0x38;
	[tilespmem:$0x8100] =	vst v63  }
0x53: {  	s3 =	sadd.s32 $0x1, s3;
	_ =	swait.ge @!p0 [sflag:s16], $0x4000  }
0x54: {  	p1 =	sne.s32 s3, s5;
	[sflag:s16] =	ssyncset.done @!p0 $0x0  }
.Ltmp1:
0x55: {  	s10 =	simm.s32 @!p0 $0x3;
	[sflag:s16] =	ssyncadd.s32 @!p0 $0xFFFFC000;
	(pc) =	sbr.rel @p1 .LBB2_1-.Ltmp1, $4  }
0x56: {  	[hbm4b:s11+s14] =	stream.linear.scatter @!p0 [tilespmem:s15], [sflag:$0x3], $0x4000, $0x38;
	[tilespmem:$0x8100] =	vst v63  }
0x57: {  	_ =	swait.ge @!p0 [sflag:s10], $0x4000  }
0x58: {  	[sflag:s10] =	ssyncset.done @!p0 $0x0  }
0x59: {  	[sflag:s10] =	ssyncadd.s32 @!p0 $0xFFFFC000  }
0x5a: {  	_ =	sfence.sel $0x180000  }
0x5b: {  	[bflag:$0x0] =	sbarrier.arrive $0xFFFF  }
0x5c: {  	p0 =	sne.s32 s2, $0x0;
	_ =	strace $0x90000053  }
0x5d: {  	s0 =	sadd.s32 @!p0 $0x100000, s0;
	[bflag:$0x2] =	sbarrier.arrive $0xFFFF  }
0x5e: {  	[sflag:s0] =	ssyncadd.tile.s32 @!p0 $0x1;
	_ =	shalt  }
.Lfunc_end2:
_tile_overlayer_lowered:
.L_overlay_start_2:
0x5f: {  	(tag) =	ssettag $0x2  }
0x60: {  	s0 =	rddreg [dreg:$0x0];
	s2 =	stileid.u32  }
0x61: {  	s1 =	rddreg [dreg:$0x1];
	p0 =	sne.s32 s2, $0x0  }
0x62: {  	s3 =	rddreg [dreg:$0x2];
	[bflag:$0x3] =	sbarrier.arrive $0xFFFF;
	s2 =	simm.s32 @!p0 $0x1C03  }
0x63: {  	[timem:s3], [sflag:s2] =	dma.local @!p0 [hbm:s0], s1  }
0x64: {  	s0 =	simm.s32 @!p0 $0x3  }
0x65: {  	_ =	swait.ge @!p0 [sflag:s0], s1  }
0x66: {  	s1 =	ssub.s32 @!p0 $0x0, s1;
	[sflag:s0] =	ssyncset.done @!p0 $0x0  }
0x67: {  	[sflag:s0] =	ssyncadd.s32 @!p0 s1  }
0x68: {  	[bflag:$0x3] =	sbarrier.arrive $0xFFFF  }
0x69: {  	_ =	shalt  }

// kernel: kernel.30.cloned.1.call-start
scs
__scs_entry_jumppad:
0x0: {  	(pc) =	sbr.rel $0x88, $3  }
0x1: {  	(tag) =	ssettag $0x0;
	lr =	simm.s32 $0x1  }
0x2: {  	[smem:$0x3F8E] =	sst lr;
	_ =	strace $0xD0000000  }
0x3: {  	_ = 	snop  }
0x4: {  	_ = 	snop  }
0x5: {  	_ = 	snop  }
0x6: {  	_ = 	snop  }
0x7: {  	_ = 	snop  }
__scs_overlays_trampoline_lowered:
0x8: {  	[smem:$0x3F9D] =	sst s0  }
0x9: {  	[smem:$0x3F9E] =	sst s1  }
0xa: {  	[smem:$0x3F9F] =	sst s2  }
0xb: {  	[smem:$0x3FA0] =	sst s3  }
0xc: {  	[smem:$0x3FA1] =	sst s4  }
0xd: {  	[smem:$0x3FA2] =	sst s5  }
0xe: {  	[smem:$0x3FA3] =	sst s6  }
0xf: {  	[smem:$0x3FA4] =	sst s7  }
0x10: {  	[smem:$0x3FA5] =	sst s8  }
0x11: {  	[smem:$0x3FA6] =	sst s9;
	s0 =	simm.s32 @!p0 $0x0  }
0x12: {  	s1 =	sld [smem:$0x3F8C];
	s0 =	simm.s32 @p0 $0x1  }
0x13: {  	[smem:$0x3FA7] =	sst s0;
	s0 =	simm.s32 @!p1 $0x0  }
0x14: {  	s2 =	sld [smem:$0x3F8B];
	s0 =	simm.s32 @p1 $0x1  }
0x15: {  	[smem:$0x3FA8] =	sst s0;
	s0 =	simm.s32 @!p2 $0x0  }
0x16: {  	s3 =	sld [smem:$0x3FDB];
	s0 =	simm.s32 @p2 $0x1  }
0x17: {  	s4 =	simm.s32 $0x1BF5;
	[smem:$0x3FAA] =	sst s0  }
0x18: {  	s0 =	sld [smem:$0x3F8D];
	_ =	swait.ge [sflag:s4], $0x0  }
0x19: {  	s7 =	sld [smem:$0x3F8E]  }
0x1a: {  	s8 =	sadd.s32 $0xFFFFE003, lr  }
0x1b: {  	s9 =	sadd.s32 $0xFFFFFEF7, lr;
	s5 =	simm.s32 $0xFFFFFFFF;
	p2 =	slt.u32 s8, $0xFFFFF086  }
0x1c: {  	p1 =	slt.u32 s9, $0xF7A;
	s5 =	simm.s32 @!p2 $0x0  }
0x1d: {  	s5 =	simm.s32 @p1 $0x1;
	p0 =	seq.s32 s7, s2  }
0x1e: {  	s7 =	smul.u32 @!p0 $0xF7A, s2;
	p2 =	seq.s32 @!p0 s5, $0x0  }
0x1f: {  	s9 =	smul.u32 $0xF7A, s1;
	s8 =	simm.s32 @!p0 $0x1BF5;
	p2 =	por !p2, p0  }
0x20: {  	[sflag:s8] =	ssyncset.s32 @!p0 $0xFFFFF086;
	s6 =	sadd.s32 @!p0 s3, s7;
	s7 =	simm.s32 @!p0 $0x108  }
0x21: {  	s3 =	sadd.s32 s3, s9;
	s6 =	sadd.s32 @!p0 $0x88, s6;
	s7 =	simm.s32 @p2 $0x1082  }
0x22: {  	[simem:s7], [sflag:s8] =	dma.local @!p0 [hbm:s6], $0xF7A  }
0x23: {  	s9 =	sor.u32 $0xD0000000, s2;
	s6 =	simm.s32 $0x108;
	_ =	swait.ge @!p0 [sflag:s8], $0x0  }
0x24: {  	s3 =	sadd.s32 $0x88, s3;
	s6 =	simm.s32 @!p1 $0x1082;
	[sflag:s4] =	ssyncset.s32 $0xFFFFF086  }
0x25: {  	[simem:s6], [sflag:s4] =	dma.local [hbm:s3], $0xF7A  }
0x26: {  	[smem:$0x3F8E] =	sst s1;
	(tag) =	ssettag s2;
	_ =	strace s9  }
0x27: {  	s1 =	sld [smem:$0x3F9E]  }
0x28: {  	s2 =	sld [smem:$0x3F9F]  }
0x29: {  	s4 =	sld [smem:$0x3FA1]  }
0x2a: {  	p0 =	seq.s32 s5, $0x0;
	s5 =	sld [smem:$0x3FA2]  }
0x2b: {  	s6 =	sld [smem:$0x3FA3]  }
0x2c: {  	s7 =	sld [smem:$0x3FA4]  }
0x2d: {  	s3 =	simm.s32 $0x108;
	s8 =	sld [smem:$0x3FA5]  }
0x2e: {  	s3 =	simm.s32 @!p0 $0x1082;
	s9 =	sld [smem:$0x3FA6]  }
0x2f: {  	lr =	sadd.s32 s0, s3;
	s0 =	sld [smem:$0x3F9D]  }
0x30: {  	s3 =	sld [smem:$0x3FA0]  }
0x31: {  	[smem:$0x3FA9] =	sst s10  }
0x32: {  	s10 =	sld [smem:$0x3FA7];
	_ =	sdelay $0x3  }
0x33: {  	p0 =	seq.s32 s10, $0x1;
	s10 =	sld [smem:$0x3FA9];
	_ =	sdelay $0x3  }
0x34: {  	[smem:$0x3FA9] =	sst s10  }
0x35: {  	s10 =	sld [smem:$0x3FA8];
	_ =	sdelay $0x3  }
0x36: {  	p1 =	seq.s32 s10, $0x1;
	s10 =	sld [smem:$0x3FA9];
	_ =	sdelay $0x3  }
0x37: {  	[smem:$0x3FA9] =	sst s10  }
0x38: {  	s10 =	sld [smem:$0x3FAA]  }
0x39: {  	_ = 	snop;
	(pc) =	sbr.ind lr, $3  }
0x3a: {  	_ = 	snop  }
0x3b: {  	_ = 	snop  }
0x3c: {  	p2 =	seq.s32 s10, $0x1;
	s10 =	sld [smem:$0x3FA9]  }
0x3d: {  	_ =	shalt  }
0x3e: {  	_ =	shalt  }
0x3f: {  	_ =	shalt  }
0x40: {  	_ =	shalt  }
0x41: {  	_ =	shalt  }
0x42: {  	_ =	shalt  }
0x43: {  	_ =	shalt  }
0x44: {  	_ =	shalt  }
0x45: {  	_ =	shalt  }
0x46: {  	_ =	shalt  }
0x47: {  	_ =	shalt  }
0x48: {  	_ =	shalt  }
0x49: {  	_ =	shalt  }
0x4a: {  	_ =	shalt  }
0x4b: {  	_ =	shalt  }
0x4c: {  	_ =	shalt  }
0x4d: {  	_ =	shalt  }
0x4e: {  	_ =	shalt  }
0x4f: {  	_ =	shalt  }
0x50: {  	_ =	shalt  }
0x51: {  	_ =	shalt  }
0x52: {  	_ =	shalt  }
0x53: {  	_ =	shalt  }
0x54: {  	_ =	shalt  }
0x55: {  	_ =	shalt  }
0x56: {  	_ =	shalt  }
0x57: {  	_ =	shalt  }
0x58: {  	_ =	shalt  }
0x59: {  	_ =	shalt  }
0x5a: {  	_ =	shalt  }
0x5b: {  	_ =	shalt  }
0x5c: {  	_ =	shalt  }
0x5d: {  	_ =	shalt  }
0x5e: {  	_ =	shalt  }
0x5f: {  	_ =	shalt  }
0x60: {  	_ =	shalt  }
0x61: {  	_ =	shalt  }
0x62: {  	_ =	shalt  }
0x63: {  	_ =	shalt  }
0x64: {  	_ =	shalt  }
0x65: {  	_ =	shalt  }
0x66: {  	_ =	shalt  }
0x67: {  	_ =	shalt  }
0x68: {  	_ =	shalt  }
0x69: {  	_ =	shalt  }
0x6a: {  	_ =	shalt  }
0x6b: {  	_ =	shalt  }
0x6c: {  	_ =	shalt  }
0x6d: {  	_ =	shalt  }
0x6e: {  	_ =	shalt  }
0x6f: {  	_ =	shalt  }
0x70: {  	_ =	shalt  }
0x71: {  	_ =	shalt  }
0x72: {  	_ =	shalt  }
0x73: {  	_ =	shalt  }
0x74: {  	_ =	shalt  }
0x75: {  	_ =	shalt  }
0x76: {  	_ =	shalt  }
0x77: {  	_ =	shalt  }
0x78: {  	_ =	shalt  }
0x79: {  	_ =	shalt  }
0x7a: {  	_ =	shalt  }
0x7b: {  	_ =	shalt  }
0x7c: {  	_ =	shalt  }
0x7d: {  	_ =	shalt  }
0x7e: {  	_ =	shalt  }
0x7f: {  	_ =	shalt  }
0x80: {  	_ =	shalt  }
0x81: {  	_ =	shalt  }
0x82: {  	_ =	shalt  }
0x83: {  	_ =	shalt  }
0x84: {  	_ =	shalt  }
0x85: {  	_ =	shalt  }
0x86: {  	_ =	shalt  }
0x87: {  	_ =	shalt  }
.Lfunc_end0:
.L_simem_size_0:
called_computation.5_lowered:
.L_overlay_start_0:
0x88: {  	s2 =	sld [smem:$0x3FD9]  }
0x89: {  	s3 =	sld [smem:$0x3FFE];
	_ =	sdelay $0x1  }
0x8a: {  	s1 =	srdreg.scid  }
0x8b: {  	s0 =	sand.u32 $0x1, s1  }
0x8c: {  	s16 =	sshll.u32 s0, $0xA;
	s2 =	sadd.s32 s3, s2  }
0x8d: {  	s2 =	sadd.s32 s2, s16  }
0x8e: {  	[smem:$0x3FB5] =	sst s2  }
0x8f: {  	_ = 	snop  }
0x90: {  	(tm) =	ssettm $0x1  }
0x91: {  	s17 =	sld [smem:$0x3FFB];
	_ =	sdelay $0x3  }
0x92: {  	_ =	strace s17  }
0x93: {  	s2 =	sld [smem:$0x3FFC];
	_ =	sdelay $0x3  }
0x94: {  	_ =	strace s2  }
0x95: {  	s2 =	sld [smem:$0x3FFD];
	_ =	sdelay $0x3  }
0x96: {  	_ =	strace s2  }
0x97: {  	_ =	strace $0x8FFFFFFF  }
0x98: {  	s18 =	sld [smem:$0x3FDB];
	_ =	sdelay $0x1  }
0x99: {  	s19 =	simm.s32 $_scs_section_size  }
0x9a: {  	s4 =	simm.s32 $_size__tile_overlayer_lowered;
	s5 =	simm.s32 $_tile_overlayer_lowered  }
0x9b: {  	s22 =	simm.s32 $0x1BFF;
	s21 =	sshll.u32 s5, $0x1;
	s2 =	sadd.s32 s19, s18  }
0x9c: {  	s6 =	simm.s32 $0x0;
	s20 =	sshll.u32 s4, $0x1;
	s4 =	sadd.s32 s21, s2  }
0x9d: {  	[timem:s6], [sflag:s22] =	dma.local [hbm:s4], s20  }
0x9e: {  	_ =	swait.ge [sflag:s22], s20  }
0x9f: {  	s3 =	ssub.s32 $0x0, s20;
	[sflag:s22] =	ssyncset.done $0x0  }
0xa0: {  	[sflag:s22] =	ssyncadd.s32 s3;
	_ =	sdelay $0x1  }
0xa1: {  	s23 =	simm.s32 $0x1B8B  }
0xa2: {  	_ =	swait.ge [sflag:s23], $0x1  }
0xa3: {  	[sflag:s23] =	ssyncset.done $0x0  }
0xa4: {  	s25 =	simm.s32 $0x1B8E;
	s24 =	sld [smem:$0x3FFE];
	[sflag:s23] =	ssyncadd.s32 $0xFFFFFFFF  }
0xa5: {  	s26 =	simm.s32 $execute0_lowered;
	[smem:$0x3FD2] =	sst s25  }
0xa6: {  	s4 =	sshll.u32 s26, $0x1;
	_ =	strace $0x80000055;
	[dreg:$0x1] =	wrdreg $0xFFFFFFFF  }
0xa7: {  	s28 =	simm.s32 $_size_execute0_lowered;
	s2 =	sadd.s32 s2, s4;
	[dreg:$0x0] =	wrdreg $0x0  }
0xa8: {  	s4 =	sshll.u32 s28, $0x1;
	[dreg:$0x2] =	wrdreg s2  }
0xa9: {  	[dreg:$0x3] =	wrdreg s4  }
0xaa: {  	[dreg:$0x4] =	wrdreg $0xC0  }
0xab: {  	_ =	task [dreg:s6], $0x5FFFF  }
0xac: {  	[dreg:$0x1] =	wrdreg $0xFFFFFFFF  }
0xad: {  	[dreg:$0x0] =	wrdreg $0x60  }
0xae: {  	[dreg:$0x2] =	wrdreg s24  }
0xaf: {  	[dreg:$0x3] =	wrdreg $0x40800  }
0xb0: {  	[dreg:$0x4] =	wrdreg $0x9  }
0xb1: {  	_ =	task.clear_ibuf [dreg:s6], $0x5FFFF;
	_ =	strace $0x90000055  }
0xb2: {  	s29 =	simm.s32 $0x9;
	_ =	strace $0x80000057  }
0xb3: {  	_ =	swait.ge [sflag:s29], $0x1  }
0xb4: {  	[sflag:s29] =	ssyncadd.s32 $0xFFFFFFFF  }
0xb5: {  	_ =	strace $0x90000057  }
0xb6: {  	_ =	sfence  }
0xb7: {  	s30 =	sld [smem:$0x0];
	_ =	sdelay $0x2  }
0xb8: {  	s31 =	sshll.u32 s1, $0xD;
	s1 =	sshrl.u32 s1, $0x2  }
0xb9: {  	s3 =	sand.u32 $0x4000, s31;
	s1 =	sadd.s32 s1, s30  }
0xba: {  	s0 =	sor.u32 s3, s0;
	s1 =	sshll.u32 s1, $0x11  }
0xbb: {  	s0 =	sor.u32 s1, s0  }
0xbc: {  	s0 =	sadd.s32 $0x8F2B, s0  }
0xbd: {  	[sflag:s0] =	ssyncadd.remote.s32 $0x1  }
0xbe: {  	_ =	sfence.sel $0xFFFF  }
0xbf: {  	[dreg:$0x0] =	wrdreg $0xFFFFFFFF;
	(pc) =	sbr.abs _section_cstart, $3  }
0xc0: {  	[dreg:$0x1] =	wrdreg $0xFFFFFFFF  }
0xc1: {  	_ =	task.clear_ibuf [dreg:s6], $0x2FFFF;
	_ =	strace $0x9FFFFFFF  }
0xc2: {  	(tm) =	ssettm $0x7FFFFFFF  }
0xc3: {  	_ =	shalt  }
tec
execute0_lowered:
.L_overlay_start_1:
0x0: {  	(tag) =	ssettag $0x1  }
0x1: {  	s4 =	rddreg [dreg:$0x0]  }
0x2: {  	s2 =	rddreg [dreg:$0x1]  }
0x3: {  	s0 =	rddreg [dreg:$0x2];
	s3 =	simm.s32 $0x0;
	s1 =	stileid.u32  }
0x4: {  	s22 =	srdreg.scid;
	[smem:$0x7FF] =	sst s3  }
0x5: {  	s5 =	sshll.u32 s1, $0xC;
	s21 =	sshll.u32 s1, $0x5;
	s6 =	smul.u32 $0x32000, s1  }
0x6: {  	s7 =	sadd.s32 $0x16600, s4;
	s10 =	sand.u32 $0x1, s22;
	s23 =	smul.u32 $0x1900, s1  }
0x7: {  	s9 =	sadd.s32 $0x3D800, s4;
	s14 =	sor.u32 $0x10, s1;
	s15 =	smul.u32 $0xC800, s1  }
0x8: {  	s26 =	sshll.u32 s1, $0x6;
	p0 =	sgt.u32 s1, $0x8;
	s8 =	smul.u32 $0x138800, s10  }
0x9: {  	_ =	strace $0x80000056;
	s11 =	sadd.s32 s5, s4;
	s16 =	smul.u32 $0xC800, s14  }
0xa: {  	s12 =	sadd.s32 s21, s4;
	s24 =	ssub.s32 $0x2, s10;
	s25 =	smul.u32 $0x32000, s14  }
0xb: {  	s4 =	sshll.u32 s1, $0x1;
	s14 =	smul.u32 $0x1900, s14;
	s30 =	sshll.u32 s10, $0xB  }
0xc: {  	s31 =	sshll.u32 s10, $0x4;
	s13 =	sshrl.u32 s24, $0x1;
	s6 =	sshrl.u32 s6, $0x2  }
0xd: {  	s5 =	sadd.s32 s7, s23;
	s11 =	sadd.s32 s30, s11;
	s12 =	sadd.s32 s31, s12  }
0xe: {  	s13 =	ssub.s32 s24, s13;
	s17 =	sadd.s32 s6, s2;
	s15 =	sadd.s32 s15, s8  }
0xf: {  	s16 =	sadd.s32 s8, s16;
	s18 =	sshrl.u32 s25, $0x2;
	s6 =	sor.u32 $0x1C01, s26  }
0x10: {  	s7 =	sadd.s32 s7, s14;
	s11 =	sadd.s32 $0x9E9000, s11;
	s12 =	sadd.s32 $0x11600, s12  }
0x11: {  	s14 =	simm.s32 $0x1;
	s18 =	sadd.s32 s18, s2;
	s28 =	sshrl.u32 s15, $0x3  }
0x12: {  	s29 =	sshrl.u32 s16, $0x3;
	s10 =	smax.u32 s13, $0x1;
	s13 =	sshrl.u32 s17, $0x3  }
0x13: {  	s8 =	sadd.s32 s9, s28;
	s9 =	sadd.s32 s9, s29;
	s15 =	sshrl.u32 @!p0 s18, $0x3  }
.LBB2_1:
0x14: {  	[spmem:s13], [sflag:s6] =	dma.local [hbm:s5], $0x1900  }
0x15: {  	_ =	swait.ge [sflag:s14], $0x1900  }
0x16: {  	[sflag:s14] =	ssyncset.done $0x0  }
0x17: {  	s16 =	simm.s32 @!p0 $0x1;
	[sflag:s14] =	ssyncadd.s32 $0xFFFFE700  }
0x18: {  	[spmem:s15], [sflag:s6] =	dma.local @!p0 [hbm:s7], $0x1900  }
0x19: {  	_ =	swait.ge @!p0 [sflag:s16], $0x1900  }
0x1a: {  	s17 =	sadd.s32 $0x0, s4;
	[sflag:s16] =	ssyncset.done @!p0 $0x0  }
0x1b: {  	p1 =	sgt.u32 s17, $0x4E1;
	[sflag:s16] =	ssyncadd.s32 @!p0 $0xFFFFE700  }
0x1c: {  	s18 =	simm.s32 @!p1 $0x2;
	s16 =	simm.s32 @!p1 $0x0;
	[bflag:$0x0] =	sbarrier.arrive $0xFFFF  }
0x1d: {  	[tilespmem:s16], [sflag:$0x2] =	stream.linear.gather @!p1 [hbm4b:s12+s16], $0x80, $0x38;
	[tilespmem:$0x17900] =	vst v63  }
0x1e: {  	_ =	swait.ge @!p1 [sflag:s18], $0x80  }
0x1f: {  	[sflag:s18] =	ssyncset.done @!p1 $0x0;
	p1 =	por p1, p1  }
0x20: {  	[sflag:s18] =	ssyncadd.s32 @!p1 $0xFFFFFF80;
	s20 =	simm.s32 @!p1 $0x80  }
0x21: {  	[tilespmem:s20], [sflag:$0x2] =	stream.linear.gather @!p1 [hbm4b:s11+s16], $0x4000, $0x38;
	[tilespmem:$0x17900] =	vst v63  }
0x22: {  	_ =	swait.ge @!p1 [sflag:s18], $0x4000  }
0x23: {  	[sflag:s18] =	ssyncset.done @!p1 $0x0  }
0x24: {  	s31 =	sadd.s32 $0x20, s4;
	s19 =	simm.s32 @!p1 $0x1;
	[sflag:s18] =	ssyncadd.s32 @!p1 $0xFFFFC000  }
0x25: {  	[spmem:s2] =	stream.indirect.scatter.add.f32 @!p1 [tilespmem:s20], [sflag:$0x1], $0x80, s16, s20, $0xb8;
	[tilespmem:$0x17900] =	vst v63  }
0x26: {  	s17 =	simm.s32 $0x40;
	p2 =	sgt.u32 s31, $0x4E1;
	_ =	swait.ge @!p1 [sflag:s19], $0x4000  }
0x27: {  	s18 =	sadd.s32 $0x200, s12;
	s16 =	sadd.s32 $0x10000, s11;
	[sflag:s19] =	ssyncset.done @!p1 $0x0  }
.LBB2_2:
0x28: {  	s20 =	simm.s32 @!p2 $0x0;
	s21 =	simm.s32 @!p2 $0x2;
	[sflag:s19] =	ssyncadd.s32 @!p1 $0xFFFFC000  }
0x29: {  	[tilespmem:s20], [sflag:$0x2] =	stream.linear.gather @!p2 [hbm4b:s18+s20], $0x80, $0x38;
	[tilespmem:$0x17900] =	vst v63  }
0x2a: {  	s22 =	smov.u32 s17;
	s17 =	sadd.s32 $0x20, s17;
	_ =	swait.ge @!p2 [sflag:s21], $0x80  }
0x2b: {  	p1 =	por p2, p2;
	p3 =	sne.s32 s17, $0x500;
	[sflag:s21] =	ssyncset.done @!p2 $0x0  }
0x2c: {  	s23 =	simm.s32 @!p1 $0x80;
	[sflag:s21] =	ssyncadd.s32 @!p1 $0xFFFFFF80  }
0x2d: {  	[tilespmem:s23], [sflag:$0x2] =	stream.linear.gather @!p1 [hbm4b:s16+s20], $0x4000, $0x38;
	[tilespmem:$0x17900] =	vst v63  }
0x2e: {  	_ =	swait.ge @!p1 [sflag:s21], $0x4000  }
.Ltmp0:
0x2f: {  	[sflag:s21] =	ssyncset.done @!p1 $0x0;
	(pc) =	sbr.rel @p3 .LBB2_2-.Ltmp0, $4  }
0x30: {  	s19 =	simm.s32 @!p1 $0x1;
	[sflag:s21] =	ssyncadd.s32 @!p1 $0xFFFFC000  }
0x31: {  	[spmem:s2] =	stream.indirect.scatter.add.f32 @!p1 [tilespmem:s23], [sflag:$0x1], $0x80, s20, s23, $0xb8;
	[tilespmem:$0x17900] =	vst v63  }
0x32: {  	s18 =	sadd.s32 $0x200, s18;
	s20 =	sadd.s32 s22, s4;
	_ =	swait.ge @!p1 [sflag:s19], $0x4000  }
0x33: {  	s16 =	sadd.s32 $0x10000, s16;
	p2 =	sgt.u32 s20, $0x4E1;
	[sflag:s19] =	ssyncset.done @!p1 $0x0  }
0x34: {  	s17 =	simm.s32 @!p2 $0x0;
	s20 =	simm.s32 @!p2 $0x2;
	[sflag:s19] =	ssyncadd.s32 @!p1 $0xFFFFC000  }
0x35: {  	[tilespmem:s17], [sflag:$0x2] =	stream.linear.gather @!p2 [hbm4b:s18+s17], $0x80, $0x38;
	[tilespmem:$0x17900] =	vst v63  }
0x36: {  	_ =	swait.ge @!p2 [sflag:s20], $0x80  }
0x37: {  	p1 =	por p2, p2;
	[sflag:s20] =	ssyncset.done @!p2 $0x0  }
0x38: {  	s18 =	simm.s32 @!p1 $0x80;
	[sflag:s20] =	ssyncadd.s32 @!p1 $0xFFFFFF80  }
0x39: {  	[tilespmem:s18], [sflag:$0x2] =	stream.linear.gather @!p1 [hbm4b:s16+s17], $0x4000, $0x38;
	[tilespmem:$0x17900] =	vst v63  }
0x3a: {  	_ =	swait.ge @!p1 [sflag:s20], $0x4000  }
0x3b: {  	[sflag:s20] =	ssyncset.done @!p1 $0x0  }
0x3c: {  	s16 =	simm.s32 @!p1 $0x1;
	[sflag:s20] =	ssyncadd.s32 @!p1 $0xFFFFC000  }
0x3d: {  	[spmem:s2] =	stream.indirect.scatter.add.f32 @!p1 [tilespmem:s18], [sflag:$0x1], $0x80, s17, s18, $0xb8;
	[tilespmem:$0x17900] =	vst v63  }
0x3e: {  	_ =	swait.ge @!p1 [sflag:s16], $0x4000  }
0x3f: {  	[sflag:s16] =	ssyncset.done @!p1 $0x0  }
0x40: {  	[sflag:s16] =	ssyncadd.s32 @!p1 $0xFFFFC000  }
0x41: {  	[bflag:$0x0] =	sbarrier.arrive $0xFFFF  }
0x42: {  	[hbm:s8], [sflag:s6] =	dma.local [spmem:s13], $0x1900  }
0x43: {  	s3 =	sadd.s32 $0x1, s3;
	_ =	swait.ge [sflag:s14], $0x1900  }
0x44: {  	p1 =	sne.s32 s3, s10;
	[sflag:s14] =	ssyncset.done $0x0  }
.Ltmp1:
0x45: {  	s16 =	simm.s32 @!p0 $0x1;
	[sflag:s14] =	ssyncadd.s32 $0xFFFFE700;
	(pc) =	sbr.rel @p1 .LBB2_1-.Ltmp1, $4  }
0x46: {  	[hbm:s9], [sflag:s6] =	dma.local @!p0 [spmem:s15], $0x1900  }
0x47: {  	_ =	swait.ge @!p0 [sflag:s16], $0x1900  }
0x48: {  	[sflag:s16] =	ssyncset.done @!p0 $0x0  }
0x49: {  	[sflag:s16] =	ssyncadd.s32 @!p0 $0xFFFFE700  }
0x4a: {  	_ =	sfence.sel $0x180000  }
0x4b: {  	[bflag:$0x0] =	sbarrier.arrive $0xFFFF  }
0x4c: {  	p0 =	sne.s32 s1, $0x0;
	_ =	strace $0x90000056  }
0x4d: {  	s0 =	sadd.s32 @!p0 $0x100000, s0;
	[bflag:$0x2] =	sbarrier.arrive $0xFFFF  }
0x4e: {  	[sflag:s0] =	ssyncadd.tile.s32 @!p0 $0x1;
	_ =	shalt  }
.Lfunc_end2:
_tile_overlayer_lowered:
.L_overlay_start_2:
0x4f: {  	(tag) =	ssettag $0x2  }
0x50: {  	s0 =	rddreg [dreg:$0x0];
	s2 =	stileid.u32  }
0x51: {  	s1 =	rddreg [dreg:$0x1];
	p0 =	sne.s32 s2, $0x0  }
0x52: {  	s3 =	rddreg [dreg:$0x2];
	[bflag:$0x3] =	sbarrier.arrive $0xFFFF;
	s2 =	simm.s32 @!p0 $0x1C01  }
0x53: {  	[timem:s3], [sflag:s2] =	dma.local @!p0 [hbm:s0], s1  }
0x54: {  	s0 =	simm.s32 @!p0 $0x1  }
0x55: {  	_ =	swait.ge @!p0 [sflag:s0], s1  }
0x56: {  	s1 =	ssub.s32 @!p0 $0x0, s1;
	[sflag:s0] =	ssyncset.done @!p0 $0x0  }
0x57: {  	[sflag:s0] =	ssyncadd.s32 @!p0 s1  }
0x58: {  	[bflag:$0x3] =	sbarrier.arrive $0xFFFF  }
0x59: {  	_ =	shalt  }

</sc_bundles>
